<compile_context>
chip_gen: v7x
topology: tpu7x:2x2x1
jax: 0.10.2.dev20260603
libtpu: 0.0.44.dev20260713+nightly
codegen_flags: <defaults>
</compile_context>

<pallas_src>
import jax
import jax.numpy as jnp
from jax import lax
from jax.experimental import pallas as pl
from jax.experimental.pallas import tpu as pltpu
from jax.experimental.pallas import tpu_sc as plsc

_N = 5000
_B = 512
_NP = 5120
_NB = _NP // _B
_T = 0.3

_NC = 2
_NS = 16
_NW = _NC * _NS
_RW = _NP // _NW
_G = 2
_RG = _RW // _G
_D = 8


def _sc_gather_body(table_hbm, order_hbm, out_hbm, idx_v, rows_v, sem):
    wid = lax.axis_index("s") * _NC + lax.axis_index("c")
    base = wid * _RW
    for g in range(_G):
        pltpu.sync_copy(order_hbm.at[pl.ds(base + g * _RG, _RG)], idx_v.at[g])
    for g in range(_G):
        pltpu.async_copy(table_hbm.at[idx_v.at[g]], rows_v.at[g], sem).wait()
        pltpu.sync_copy(rows_v.at[g], out_hbm.at[pl.ds(base + g * _RG, _RG), :])


def _sc_gather(table, orderp):
    mesh = plsc.VectorSubcoreMesh(core_axis_name="c", subcore_axis_name="s",
                                  num_cores=_NC, num_subcores=_NS)
    f = pl.kernel(
        _sc_gather_body,
        out_type=jax.ShapeDtypeStruct((_NP, _D), jnp.float32),
        mesh=mesh,
        compiler_params=pltpu.CompilerParams(use_tc_tiling_on_sc=False),
        scratch_types=[
            pltpu.VMEM((_G, _RG), jnp.int32),
            pltpu.VMEM((_G, _RG, _D), jnp.float32),
            pltpu.SemaphoreType.DMA,
        ],
    )
    return f(table, orderp)


def _sup_tile_w(c0, w, x1i, y1i, x2i, y2i, ai, bt_ref):
    x1j = bt_ref[0:1, pl.ds(c0, w)]
    y1j = bt_ref[1:2, pl.ds(c0, w)]
    x2j = bt_ref[2:3, pl.ds(c0, w)]
    y2j = bt_ref[3:4, pl.ds(c0, w)]
    aj = (x2j - x1j) * (y2j - y1j)
    ww = jnp.maximum(0.0, jnp.minimum(x2i, x2j) - jnp.maximum(x1i, x1j))
    hh = jnp.maximum(0.0, jnp.minimum(y2i, y2j) - jnp.maximum(y1i, y1j))
    inter = ww * hh
    denom = ai + aj - inter + 1e-6
    return inter > _T * denom


def _nms_body(b_ref, bt_in, out_ref, keep_ref, sup_ref, bt_ref):
    rid = jax.lax.broadcasted_iota(jnp.int32, (_B, _B), 0)
    cid = jax.lax.broadcasted_iota(jnp.int32, (_B, _B), 1)
    tri = cid > rid
    eye = jnp.where(rid == cid, 1.0, 0.0)

    bt_ref[0:5, :] = bt_in[...]

    keep_ref[...] = jnp.ones((1, _NP), jnp.float32)

    for i in range(_NB):
        r0 = i * _B
        x1i = b_ref[pl.ds(r0, _B), 0:1]
        y1i = b_ref[pl.ds(r0, _B), 1:2]
        x2i = b_ref[pl.ds(r0, _B), 2:3]
        y2i = b_ref[pl.ds(r0, _B), 3:4]
        ai = (x2i - x1i) * (y2i - y1i)

        def _sup_tile(c0):
            x1j = bt_ref[0:1, pl.ds(c0, _B)]
            y1j = bt_ref[1:2, pl.ds(c0, _B)]
            x2j = bt_ref[2:3, pl.ds(c0, _B)]
            y2j = bt_ref[3:4, pl.ds(c0, _B)]
            aj = (x2j - x1j) * (y2j - y1j)
            w = jnp.maximum(0.0, jnp.minimum(x2i, x2j) - jnp.maximum(x1i, x1j))
            h = jnp.maximum(0.0, jnp.minimum(y2i, y2j) - jnp.maximum(y1i, y1j))
            inter = w * h
            denom = ai + aj - inter + 1e-6
            return inter > _T * denom

        sup_ref[...] = jnp.where(_sup_tile(r0) & tri, 1.0, 0.0)
        kb0 = keep_ref[0:1, pl.ds(r0, _B)]

        def _cond(c):
            keep, prev = c
            return jnp.any(keep != prev)

        def _step(c):
            keep, _ = c
            cnt = jnp.dot(keep, sup_ref[...],
                          preferred_element_type=jnp.float32)
            new = kb0 * jnp.where(cnt < 0.5, 1.0, 0.0)
            return (new, keep)

        warm = (kb0, jnp.full_like(kb0, -1.0))
        for _ in range(4):
            warm = _step(warm)
        keep_fin, _ = jax.lax.while_loop(_cond, _step, warm)
        keep_ref[0:1, pl.ds(r0, _B)] = keep_fin

        kcol = jax.lax.dot_general(eye, keep_fin, (((1,), (1,)), ((), ())),
                                   preferred_element_type=jnp.float32)
        nw = min(_B, _N - r0)
        out_ref[pl.ds(r0, nw), 0:4] = b_ref[pl.ds(r0, nw), 0:4] * kcol[0:nw]
        out_ref[pl.ds(r0, nw), 4:5] = b_ref[pl.ds(r0, nw), 4:5] * kcol[0:nw]

        c0 = (i + 1) * _B
        rest = _NP - c0
        while rest > 0:
            w = min(rest, 2048)
            supc = jnp.where(_sup_tile_w(c0, w, x1i, y1i, x2i, y2i, ai,
                                         bt_ref), 1.0, 0.0)
            cnt = jnp.dot(keep_fin, supc, preferred_element_type=jnp.float32)
            keep_ref[0:1, pl.ds(c0, w)] = (
                keep_ref[0:1, pl.ds(c0, w)] * jnp.where(cnt < 0.5, 1.0, 0.0))
            c0 += w
            rest -= w


def _nms_call(bsx, btp, interpret=False):
    return pl.pallas_call(
        _nms_body,
        out_shape=jax.ShapeDtypeStruct((_N, 5), jnp.float32),
        scratch_shapes=[
            pltpu.VMEM((1, _NP), jnp.float32),
            pltpu.VMEM((_B, _B), jnp.float32),
            pltpu.VMEM((8, _NP), jnp.float32),
        ],
        interpret=interpret,
    )(bsx, btp)


def kernel(boxes, scores):
    order = jnp.argsort(-scores).astype(jnp.int32)
    orderp = jnp.concatenate(
        [order, jnp.full((_NP - _N,), _N, jnp.int32)])
    table = jnp.concatenate(
        [boxes, scores[:, None],
         jnp.zeros((_N, _D - 5), jnp.float32)], axis=1)
    table = jnp.concatenate([table, jnp.zeros((8, _D), jnp.float32)], axis=0)
    bsx = _sc_gather(table, orderp)
    return _nms_call(bsx, bsx[:, 0:5].T)

# --- scband reference (transcript-rebuilt; emitter-appended) ---
"""Pipeline reference for scband-faster-rcnn-inc-18116172055068 (READ-ONLY COPY).

The authoritative reference and input builder live on the scoring server;
editing this copy changes nothing except your own understanding.
"""

import jax, jax.numpy as jnp
import numpy as np

N = 5000
IOU_THRESH = 0.3


def _iou_matrix(boxes):
    x1 = boxes[:, 0]
    y1 = boxes[:, 1]
    x2 = boxes[:, 2]
    y2 = boxes[:, 3]
    areas = (x2 - x1) * (y2 - y1)
    xx1 = jnp.maximum(x1[:, None], x1[None, :])
    yy1 = jnp.maximum(y1[:, None], y1[None, :])
    xx2 = jnp.minimum(x2[:, None], x2[None, :])
    yy2 = jnp.minimum(y2[:, None], y2[None, :])
    w = jnp.maximum(0.0, xx2 - xx1)
    h = jnp.maximum(0.0, yy2 - yy1)
    inter = w * h
    return inter / (areas[:, None] + areas[None, :] - inter + 1e-6)


def setup_inputs(seed: int = 0) -> dict:
    key = jax.random.key(seed)
    k1, k2, k3 = jax.random.split(key, 3)
    xy = jax.random.uniform(k1, (N, 2), dtype=jnp.float32) * 800.0
    wh = jax.random.uniform(k2, (N, 2), dtype=jnp.float32) * 200.0 + 1.0
    boxes = jnp.concatenate([xy, xy + wh], axis=1)
    scores = jax.random.uniform(k3, (N,), dtype=jnp.float32)
    return {"boxes": boxes, "scores": scores}


def reference(boxes, scores):
    # sort candidates by descending score (mirrors torch.sort(cls_scores, 0, True))
    order = jnp.argsort(-scores)
    b = jnp.take(boxes, order, axis=0)
    s = jnp.take(scores, order, axis=0)
    # pairwise IoU (compute_iou / nms core)
    iou = _iou_matrix(b)
    n = b.shape[0]
    idx = jnp.arange(n)

    def body(i, keep):
        ki = keep[i]
        suppress = (iou[i] > IOU_THRESH) & (idx > i) & ki
        return keep & (~suppress)

    keep = jax.lax.fori_loop(0, n, body, jnp.ones((n,), dtype=bool))
    keepf = keep.astype(b.dtype)
    # kept detections: [x1, y1, x2, y2, score], suppressed rows zeroed
    out = jnp.concatenate([b * keepf[:, None], (s * keepf)[:, None]], axis=1)
    return out

if __name__ == "__main__":
    import jax
    _d = setup_inputs()
    print(jax.jit(kernel)(*tuple(_d.values())))

</pallas_src>

<mosaic_0001>
#map = affine_map<(d0, d1) -> (0, 0)>
#map1 = affine_map<(d0, d1) -> (0)>
module attributes {stable_mosaic.version = 14 : i64} {
  func.func @_sc_gather_body(%arg0: i32, %arg1: i32, %arg2: memref<5008x8xf32, #tpu.memory_space<hbm>>, %arg3: memref<5120xi32, #tpu.memory_space<hbm>>, %arg4: memref<5120x8xf32, #tpu.memory_space<hbm>>, %arg5: memref<2x80xi32, #tpu.memory_space<vmem>>, %arg6: memref<2x80x8xf32, #tpu.memory_space<vmem>>, %arg7: memref<!tpu.dma_semaphore, #tpu.memory_space<semaphore_mem>>) attributes {dimension_semantics = [#tpu.dimension_semantics<core_parallel>, #tpu.dimension_semantics<subcore_parallel>], iteration_bounds = array<i64: 2, 16>, scalar_prefetch = 0 : i64, scratch_operands = 3 : i64, tpu.core_type = #tpu.core_type<sc_vector_subcore>, window_params = [{transform_indices = #map}, {transform_indices = #map1}, {transform_indices = #map}]} {
    %mul3A = arith.constant 2 : i32
    %mul3A_0 = arith.muli %arg1, %mul3A : i32
    %add3A = arith.addi %mul3A_0, %arg0 : i32
    %mul3A_1 = arith.constant 160 : i32
    %mul3A_2 = arith.muli %add3A, %mul3A_1 : i32
    %add3A_3 = arith.constant 0 : i32
    %add3A_4 = arith.addi %mul3A_2, %add3A_3 : i32
    %run_scoped3A = arith.constant 0 : i32
    "tpu.region"() ({
      %run_scoped3A_60 = tpu.sem_alloc : memref<!tpu.dma_semaphore, #tpu.memory_space<semaphore_mem>>
      %dma_start3A_61 = arith.constant 0 : i32
      %dma_start3A_62 = tpu.memref_slice %arg5[%run_scoped3A, %dma_start3A_61] : memref<2x80xi32, #tpu.memory_space<vmem>> -> memref<1x80xi32, #tpu.memory_space<vmem>>
      %dma_start3A_63 = tpu.memref_squeeze %dma_start3A_62 : memref<1x80xi32, #tpu.memory_space<vmem>> -> memref<80xi32, #tpu.memory_space<vmem>>
      %dma_start3A_64 = tpu.memref_slice %arg3[%add3A_4] : memref<5120xi32, #tpu.memory_space<hbm>> -> memref<80xi32, #tpu.memory_space<hbm>>
      %dma_start3A_65 = arith.constant 0 : i32
      %dma_start3A_66 = tpu.memref_slice %arg5[%run_scoped3A, %dma_start3A_65] : memref<2x80xi32, #tpu.memory_space<vmem>> -> memref<1x80xi32, #tpu.memory_space<vmem>>
      %dma_start3A_67 = tpu.memref_squeeze %dma_start3A_66 : memref<1x80xi32, #tpu.memory_space<vmem>> -> memref<80xi32, #tpu.memory_space<vmem>>
      %dma_start3A_68 = tpu.memref_slice %arg3[%add3A_4] : memref<5120xi32, #tpu.memory_space<hbm>> -> memref<80xi32, #tpu.memory_space<hbm>>
      tpu.enqueue_dma source(%dma_start3A_68 : memref<80xi32, #tpu.memory_space<hbm>>) target(%dma_start3A_67 : memref<80xi32, #tpu.memory_space<vmem>>) target_semaphore(%run_scoped3A_60 : memref<!tpu.dma_semaphore, #tpu.memory_space<semaphore_mem>>)
      %dma_wait3A_69 = arith.constant 0 : i32
      %dma_wait3A_70 = tpu.memref_slice %arg5[%run_scoped3A, %dma_wait3A_69] : memref<2x80xi32, #tpu.memory_space<vmem>> -> memref<1x80xi32, #tpu.memory_space<vmem>>
      %dma_wait3A_71 = tpu.memref_squeeze %dma_wait3A_70 : memref<1x80xi32, #tpu.memory_space<vmem>> -> memref<80xi32, #tpu.memory_space<vmem>>
      %dma_wait3A_72 = tpu.memref_slice %arg3[%add3A_4] : memref<5120xi32, #tpu.memory_space<hbm>> -> memref<80xi32, #tpu.memory_space<hbm>>
      %dma_wait3A_73 = arith.constant 0 : i32
      %dma_wait3A_74 = tpu.memref_slice %arg5[%run_scoped3A, %dma_wait3A_73] : memref<2x80xi32, #tpu.memory_space<vmem>> -> memref<1x80xi32, #tpu.memory_space<vmem>>
      %dma_wait3A_75 = tpu.memref_squeeze %dma_wait3A_74 : memref<1x80xi32, #tpu.memory_space<vmem>> -> memref<80xi32, #tpu.memory_space<vmem>>
      %dma_wait3A_76 = tpu.memref_slice %arg3[%add3A_4] : memref<5120xi32, #tpu.memory_space<hbm>> -> memref<80xi32, #tpu.memory_space<hbm>>
      tpu.wait_dma2 semaphore(%run_scoped3A_60 : memref<!tpu.dma_semaphore, #tpu.memory_space<semaphore_mem>>) src(%dma_wait3A_76 : memref<80xi32, #tpu.memory_space<hbm>>) dst(%dma_wait3A_75 : memref<80xi32, #tpu.memory_space<vmem>>)
      tpu.yield
    }) : () -> ()
    %add3A_5 = arith.constant 80 : i32
    %add3A_6 = arith.addi %mul3A_2, %add3A_5 : i32
    %run_scoped3A_7 = arith.constant 1 : i32
    "tpu.region"() ({
      %run_scoped3A_60 = tpu.sem_alloc : memref<!tpu.dma_semaphore, #tpu.memory_space<semaphore_mem>>
      %dma_start3A_61 = arith.constant 0 : i32
      %dma_start3A_62 = tpu.memref_slice %arg5[%run_scoped3A_7, %dma_start3A_61] : memref<2x80xi32, #tpu.memory_space<vmem>> -> memref<1x80xi32, #tpu.memory_space<vmem>>
      %dma_start3A_63 = tpu.memref_squeeze %dma_start3A_62 : memref<1x80xi32, #tpu.memory_space<vmem>> -> memref<80xi32, #tpu.memory_space<vmem>>
      %dma_start3A_64 = tpu.memref_slice %arg3[%add3A_6] : memref<5120xi32, #tpu.memory_space<hbm>> -> memref<80xi32, #tpu.memory_space<hbm>>
      %dma_start3A_65 = arith.constant 0 : i32
      %dma_start3A_66 = tpu.memref_slice %arg5[%run_scoped3A_7, %dma_start3A_65] : memref<2x80xi32, #tpu.memory_space<vmem>> -> memref<1x80xi32, #tpu.memory_space<vmem>>
      %dma_start3A_67 = tpu.memref_squeeze %dma_start3A_66 : memref<1x80xi32, #tpu.memory_space<vmem>> -> memref<80xi32, #tpu.memory_space<vmem>>
      %dma_start3A_68 = tpu.memref_slice %arg3[%add3A_6] : memref<5120xi32, #tpu.memory_space<hbm>> -> memref<80xi32, #tpu.memory_space<hbm>>
      tpu.enqueue_dma source(%dma_start3A_68 : memref<80xi32, #tpu.memory_space<hbm>>) target(%dma_start3A_67 : memref<80xi32, #tpu.memory_space<vmem>>) target_semaphore(%run_scoped3A_60 : memref<!tpu.dma_semaphore, #tpu.memory_space<semaphore_mem>>)
      %dma_wait3A_69 = arith.constant 0 : i32
      %dma_wait3A_70 = tpu.memref_slice %arg5[%run_scoped3A_7, %dma_wait3A_69] : memref<2x80xi32, #tpu.memory_space<vmem>> -> memref<1x80xi32, #tpu.memory_space<vmem>>
      %dma_wait3A_71 = tpu.memref_squeeze %dma_wait3A_70 : memref<1x80xi32, #tpu.memory_space<vmem>> -> memref<80xi32, #tpu.memory_space<vmem>>
      %dma_wait3A_72 = tpu.memref_slice %arg3[%add3A_6] : memref<5120xi32, #tpu.memory_space<hbm>> -> memref<80xi32, #tpu.memory_space<hbm>>
      %dma_wait3A_73 = arith.constant 0 : i32
      %dma_wait3A_74 = tpu.memref_slice %arg5[%run_scoped3A_7, %dma_wait3A_73] : memref<2x80xi32, #tpu.memory_space<vmem>> -> memref<1x80xi32, #tpu.memory_space<vmem>>
      %dma_wait3A_75 = tpu.memref_squeeze %dma_wait3A_74 : memref<1x80xi32, #tpu.memory_space<vmem>> -> memref<80xi32, #tpu.memory_space<vmem>>
      %dma_wait3A_76 = tpu.memref_slice %arg3[%add3A_6] : memref<5120xi32, #tpu.memory_space<hbm>> -> memref<80xi32, #tpu.memory_space<hbm>>
      tpu.wait_dma2 semaphore(%run_scoped3A_60 : memref<!tpu.dma_semaphore, #tpu.memory_space<semaphore_mem>>) src(%dma_wait3A_76 : memref<80xi32, #tpu.memory_space<hbm>>) dst(%dma_wait3A_75 : memref<80xi32, #tpu.memory_space<vmem>>)
      tpu.yield
    }) : () -> ()
    %dma_start3A = arith.constant 0 : i32
    %dma_start3A_8 = arith.constant 0 : i32
    %dma_start3A_9 = arith.constant 0 : i32
    %dma_start3A_10 = arith.constant 0 : i32
    %dma_start3A_11 = tpu.memref_slice %arg6[%dma_start3A_8, %dma_start3A_9, %dma_start3A_10] : memref<2x80x8xf32, #tpu.memory_space<vmem>> -> memref<1x80x8xf32, #tpu.memory_space<vmem>>
    %dma_start3A_12 = tpu.memref_squeeze %dma_start3A_11 : memref<1x80x8xf32, #tpu.memory_space<vmem>> -> memref<80x8xf32, #tpu.memory_space<vmem>>
    %dma_start3A_13 = arith.constant 0 : i32
    %dma_start3A_14 = tpu.memref_slice %arg5[%dma_start3A, %dma_start3A_13] : memref<2x80xi32, #tpu.memory_space<vmem>> -> memref<1x80xi32, #tpu.memory_space<vmem>>
    %dma_start3A_15 = tpu.memref_squeeze %dma_start3A_14 : memref<1x80xi32, #tpu.memory_space<vmem>> -> memref<80xi32, #tpu.memory_space<vmem>>
    %dma_start3A_16 = arith.constant 0 : i32
    %dma_start3A_17 = arith.constant 0 : i32
    %dma_start3A_18 = tpu.memref_slice %arg2[%dma_start3A_16, %dma_start3A_17] : memref<5008x8xf32, #tpu.memory_space<hbm>> -> memref<5008x8xf32, #tpu.memory_space<hbm>>
    tpu.enqueue_indirect_dma source(%dma_start3A_18 : memref<5008x8xf32, #tpu.memory_space<hbm>>) target(%dma_start3A_12 : memref<80x8xf32, #tpu.memory_space<vmem>>) offsets(%dma_start3A_15 : memref<80xi32, #tpu.memory_space<vmem>>) semaphore(%arg7 : memref<!tpu.dma_semaphore, #tpu.memory_space<semaphore_mem>>)
    %dma_wait3A = arith.constant 0 : i32
    %dma_wait3A_19 = arith.constant 0 : i32
    %dma_wait3A_20 = arith.constant 0 : i32
    %dma_wait3A_21 = arith.constant 0 : i32
    %dma_wait3A_22 = tpu.memref_slice %arg6[%dma_wait3A_19, %dma_wait3A_20, %dma_wait3A_21] : memref<2x80x8xf32, #tpu.memory_space<vmem>> -> memref<1x80x8xf32, #tpu.memory_space<vmem>>
    %dma_wait3A_23 = tpu.memref_squeeze %dma_wait3A_22 : memref<1x80x8xf32, #tpu.memory_space<vmem>> -> memref<80x8xf32, #tpu.memory_space<vmem>>
    %dma_wait3A_24 = arith.constant 0 : i32
    %dma_wait3A_25 = tpu.memref_slice %arg5[%dma_wait3A, %dma_wait3A_24] : memref<2x80xi32, #tpu.memory_space<vmem>> -> memref<1x80xi32, #tpu.memory_space<vmem>>
    %dma_wait3A_26 = tpu.memref_squeeze %dma_wait3A_25 : memref<1x80xi32, #tpu.memory_space<vmem>> -> memref<80xi32, #tpu.memory_space<vmem>>
    %dma_wait3A_27 = arith.constant 0 : i32
    %dma_wait3A_28 = arith.constant 0 : i32
    %dma_wait3A_29 = tpu.memref_slice %arg2[%dma_wait3A_27, %dma_wait3A_28] : memref<5008x8xf32, #tpu.memory_space<hbm>> -> memref<5008x8xf32, #tpu.memory_space<hbm>>
    tpu.wait_indirect_dma semaphore(%arg7 : memref<!tpu.dma_semaphore, #tpu.memory_space<semaphore_mem>>) src(%dma_wait3A_29 : memref<5008x8xf32, #tpu.memory_space<hbm>>) dst(%dma_wait3A_23 : memref<80x8xf32, #tpu.memory_space<vmem>>)
    %add3A_30 = arith.constant 0 : i32
    %add3A_31 = arith.addi %mul3A_2, %add3A_30 : i32
    %run_scoped3A_32 = arith.constant 0 : i32
    "tpu.region"() ({
      %run_scoped3A_60 = tpu.sem_alloc : memref<!tpu.dma_semaphore, #tpu.memory_space<semaphore_mem>>
      %dma_start3A_61 = arith.constant 0 : i32
      %dma_start3A_62 = arith.constant 0 : i32
      %dma_start3A_63 = tpu.memref_slice %arg6[%run_scoped3A_32, %dma_start3A_61, %dma_start3A_62] : memref<2x80x8xf32, #tpu.memory_space<vmem>> -> memref<1x80x8xf32, #tpu.memory_space<vmem>>
      %dma_start3A_64 = tpu.memref_squeeze %dma_start3A_63 : memref<1x80x8xf32, #tpu.memory_space<vmem>> -> memref<80x8xf32, #tpu.memory_space<vmem>>
      %dma_start3A_65 = arith.constant 0 : i32
      %dma_start3A_66 = tpu.memref_slice %arg4[%add3A_31, %dma_start3A_65] : memref<5120x8xf32, #tpu.memory_space<hbm>> -> memref<80x8xf32, #tpu.memory_space<hbm>>
      %dma_start3A_67 = arith.constant 0 : i32
      %dma_start3A_68 = tpu.memref_slice %arg4[%add3A_31, %dma_start3A_67] : memref<5120x8xf32, #tpu.memory_space<hbm>> -> memref<80x8xf32, #tpu.memory_space<hbm>>
      %dma_start3A_69 = arith.constant 0 : i32
      %dma_start3A_70 = arith.constant 0 : i32
      %dma_start3A_71 = tpu.memref_slice %arg6[%run_scoped3A_32, %dma_start3A_69, %dma_start3A_70] : memref<2x80x8xf32, #tpu.memory_space<vmem>> -> memref<1x80x8xf32, #tpu.memory_space<vmem>>
      %dma_start3A_72 = tpu.memref_squeeze %dma_start3A_71 : memref<1x80x8xf32, #tpu.memory_space<vmem>> -> memref<80x8xf32, #tpu.memory_space<vmem>>
      tpu.enqueue_dma source(%dma_start3A_72 : memref<80x8xf32, #tpu.memory_space<vmem>>) target(%dma_start3A_68 : memref<80x8xf32, #tpu.memory_space<hbm>>) target_semaphore(%run_scoped3A_60 : memref<!tpu.dma_semaphore, #tpu.memory_space<semaphore_mem>>)
      %dma_wait3A_73 = arith.constant 0 : i32
      %dma_wait3A_74 = arith.constant 0 : i32
      %dma_wait3A_75 = tpu.memref_slice %arg6[%run_scoped3A_32, %dma_wait3A_73, %dma_wait3A_74] : memref<2x80x8xf32, #tpu.memory_space<vmem>> -> memref<1x80x8xf32, #tpu.memory_space<vmem>>
      %dma_wait3A_76 = tpu.memref_squeeze %dma_wait3A_75 : memref<1x80x8xf32, #tpu.memory_space<vmem>> -> memref<80x8xf32, #tpu.memory_space<vmem>>
      %dma_wait3A_77 = arith.constant 0 : i32
      %dma_wait3A_78 = tpu.memref_slice %arg4[%add3A_31, %dma_wait3A_77] : memref<5120x8xf32, #tpu.memory_space<hbm>> -> memref<80x8xf32, #tpu.memory_space<hbm>>
      %dma_wait3A_79 = arith.constant 0 : i32
      %dma_wait3A_80 = tpu.memref_slice %arg4[%add3A_31, %dma_wait3A_79] : memref<5120x8xf32, #tpu.memory_space<hbm>> -> memref<80x8xf32, #tpu.memory_space<hbm>>
      %dma_wait3A_81 = arith.constant 0 : i32
      %dma_wait3A_82 = arith.constant 0 : i32
      %dma_wait3A_83 = tpu.memref_slice %arg6[%run_scoped3A_32, %dma_wait3A_81, %dma_wait3A_82] : memref<2x80x8xf32, #tpu.memory_space<vmem>> -> memref<1x80x8xf32, #tpu.memory_space<vmem>>
      %dma_wait3A_84 = tpu.memref_squeeze %dma_wait3A_83 : memref<1x80x8xf32, #tpu.memory_space<vmem>> -> memref<80x8xf32, #tpu.memory_space<vmem>>
      tpu.wait_dma2 semaphore(%run_scoped3A_60 : memref<!tpu.dma_semaphore, #tpu.memory_space<semaphore_mem>>) src(%dma_wait3A_84 : memref<80x8xf32, #tpu.memory_space<vmem>>) dst(%dma_wait3A_80 : memref<80x8xf32, #tpu.memory_space<hbm>>)
      tpu.yield
    }) : () -> ()
    %dma_start3A_33 = arith.constant 1 : i32
    %dma_start3A_34 = arith.constant 1 : i32
    %dma_start3A_35 = arith.constant 0 : i32
    %dma_start3A_36 = arith.constant 0 : i32
    %dma_start3A_37 = tpu.memref_slice %arg6[%dma_start3A_34, %dma_start3A_35, %dma_start3A_36] : memref<2x80x8xf32, #tpu.memory_space<vmem>> -> memref<1x80x8xf32, #tpu.memory_space<vmem>>
    %dma_start3A_38 = tpu.memref_squeeze %dma_start3A_37 : memref<1x80x8xf32, #tpu.memory_space<vmem>> -> memref<80x8xf32, #tpu.memory_space<vmem>>
    %dma_start3A_39 = arith.constant 0 : i32
    %dma_start3A_40 = tpu.memref_slice %arg5[%dma_start3A_33, %dma_start3A_39] : memref<2x80xi32, #tpu.memory_space<vmem>> -> memref<1x80xi32, #tpu.memory_space<vmem>>
    %dma_start3A_41 = tpu.memref_squeeze %dma_start3A_40 : memref<1x80xi32, #tpu.memory_space<vmem>> -> memref<80xi32, #tpu.memory_space<vmem>>
    %dma_start3A_42 = arith.constant 0 : i32
    %dma_start3A_43 = arith.constant 0 : i32
    %dma_start3A_44 = tpu.memref_slice %arg2[%dma_start3A_42, %dma_start3A_43] : memref<5008x8xf32, #tpu.memory_space<hbm>> -> memref<5008x8xf32, #tpu.memory_space<hbm>>
    tpu.enqueue_indirect_dma source(%dma_start3A_44 : memref<5008x8xf32, #tpu.memory_space<hbm>>) target(%dma_start3A_38 : memref<80x8xf32, #tpu.memory_space<vmem>>) offsets(%dma_start3A_41 : memref<80xi32, #tpu.memory_space<vmem>>) semaphore(%arg7 : memref<!tpu.dma_semaphore, #tpu.memory_space<semaphore_mem>>)
    %dma_wait3A_45 = arith.constant 1 : i32
    %dma_wait3A_46 = arith.constant 1 : i32
    %dma_wait3A_47 = arith.constant 0 : i32
    %dma_wait3A_48 = arith.constant 0 : i32
    %dma_wait3A_49 = tpu.memref_slice %arg6[%dma_wait3A_46, %dma_wait3A_47, %dma_wait3A_48] : memref<2x80x8xf32, #tpu.memory_space<vmem>> -> memref<1x80x8xf32, #tpu.memory_space<vmem>>
    %dma_wait3A_50 = tpu.memref_squeeze %dma_wait3A_49 : memref<1x80x8xf32, #tpu.memory_space<vmem>> -> memref<80x8xf32, #tpu.memory_space<vmem>>
    %dma_wait3A_51 = arith.constant 0 : i32
    %dma_wait3A_52 = tpu.memref_slice %arg5[%dma_wait3A_45, %dma_wait3A_51] : memref<2x80xi32, #tpu.memory_space<vmem>> -> memref<1x80xi32, #tpu.memory_space<vmem>>
    %dma_wait3A_53 = tpu.memref_squeeze %dma_wait3A_52 : memref<1x80xi32, #tpu.memory_space<vmem>> -> memref<80xi32, #tpu.memory_space<vmem>>
    %dma_wait3A_54 = arith.constant 0 : i32
    %dma_wait3A_55 = arith.constant 0 : i32
    %dma_wait3A_56 = tpu.memref_slice %arg2[%dma_wait3A_54, %dma_wait3A_55] : memref<5008x8xf32, #tpu.memory_space<hbm>> -> memref<5008x8xf32, #tpu.memory_space<hbm>>
    tpu.wait_indirect_dma semaphore(%arg7 : memref<!tpu.dma_semaphore, #tpu.memory_space<semaphore_mem>>) src(%dma_wait3A_56 : memref<5008x8xf32, #tpu.memory_space<hbm>>) dst(%dma_wait3A_50 : memref<80x8xf32, #tpu.memory_space<vmem>>)
    %add3A_57 = arith.constant 80 : i32
    %add3A_58 = arith.addi %mul3A_2, %add3A_57 : i32
    %run_scoped3A_59 = arith.constant 1 : i32
    "tpu.region"() ({
      %run_scoped3A_60 = tpu.sem_alloc : memref<!tpu.dma_semaphore, #tpu.memory_space<semaphore_mem>>
      %dma_start3A_61 = arith.constant 0 : i32
      %dma_start3A_62 = arith.constant 0 : i32
      %dma_start3A_63 = tpu.memref_slice %arg6[%run_scoped3A_59, %dma_start3A_61, %dma_start3A_62] : memref<2x80x8xf32, #tpu.memory_space<vmem>> -> memref<1x80x8xf32, #tpu.memory_space<vmem>>
      %dma_start3A_64 = tpu.memref_squeeze %dma_start3A_63 : memref<1x80x8xf32, #tpu.memory_space<vmem>> -> memref<80x8xf32, #tpu.memory_space<vmem>>
      %dma_start3A_65 = arith.constant 0 : i32
      %dma_start3A_66 = tpu.memref_slice %arg4[%add3A_58, %dma_start3A_65] : memref<5120x8xf32, #tpu.memory_space<hbm>> -> memref<80x8xf32, #tpu.memory_space<hbm>>
      %dma_start3A_67 = arith.constant 0 : i32
      %dma_start3A_68 = tpu.memref_slice %arg4[%add3A_58, %dma_start3A_67] : memref<5120x8xf32, #tpu.memory_space<hbm>> -> memref<80x8xf32, #tpu.memory_space<hbm>>
      %dma_start3A_69 = arith.constant 0 : i32
      %dma_start3A_70 = arith.constant 0 : i32
      %dma_start3A_71 = tpu.memref_slice %arg6[%run_scoped3A_59, %dma_start3A_69, %dma_start3A_70] : memref<2x80x8xf32, #tpu.memory_space<vmem>> -> memref<1x80x8xf32, #tpu.memory_space<vmem>>
      %dma_start3A_72 = tpu.memref_squeeze %dma_start3A_71 : memref<1x80x8xf32, #tpu.memory_space<vmem>> -> memref<80x8xf32, #tpu.memory_space<vmem>>
      tpu.enqueue_dma source(%dma_start3A_72 : memref<80x8xf32, #tpu.memory_space<vmem>>) target(%dma_start3A_68 : memref<80x8xf32, #tpu.memory_space<hbm>>) target_semaphore(%run_scoped3A_60 : memref<!tpu.dma_semaphore, #tpu.memory_space<semaphore_mem>>)
      %dma_wait3A_73 = arith.constant 0 : i32
      %dma_wait3A_74 = arith.constant 0 : i32
      %dma_wait3A_75 = tpu.memref_slice %arg6[%run_scoped3A_59, %dma_wait3A_73, %dma_wait3A_74] : memref<2x80x8xf32, #tpu.memory_space<vmem>> -> memref<1x80x8xf32, #tpu.memory_space<vmem>>
      %dma_wait3A_76 = tpu.memref_squeeze %dma_wait3A_75 : memref<1x80x8xf32, #tpu.memory_space<vmem>> -> memref<80x8xf32, #tpu.memory_space<vmem>>
      %dma_wait3A_77 = arith.constant 0 : i32
      %dma_wait3A_78 = tpu.memref_slice %arg4[%add3A_58, %dma_wait3A_77] : memref<5120x8xf32, #tpu.memory_space<hbm>> -> memref<80x8xf32, #tpu.memory_space<hbm>>
      %dma_wait3A_79 = arith.constant 0 : i32
      %dma_wait3A_80 = tpu.memref_slice %arg4[%add3A_58, %dma_wait3A_79] : memref<5120x8xf32, #tpu.memory_space<hbm>> -> memref<80x8xf32, #tpu.memory_space<hbm>>
      %dma_wait3A_81 = arith.constant 0 : i32
      %dma_wait3A_82 = arith.constant 0 : i32
      %dma_wait3A_83 = tpu.memref_slice %arg6[%run_scoped3A_59, %dma_wait3A_81, %dma_wait3A_82] : memref<2x80x8xf32, #tpu.memory_space<vmem>> -> memref<1x80x8xf32, #tpu.memory_space<vmem>>
      %dma_wait3A_84 = tpu.memref_squeeze %dma_wait3A_83 : memref<1x80x8xf32, #tpu.memory_space<vmem>> -> memref<80x8xf32, #tpu.memory_space<vmem>>
      tpu.wait_dma2 semaphore(%run_scoped3A_60 : memref<!tpu.dma_semaphore, #tpu.memory_space<semaphore_mem>>) src(%dma_wait3A_84 : memref<80x8xf32, #tpu.memory_space<vmem>>) dst(%dma_wait3A_80 : memref<80x8xf32, #tpu.memory_space<hbm>>)
      tpu.yield
    }) : () -> ()
    return
  }
}

module attributes {stable_mosaic.version = 14 : i64} {
  func.func @_nms_body(%arg0: memref<5120x8xf32, #tpu.memory_space<vmem>>, %arg1: memref<5x5120xf32, #tpu.memory_space<vmem>>, %arg2: memref<5000x5xf32, #tpu.memory_space<vmem>>, %arg3: memref<1x5120xf32, #tpu.memory_space<vmem>>, %arg4: memref<512x512xf32, #tpu.memory_space<vmem>>, %arg5: memref<8x5120xf32, #tpu.memory_space<vmem>>) attributes {dimension_semantics = [], scalar_prefetch = 0 : i64, scratch_operands = 3 : i64, tpu.core_type = #tpu.core_type<tc>} {
    %iota3A = tpu.iota {dimensions = array<i32: 0>} : vector<512x512xi32>
    %iota3A_0 = tpu.iota {dimensions = array<i32: 1>} : vector<512x512xi32>
    %gt3A = arith.cmpi sgt, %iota3A_0, %iota3A : vector<512x512xi32>
    %eq3A = arith.cmpi eq, %iota3A, %iota3A_0 : vector<512x512xi32>
    %jit3A = arith.constant 1.000000e+00 : f32
    %jit3A_1 = arith.constant 0.000000e+00 : f32
    %broadcast_in_dim3A = vector.broadcast %jit3A : f32 to vector<512x512xf32>
    %broadcast_in_dim3A_2 = vector.broadcast %jit3A_1 : f32 to vector<512x512xf32>
    %select_n3A = arith.select %eq3A, %broadcast_in_dim3A, %broadcast_in_dim3A_2 : vector<512x512xi1>, vector<512x512xf32>
    %get3A = arith.constant 0 : index
    %get3A_3 = arith.constant 0 : index
    %get3A_4 = vector.load %arg1[%get3A, %get3A_3] : memref<5x5120xf32, #tpu.memory_space<vmem>>, vector<5x5120xf32>
    %swap3A = arith.constant 0 : index
    %swap3A_5 = arith.constant 0 : index
    %swap3A_6 = vector.load %arg5[%swap3A, %swap3A_5] : memref<8x5120xf32, #tpu.memory_space<vmem>>, vector<5x5120xf32>
    tpu.vector_store %arg5[%swap3A, %swap3A_5], %get3A_4 {strides = array<i32>} : memref<8x5120xf32, #tpu.memory_space<vmem>>, vector<5x5120xf32>,
    %broadcast_in_dim3A_7 = arith.constant 1.000000e+00 : f32
    %broadcast_in_dim3A_8 = vector.broadcast %broadcast_in_dim3A_7 : f32 to vector<1x5120xf32>
    %swap3A_9 = arith.constant 0 : index
    %swap3A_10 = arith.constant 0 : index
    %swap3A_11 = vector.load %arg3[%swap3A_9, %swap3A_10] : memref<1x5120xf32, #tpu.memory_space<vmem>>, vector<1x5120xf32>
    tpu.vector_store %arg3[%swap3A_9, %swap3A_10], %broadcast_in_dim3A_8 {strides = array<i32>} : memref<1x5120xf32, #tpu.memory_space<vmem>>, vector<1x5120xf32>,
    %get3A_12 = arith.constant 0 : index
    %get3A_13 = arith.constant 0 : index
    %get3A_14 = vector.load %arg0[%get3A_12, %get3A_13] : memref<5120x8xf32, #tpu.memory_space<vmem>>, vector<512x1xf32>
    %get3A_15 = arith.constant 0 : index
    %get3A_16 = arith.constant 1 : index
    %get3A_17 = vector.load %arg0[%get3A_15, %get3A_16] : memref<5120x8xf32, #tpu.memory_space<vmem>>, vector<512x1xf32>
    %get3A_18 = arith.constant 0 : index
    %get3A_19 = arith.constant 2 : index
    %get3A_20 = vector.load %arg0[%get3A_18, %get3A_19] : memref<5120x8xf32, #tpu.memory_space<vmem>>, vector<512x1xf32>
    %get3A_21 = arith.constant 0 : index
    %get3A_22 = arith.constant 3 : index
    %get3A_23 = vector.load %arg0[%get3A_21, %get3A_22] : memref<5120x8xf32, #tpu.memory_space<vmem>>, vector<512x1xf32>
    %sub3A = arith.subf %get3A_20, %get3A_14 : vector<512x1xf32>
    %sub3A_24 = arith.subf %get3A_23, %get3A_17 : vector<512x1xf32>
    %mul3A = arith.mulf %sub3A, %sub3A_24 : vector<512x1xf32>
    %get3A_25 = arith.constant 0 : index
    %get3A_26 = arith.constant 0 : index
    %get3A_27 = vector.load %arg5[%get3A_25, %get3A_26] : memref<8x5120xf32, #tpu.memory_space<vmem>>, vector<1x512xf32>
    %get3A_28 = arith.constant 1 : index
    %get3A_29 = arith.constant 0 : index
    %get3A_30 = vector.load %arg5[%get3A_28, %get3A_29] : memref<8x5120xf32, #tpu.memory_space<vmem>>, vector<1x512xf32>
    %get3A_31 = arith.constant 2 : index
    %get3A_32 = arith.constant 0 : index
    %get3A_33 = vector.load %arg5[%get3A_31, %get3A_32] : memref<8x5120xf32, #tpu.memory_space<vmem>>, vector<1x512xf32>
    %get3A_34 = arith.constant 3 : index
    %get3A_35 = arith.constant 0 : index
    %get3A_36 = vector.load %arg5[%get3A_34, %get3A_35] : memref<8x5120xf32, #tpu.memory_space<vmem>>, vector<1x512xf32>
    %sub3A_37 = arith.subf %get3A_33, %get3A_27 : vector<1x512xf32>
    %sub3A_38 = arith.subf %get3A_36, %get3A_30 : vector<1x512xf32>
    %mul3A_39 = arith.mulf %sub3A_37, %sub3A_38 : vector<1x512xf32>
    %min3A = vector.broadcast %get3A_20 : vector<512x1xf32> to vector<512x512xf32>
    %min3A_40 = vector.broadcast %get3A_33 : vector<1x512xf32> to vector<512x512xf32>
    %min3A_41 = arith.minimumf %min3A, %min3A_40 : vector<512x512xf32>
    %max3A = vector.broadcast %get3A_14 : vector<512x1xf32> to vector<512x512xf32>
    %max3A_42 = vector.broadcast %get3A_27 : vector<1x512xf32> to vector<512x512xf32>
    %max3A_43 = arith.maximumf %max3A, %max3A_42 : vector<512x512xf32>
    %sub3A_44 = arith.subf %min3A_41, %max3A_43 : vector<512x512xf32>
    %max3A_45 = arith.constant 0.000000e+00 : f32
    %max3A_46 = vector.broadcast %max3A_45 : f32 to vector<512x512xf32>
    %max3A_47 = arith.maximumf %max3A_46, %sub3A_44 : vector<512x512xf32>
    %min3A_48 = vector.broadcast %get3A_23 : vector<512x1xf32> to vector<512x512xf32>
    %min3A_49 = vector.broadcast %get3A_36 : vector<1x512xf32> to vector<512x512xf32>
    %min3A_50 = arith.minimumf %min3A_48, %min3A_49 : vector<512x512xf32>
    %max3A_51 = vector.broadcast %get3A_17 : vector<512x1xf32> to vector<512x512xf32>
    %max3A_52 = vector.broadcast %get3A_30 : vector<1x512xf32> to vector<512x512xf32>
    %max3A_53 = arith.maximumf %max3A_51, %max3A_52 : vector<512x512xf32>
    %sub3A_54 = arith.subf %min3A_50, %max3A_53 : vector<512x512xf32>
    %max3A_55 = arith.constant 0.000000e+00 : f32
    %max3A_56 = vector.broadcast %max3A_55 : f32 to vector<512x512xf32>
    %max3A_57 = arith.maximumf %max3A_56, %sub3A_54 : vector<512x512xf32>
    %mul3A_58 = arith.mulf %max3A_47, %max3A_57 : vector<512x512xf32>
    %add3A = vector.broadcast %mul3A : vector<512x1xf32> to vector<512x512xf32>
    %add3A_59 = vector.broadcast %mul3A_39 : vector<1x512xf32> to vector<512x512xf32>
    %add3A_60 = arith.addf %add3A, %add3A_59 : vector<512x512xf32>
    %sub3A_61 = arith.subf %add3A_60, %mul3A_58 : vector<512x512xf32>
    %add3A_62 = arith.constant 9.99999997E-7 : f32
    %add3A_63 = vector.broadcast %add3A_62 : f32 to vector<512x512xf32>
    %add3A_64 = arith.addf %sub3A_61, %add3A_63 : vector<512x512xf32>
    %mul3A_65 = arith.constant 3.000000e-01 : f32
    %mul3A_66 = vector.broadcast %mul3A_65 : f32 to vector<512x512xf32>
    %mul3A_67 = arith.mulf %mul3A_66, %add3A_64 : vector<512x512xf32>
    %gt3A_68 = arith.cmpf ogt, %mul3A_58, %mul3A_67 : vector<512x512xf32>
    %and3A = arith.andi %gt3A_68, %gt3A : vector<512x512xi1>
    %jit3A_69 = arith.constant 1.000000e+00 : f32
    %jit3A_70 = arith.constant 0.000000e+00 : f32
    %broadcast_in_dim3A_71 = vector.broadcast %jit3A_69 : f32 to vector<512x512xf32>
    %broadcast_in_dim3A_72 = vector.broadcast %jit3A_70 : f32 to vector<512x512xf32>
    %select_n3A_73 = arith.select %and3A, %broadcast_in_dim3A_71, %broadcast_in_dim3A_72 : vector<512x512xi1>, vector<512x512xf32>
    %swap3A_74 = arith.constant 0 : index
    %swap3A_75 = arith.constant 0 : index
    %swap3A_76 = vector.load %arg4[%swap3A_74, %swap3A_75] : memref<512x512xf32, #tpu.memory_space<vmem>>, vector<512x512xf32>
    tpu.vector_store %arg4[%swap3A_74, %swap3A_75], %select_n3A_73 {strides = array<i32>} : memref<512x512xf32, #tpu.memory_space<vmem>>, vector<512x512xf32>,
    %get3A_77 = arith.constant 0 : index
    %get3A_78 = arith.constant 0 : index
    %get3A_79 = vector.load %arg3[%get3A_77, %get3A_78] : memref<1x5120xf32, #tpu.memory_space<vmem>>, vector<1x512xf32>
    %get3A_80 = arith.constant 0 : index
    %get3A_81 = arith.constant 0 : index
    %get3A_82 = vector.load %arg4[%get3A_80, %get3A_81] : memref<512x512xf32, #tpu.memory_space<vmem>>, vector<512x512xf32>
    %dot_general3A = arith.constant dense<0.000000e+00> : vector<1x512xf32>
    %dot_general3A_83 = tpu.matmul %get3A_79, %get3A_82, %dot_general3A {dimension_numbers = #tpu.dot_dimension_numbers<[1], [0], [0], [1], [0, 0, 1, 1], [], []>, transpose_lhs_hint = false} : vector<1x512xf32>, vector<512x512xf32>, vector<1x512xf32> -> vector<1x512xf32>
    %lt3A = arith.constant 5.000000e-01 : f32
    %lt3A_84 = vector.broadcast %lt3A : f32 to vector<1x512xf32>
    %lt3A_85 = arith.cmpf olt, %dot_general3A_83, %lt3A_84 : vector<1x512xf32>
    %jit3A_86 = arith.constant 1.000000e+00 : f32
    %jit3A_87 = arith.constant 0.000000e+00 : f32
    %broadcast_in_dim3A_88 = vector.broadcast %jit3A_86 : f32 to vector<1x512xf32>
    %broadcast_in_dim3A_89 = vector.broadcast %jit3A_87 : f32 to vector<1x512xf32>
    %select_n3A_90 = arith.select %lt3A_85, %broadcast_in_dim3A_88, %broadcast_in_dim3A_89 : vector<1x512xi1>, vector<1x512xf32>
    %mul3A_91 = arith.mulf %get3A_79, %select_n3A_90 : vector<1x512xf32>
    %get3A_92 = arith.constant 0 : index
    %get3A_93 = arith.constant 0 : index
    %get3A_94 = vector.load %arg4[%get3A_92, %get3A_93] : memref<512x512xf32, #tpu.memory_space<vmem>>, vector<512x512xf32>
    %dot_general3A_95 = arith.constant dense<0.000000e+00> : vector<1x512xf32>
    %dot_general3A_96 = tpu.matmul %mul3A_91, %get3A_94, %dot_general3A_95 {dimension_numbers = #tpu.dot_dimension_numbers<[1], [0], [0], [1], [0, 0, 1, 1], [], []>, transpose_lhs_hint = false} : vector<1x512xf32>, vector<512x512xf32>, vector<1x512xf32> -> vector<1x512xf32>
    %lt3A_97 = arith.constant 5.000000e-01 : f32
    %lt3A_98 = vector.broadcast %lt3A_97 : f32 to vector<1x512xf32>
    %lt3A_99 = arith.cmpf olt, %dot_general3A_96, %lt3A_98 : vector<1x512xf32>
    %jit3A_100 = arith.constant 1.000000e+00 : f32
    %jit3A_101 = arith.constant 0.000000e+00 : f32
    %broadcast_in_dim3A_102 = vector.broadcast %jit3A_100 : f32 to vector<1x512xf32>
    %broadcast_in_dim3A_103 = vector.broadcast %jit3A_101 : f32 to vector<1x512xf32>
    %select_n3A_104 = arith.select %lt3A_99, %broadcast_in_dim3A_102, %broadcast_in_dim3A_103 : vector<1x512xi1>, vector<1x512xf32>
    %mul3A_105 = arith.mulf %get3A_79, %select_n3A_104 : vector<1x512xf32>
    %get3A_106 = arith.constant 0 : index
    %get3A_107 = arith.constant 0 : index
    %get3A_108 = vector.load %arg4[%get3A_106, %get3A_107] : memref<512x512xf32, #tpu.memory_space<vmem>>, vector<512x512xf32>
    %dot_general3A_109 = arith.constant dense<0.000000e+00> : vector<1x512xf32>
    %dot_general3A_110 = tpu.matmul %mul3A_105, %get3A_108, %dot_general3A_109 {dimension_numbers = #tpu.dot_dimension_numbers<[1], [0], [0], [1], [0, 0, 1, 1], [], []>, transpose_lhs_hint = false} : vector<1x512xf32>, vector<512x512xf32>, vector<1x512xf32> -> vector<1x512xf32>
    %lt3A_111 = arith.constant 5.000000e-01 : f32
    %lt3A_112 = vector.broadcast %lt3A_111 : f32 to vector<1x512xf32>
    %lt3A_113 = arith.cmpf olt, %dot_general3A_110, %lt3A_112 : vector<1x512xf32>
    %jit3A_114 = arith.constant 1.000000e+00 : f32
    %jit3A_115 = arith.constant 0.000000e+00 : f32
    %broadcast_in_dim3A_116 = vector.broadcast %jit3A_114 : f32 to vector<1x512xf32>
    %broadcast_in_dim3A_117 = vector.broadcast %jit3A_115 : f32 to vector<1x512xf32>
    %select_n3A_118 = arith.select %lt3A_113, %broadcast_in_dim3A_116, %broadcast_in_dim3A_117 : vector<1x512xi1>, vector<1x512xf32>
    %mul3A_119 = arith.mulf %get3A_79, %select_n3A_118 : vector<1x512xf32>
    %get3A_120 = arith.constant 0 : index
    %get3A_121 = arith.constant 0 : index
    %get3A_122 = vector.load %arg4[%get3A_120, %get3A_121] : memref<512x512xf32, #tpu.memory_space<vmem>>, vector<512x512xf32>
    %dot_general3A_123 = arith.constant dense<0.000000e+00> : vector<1x512xf32>
    %dot_general3A_124 = tpu.matmul %mul3A_119, %get3A_122, %dot_general3A_123 {dimension_numbers = #tpu.dot_dimension_numbers<[1], [0], [0], [1], [0, 0, 1, 1], [], []>, transpose_lhs_hint = false} : vector<1x512xf32>, vector<512x512xf32>, vector<1x512xf32> -> vector<1x512xf32>
    %lt3A_125 = arith.constant 5.000000e-01 : f32
    %lt3A_126 = vector.broadcast %lt3A_125 : f32 to vector<1x512xf32>
    %lt3A_127 = arith.cmpf olt, %dot_general3A_124, %lt3A_126 : vector<1x512xf32>
    %jit3A_128 = arith.constant 1.000000e+00 : f32
    %jit3A_129 = arith.constant 0.000000e+00 : f32
    %broadcast_in_dim3A_130 = vector.broadcast %jit3A_128 : f32 to vector<1x512xf32>
    %broadcast_in_dim3A_131 = vector.broadcast %jit3A_129 : f32 to vector<1x512xf32>
    %select_n3A_132 = arith.select %lt3A_127, %broadcast_in_dim3A_130, %broadcast_in_dim3A_131 : vector<1x512xi1>, vector<1x512xf32>
    %mul3A_133 = arith.mulf %get3A_79, %select_n3A_132 : vector<1x512xf32>
    %while3A:2 = scf.while (%while3A_2549 = %mul3A_133, %while3A_2550 = %mul3A_119) : (vector<1x512xf32>, vector<1x512xf32>) -> (vector<1x512xf32>, vector<1x512xf32>) {
      %ne3A = arith.cmpf one, %while3A_2549, %while3A_2550 : vector<1x512xf32>
      %reduce_or3A = arith.constant 1.000000e+00 : f32
      %reduce_or3A_2551 = arith.constant 0.000000e+00 : f32
      %reduce_or3A_2552 = vector.broadcast %reduce_or3A : f32 to vector<1x512xf32>
      %reduce_or3A_2553 = vector.broadcast %reduce_or3A_2551 : f32 to vector<1x512xf32>
      %reduce_or3A_2554 = arith.select %ne3A, %reduce_or3A_2552, %reduce_or3A_2553 : vector<1x512xi1>, vector<1x512xf32>
      %reduce_or3A_2555 = vector.shape_cast %reduce_or3A_2554 : vector<1x512xf32> to vector<1x1x512xf32>
      %reduce_or3A_2556 = arith.constant dense<0xFF800000> : vector<1xf32>
      %reduce_or3A_2557 = vector.multi_reduction <maximumf>, %reduce_or3A_2555, %reduce_or3A_2556 [1, 2] : vector<1x1x512xf32> to vector<1xf32>
      %reduce_or3A_2558 = vector.shape_cast %reduce_or3A_2557 : vector<1xf32> to vector<1x1x1xf32>
      %reduce_or3A_2559 = vector.extract %reduce_or3A_2558[0, 0, 0] : f32 from vector<1x1x1xf32>
      %reduce_or3A_2560 = arith.constant 0.000000e+00 : f32
      %reduce_or3A_2561 = arith.cmpf ogt, %reduce_or3A_2559, %reduce_or3A_2560 : f32
      scf.condition(%reduce_or3A_2561) %while3A_2549, %while3A_2550 : vector<1x512xf32>, vector<1x512xf32>
    } do {
    ^bb0(%while3A_2549: vector<1x512xf32>, %while3A_2550: vector<1x512xf32>):
      %get3A_2551 = arith.constant 0 : index
      %get3A_2552 = arith.constant 0 : index
      %get3A_2553 = vector.load %arg4[%get3A_2551, %get3A_2552] : memref<512x512xf32, #tpu.memory_space<vmem>>, vector<512x512xf32>
      %dot_general3A_2554 = arith.constant dense<0.000000e+00> : vector<1x512xf32>
      %dot_general3A_2555 = tpu.matmul %while3A_2549, %get3A_2553, %dot_general3A_2554 {dimension_numbers = #tpu.dot_dimension_numbers<[1], [0], [0], [1], [0, 0, 1, 1], [], []>, transpose_lhs_hint = false} : vector<1x512xf32>, vector<512x512xf32>, vector<1x512xf32> -> vector<1x512xf32>
      %lt3A_2556 = arith.constant 5.000000e-01 : f32
      %lt3A_2557 = vector.broadcast %lt3A_2556 : f32 to vector<1x512xf32>
      %lt3A_2558 = arith.cmpf olt, %dot_general3A_2555, %lt3A_2557 : vector<1x512xf32>
      %jit3A_2559 = arith.constant 1.000000e+00 : f32
      %jit3A_2560 = arith.constant 0.000000e+00 : f32
      %broadcast_in_dim3A_2561 = vector.broadcast %jit3A_2559 : f32 to vector<1x512xf32>
      %broadcast_in_dim3A_2562 = vector.broadcast %jit3A_2560 : f32 to vector<1x512xf32>
      %select_n3A_2563 = arith.select %lt3A_2558, %broadcast_in_dim3A_2561, %broadcast_in_dim3A_2562 : vector<1x512xi1>, vector<1x512xf32>
      %mul3A_2564 = arith.mulf %get3A_79, %select_n3A_2563 : vector<1x512xf32>
      scf.yield %mul3A_2564, %while3A_2549 : vector<1x512xf32>, vector<1x512xf32>
    }
    %swap3A_134 = arith.constant 0 : index
    %swap3A_135 = arith.constant 0 : index
    %swap3A_136 = vector.load %arg3[%swap3A_134, %swap3A_135] : memref<1x5120xf32, #tpu.memory_space<vmem>>, vector<1x512xf32>
    tpu.vector_store %arg3[%swap3A_134, %swap3A_135], %while3A#0 {strides = array<i32>} : memref<1x5120xf32, #tpu.memory_space<vmem>>, vector<1x512xf32>,
    %dot_general3A_137 = arith.constant dense<0.000000e+00> : vector<512x1xf32>
    %dot_general3A_138 = tpu.matmul %select_n3A, %while3A#0, %dot_general3A_137 {dimension_numbers = #tpu.dot_dimension_numbers<[1], [1], [0], [0], [0, 0, 1, 0], [], []>, transpose_lhs_hint = false} : vector<512x512xf32>, vector<1x512xf32>, vector<512x1xf32> -> vector<512x1xf32>
    %get3A_139 = arith.constant 0 : index
    %get3A_140 = arith.constant 0 : index
    %get3A_141 = vector.load %arg0[%get3A_139, %get3A_140] : memref<5120x8xf32, #tpu.memory_space<vmem>>, vector<512x4xf32>
    %mul3A_142 = vector.broadcast %dot_general3A_138 : vector<512x1xf32> to vector<512x4xf32>
    %mul3A_143 = arith.mulf %get3A_141, %mul3A_142 : vector<512x4xf32>
    %swap3A_144 = arith.constant 0 : index
    %swap3A_145 = arith.constant 0 : index
    %swap3A_146 = vector.load %arg2[%swap3A_144, %swap3A_145] : memref<5000x5xf32, #tpu.memory_space<vmem>>, vector<512x4xf32>
    tpu.vector_store %arg2[%swap3A_144, %swap3A_145], %mul3A_143 {strides = array<i32>} : memref<5000x5xf32, #tpu.memory_space<vmem>>, vector<512x4xf32>,
    %get3A_147 = arith.constant 0 : index
    %get3A_148 = arith.constant 4 : index
    %get3A_149 = vector.load %arg0[%get3A_147, %get3A_148] : memref<5120x8xf32, #tpu.memory_space<vmem>>, vector<512x1xf32>
    %mul3A_150 = arith.mulf %get3A_149, %dot_general3A_138 : vector<512x1xf32>
    %swap3A_151 = arith.constant 0 : index
    %swap3A_152 = arith.constant 4 : index
    %swap3A_153 = vector.load %arg2[%swap3A_151, %swap3A_152] : memref<5000x5xf32, #tpu.memory_space<vmem>>, vector<512x1xf32>
    tpu.vector_store %arg2[%swap3A_151, %swap3A_152], %mul3A_150 {strides = array<i32>} : memref<5000x5xf32, #tpu.memory_space<vmem>>, vector<512x1xf32>,
    %get3A_154 = arith.constant 0 : index
    %get3A_155 = arith.constant 512 : index
    %get3A_156 = vector.load %arg5[%get3A_154, %get3A_155] : memref<8x5120xf32, #tpu.memory_space<vmem>>, vector<1x2048xf32>
    %get3A_157 = arith.constant 1 : index
    %get3A_158 = arith.constant 512 : index
    %get3A_159 = vector.load %arg5[%get3A_157, %get3A_158] : memref<8x5120xf32, #tpu.memory_space<vmem>>, vector<1x2048xf32>
    %get3A_160 = arith.constant 2 : index
    %get3A_161 = arith.constant 512 : index
    %get3A_162 = vector.load %arg5[%get3A_160, %get3A_161] : memref<8x5120xf32, #tpu.memory_space<vmem>>, vector<1x2048xf32>
    %get3A_163 = arith.constant 3 : index
    %get3A_164 = arith.constant 512 : index
    %get3A_165 = vector.load %arg5[%get3A_163, %get3A_164] : memref<8x5120xf32, #tpu.memory_space<vmem>>, vector<1x2048xf32>
    %sub3A_166 = arith.subf %get3A_162, %get3A_156 : vector<1x2048xf32>
    %sub3A_167 = arith.subf %get3A_165, %get3A_159 : vector<1x2048xf32>
    %mul3A_168 = arith.mulf %sub3A_166, %sub3A_167 : vector<1x2048xf32>
    %min3A_169 = vector.broadcast %get3A_20 : vector<512x1xf32> to vector<512x2048xf32>
    %min3A_170 = vector.broadcast %get3A_162 : vector<1x2048xf32> to vector<512x2048xf32>
    %min3A_171 = arith.minimumf %min3A_169, %min3A_170 : vector<512x2048xf32>
    %max3A_172 = vector.broadcast %get3A_14 : vector<512x1xf32> to vector<512x2048xf32>
    %max3A_173 = vector.broadcast %get3A_156 : vector<1x2048xf32> to vector<512x2048xf32>
    %max3A_174 = arith.maximumf %max3A_172, %max3A_173 : vector<512x2048xf32>
    %sub3A_175 = arith.subf %min3A_171, %max3A_174 : vector<512x2048xf32>
    %max3A_176 = arith.constant 0.000000e+00 : f32
    %max3A_177 = vector.broadcast %max3A_176 : f32 to vector<512x2048xf32>
    %max3A_178 = arith.maximumf %max3A_177, %sub3A_175 : vector<512x2048xf32>
    %min3A_179 = vector.broadcast %get3A_23 : vector<512x1xf32> to vector<512x2048xf32>
    %min3A_180 = vector.broadcast %get3A_165 : vector<1x2048xf32> to vector<512x2048xf32>
    %min3A_181 = arith.minimumf %min3A_179, %min3A_180 : vector<512x2048xf32>
    %max3A_182 = vector.broadcast %get3A_17 : vector<512x1xf32> to vector<512x2048xf32>
    %max3A_183 = vector.broadcast %get3A_159 : vector<1x2048xf32> to vector<512x2048xf32>
    %max3A_184 = arith.maximumf %max3A_182, %max3A_183 : vector<512x2048xf32>
    %sub3A_185 = arith.subf %min3A_181, %max3A_184 : vector<512x2048xf32>
    %max3A_186 = arith.constant 0.000000e+00 : f32
    %max3A_187 = vector.broadcast %max3A_186 : f32 to vector<512x2048xf32>
    %max3A_188 = arith.maximumf %max3A_187, %sub3A_185 : vector<512x2048xf32>
    %mul3A_189 = arith.mulf %max3A_178, %max3A_188 : vector<512x2048xf32>
    %add3A_190 = vector.broadcast %mul3A : vector<512x1xf32> to vector<512x2048xf32>
    %add3A_191 = vector.broadcast %mul3A_168 : vector<1x2048xf32> to vector<512x2048xf32>
    %add3A_192 = arith.addf %add3A_190, %add3A_191 : vector<512x2048xf32>
    %sub3A_193 = arith.subf %add3A_192, %mul3A_189 : vector<512x2048xf32>
    %add3A_194 = arith.constant 9.99999997E-7 : f32
    %add3A_195 = vector.broadcast %add3A_194 : f32 to vector<512x2048xf32>
    %add3A_196 = arith.addf %sub3A_193, %add3A_195 : vector<512x2048xf32>
    %mul3A_197 = arith.constant 3.000000e-01 : f32
    %mul3A_198 = vector.broadcast %mul3A_197 : f32 to vector<512x2048xf32>
    %mul3A_199 = arith.mulf %mul3A_198, %add3A_196 : vector<512x2048xf32>
    %gt3A_200 = arith.cmpf ogt, %mul3A_189, %mul3A_199 : vector<512x2048xf32>
    %jit3A_201 = arith.constant 1.000000e+00 : f32
    %jit3A_202 = arith.constant 0.000000e+00 : f32
    %broadcast_in_dim3A_203 = vector.broadcast %jit3A_201 : f32 to vector<512x2048xf32>
    %broadcast_in_dim3A_204 = vector.broadcast %jit3A_202 : f32 to vector<512x2048xf32>
    %select_n3A_205 = arith.select %gt3A_200, %broadcast_in_dim3A_203, %broadcast_in_dim3A_204 : vector<512x2048xi1>, vector<512x2048xf32>
    %dot_general3A_206 = arith.constant dense<0.000000e+00> : vector<1x2048xf32>
    %dot_general3A_207 = tpu.matmul %while3A#0, %select_n3A_205, %dot_general3A_206 {dimension_numbers = #tpu.dot_dimension_numbers<[1], [0], [0], [1], [0, 0, 1, 1], [], []>, transpose_lhs_hint = false} : vector<1x512xf32>, vector<512x2048xf32>, vector<1x2048xf32> -> vector<1x2048xf32>
    %get3A_208 = arith.constant 0 : index
    %get3A_209 = arith.constant 512 : index
    %get3A_210 = vector.load %arg3[%get3A_208, %get3A_209] : memref<1x5120xf32, #tpu.memory_space<vmem>>, vector<1x2048xf32>
    %lt3A_211 = arith.constant 5.000000e-01 : f32
    %lt3A_212 = vector.broadcast %lt3A_211 : f32 to vector<1x2048xf32>
    %lt3A_213 = arith.cmpf olt, %dot_general3A_207, %lt3A_212 : vector<1x2048xf32>
    %jit3A_214 = arith.constant 1.000000e+00 : f32
    %jit3A_215 = arith.constant 0.000000e+00 : f32
    %broadcast_in_dim3A_216 = vector.broadcast %jit3A_214 : f32 to vector<1x2048xf32>
    %broadcast_in_dim3A_217 = vector.broadcast %jit3A_215 : f32 to vector<1x2048xf32>
    %select_n3A_218 = arith.select %lt3A_213, %broadcast_in_dim3A_216, %broadcast_in_dim3A_217 : vector<1x2048xi1>, vector<1x2048xf32>
    %mul3A_219 = arith.mulf %get3A_210, %select_n3A_218 : vector<1x2048xf32>
    %swap3A_220 = arith.constant 0 : index
    %swap3A_221 = arith.constant 512 : index
    %swap3A_222 = vector.load %arg3[%swap3A_220, %swap3A_221] : memref<1x5120xf32, #tpu.memory_space<vmem>>, vector<1x2048xf32>
    tpu.vector_store %arg3[%swap3A_220, %swap3A_221], %mul3A_219 {strides = array<i32>} : memref<1x5120xf32, #tpu.memory_space<vmem>>, vector<1x2048xf32>,
    %get3A_223 = arith.constant 0 : index
    %get3A_224 = arith.constant 2560 : index
    %get3A_225 = vector.load %arg5[%get3A_223, %get3A_224] : memref<8x5120xf32, #tpu.memory_space<vmem>>, vector<1x2048xf32>
    %get3A_226 = arith.constant 1 : index
    %get3A_227 = arith.constant 2560 : index
    %get3A_228 = vector.load %arg5[%get3A_226, %get3A_227] : memref<8x5120xf32, #tpu.memory_space<vmem>>, vector<1x2048xf32>
    %get3A_229 = arith.constant 2 : index
    %get3A_230 = arith.constant 2560 : index
    %get3A_231 = vector.load %arg5[%get3A_229, %get3A_230] : memref<8x5120xf32, #tpu.memory_space<vmem>>, vector<1x2048xf32>
    %get3A_232 = arith.constant 3 : index
    %get3A_233 = arith.constant 2560 : index
    %get3A_234 = vector.load %arg5[%get3A_232, %get3A_233] : memref<8x5120xf32, #tpu.memory_space<vmem>>, vector<1x2048xf32>
    %sub3A_235 = arith.subf %get3A_231, %get3A_225 : vector<1x2048xf32>
    %sub3A_236 = arith.subf %get3A_234, %get3A_228 : vector<1x2048xf32>
    %mul3A_237 = arith.mulf %sub3A_235, %sub3A_236 : vector<1x2048xf32>
    %min3A_238 = vector.broadcast %get3A_20 : vector<512x1xf32> to vector<512x2048xf32>
    %min3A_239 = vector.broadcast %get3A_231 : vector<1x2048xf32> to vector<512x2048xf32>
    %min3A_240 = arith.minimumf %min3A_238, %min3A_239 : vector<512x2048xf32>
    %max3A_241 = vector.broadcast %get3A_14 : vector<512x1xf32> to vector<512x2048xf32>
    %max3A_242 = vector.broadcast %get3A_225 : vector<1x2048xf32> to vector<512x2048xf32>
    %max3A_243 = arith.maximumf %max3A_241, %max3A_242 : vector<512x2048xf32>
    %sub3A_244 = arith.subf %min3A_240, %max3A_243 : vector<512x2048xf32>
    %max3A_245 = arith.constant 0.000000e+00 : f32
    %max3A_246 = vector.broadcast %max3A_245 : f32 to vector<512x2048xf32>
    %max3A_247 = arith.maximumf %max3A_246, %sub3A_244 : vector<512x2048xf32>
    %min3A_248 = vector.broadcast %get3A_23 : vector<512x1xf32> to vector<512x2048xf32>
    %min3A_249 = vector.broadcast %get3A_234 : vector<1x2048xf32> to vector<512x2048xf32>
    %min3A_250 = arith.minimumf %min3A_248, %min3A_249 : vector<512x2048xf32>
    %max3A_251 = vector.broadcast %get3A_17 : vector<512x1xf32> to vector<512x2048xf32>
    %max3A_252 = vector.broadcast %get3A_228 : vector<1x2048xf32> to vector<512x2048xf32>
    %max3A_253 = arith.maximumf %max3A_251, %max3A_252 : vector<512x2048xf32>
    %sub3A_254 = arith.subf %min3A_250, %max3A_253 : vector<512x2048xf32>
    %max3A_255 = arith.constant 0.000000e+00 : f32
    %max3A_256 = vector.broadcast %max3A_255 : f32 to vector<512x2048xf32>
    %max3A_257 = arith.maximumf %max3A_256, %sub3A_254 : vector<512x2048xf32>
    %mul3A_258 = arith.mulf %max3A_247, %max3A_257 : vector<512x2048xf32>
    %add3A_259 = vector.broadcast %mul3A : vector<512x1xf32> to vector<512x2048xf32>
    %add3A_260 = vector.broadcast %mul3A_237 : vector<1x2048xf32> to vector<512x2048xf32>
    %add3A_261 = arith.addf %add3A_259, %add3A_260 : vector<512x2048xf32>
    %sub3A_262 = arith.subf %add3A_261, %mul3A_258 : vector<512x2048xf32>
    %add3A_263 = arith.constant 9.99999997E-7 : f32
    %add3A_264 = vector.broadcast %add3A_263 : f32 to vector<512x2048xf32>
    %add3A_265 = arith.addf %sub3A_262, %add3A_264 : vector<512x2048xf32>
    %mul3A_266 = arith.constant 3.000000e-01 : f32
    %mul3A_267 = vector.broadcast %mul3A_266 : f32 to vector<512x2048xf32>
    %mul3A_268 = arith.mulf %mul3A_267, %add3A_265 : vector<512x2048xf32>
    %gt3A_269 = arith.cmpf ogt, %mul3A_258, %mul3A_268 : vector<512x2048xf32>
    %jit3A_270 = arith.constant 1.000000e+00 : f32
    %jit3A_271 = arith.constant 0.000000e+00 : f32
    %broadcast_in_dim3A_272 = vector.broadcast %jit3A_270 : f32 to vector<512x2048xf32>
    %broadcast_in_dim3A_273 = vector.broadcast %jit3A_271 : f32 to vector<512x2048xf32>
    %select_n3A_274 = arith.select %gt3A_269, %broadcast_in_dim3A_272, %broadcast_in_dim3A_273 : vector<512x2048xi1>, vector<512x2048xf32>
    %dot_general3A_275 = arith.constant dense<0.000000e+00> : vector<1x2048xf32>
    %dot_general3A_276 = tpu.matmul %while3A#0, %select_n3A_274, %dot_general3A_275 {dimension_numbers = #tpu.dot_dimension_numbers<[1], [0], [0], [1], [0, 0, 1, 1], [], []>, transpose_lhs_hint = false} : vector<1x512xf32>, vector<512x2048xf32>, vector<1x2048xf32> -> vector<1x2048xf32>
    %get3A_277 = arith.constant 0 : index
    %get3A_278 = arith.constant 2560 : index
    %get3A_279 = vector.load %arg3[%get3A_277, %get3A_278] : memref<1x5120xf32, #tpu.memory_space<vmem>>, vector<1x2048xf32>
    %lt3A_280 = arith.constant 5.000000e-01 : f32
    %lt3A_281 = vector.broadcast %lt3A_280 : f32 to vector<1x2048xf32>
    %lt3A_282 = arith.cmpf olt, %dot_general3A_276, %lt3A_281 : vector<1x2048xf32>
    %jit3A_283 = arith.constant 1.000000e+00 : f32
    %jit3A_284 = arith.constant 0.000000e+00 : f32
    %broadcast_in_dim3A_285 = vector.broadcast %jit3A_283 : f32 to vector<1x2048xf32>
    %broadcast_in_dim3A_286 = vector.broadcast %jit3A_284 : f32 to vector<1x2048xf32>
    %select_n3A_287 = arith.select %lt3A_282, %broadcast_in_dim3A_285, %broadcast_in_dim3A_286 : vector<1x2048xi1>, vector<1x2048xf32>
    %mul3A_288 = arith.mulf %get3A_279, %select_n3A_287 : vector<1x2048xf32>
    %swap3A_289 = arith.constant 0 : index
    %swap3A_290 = arith.constant 2560 : index
    %swap3A_291 = vector.load %arg3[%swap3A_289, %swap3A_290] : memref<1x5120xf32, #tpu.memory_space<vmem>>, vector<1x2048xf32>
    tpu.vector_store %arg3[%swap3A_289, %swap3A_290], %mul3A_288 {strides = array<i32>} : memref<1x5120xf32, #tpu.memory_space<vmem>>, vector<1x2048xf32>,
    %get3A_292 = arith.constant 0 : index
    %get3A_293 = arith.constant 4608 : index
    %get3A_294 = vector.load %arg5[%get3A_292, %get3A_293] : memref<8x5120xf32, #tpu.memory_space<vmem>>, vector<1x512xf32>
    %get3A_295 = arith.constant 1 : index
    %get3A_296 = arith.constant 4608 : index
    %get3A_297 = vector.load %arg5[%get3A_295, %get3A_296] : memref<8x5120xf32, #tpu.memory_space<vmem>>, vector<1x512xf32>
    %get3A_298 = arith.constant 2 : index
    %get3A_299 = arith.constant 4608 : index
    %get3A_300 = vector.load %arg5[%get3A_298, %get3A_299] : memref<8x5120xf32, #tpu.memory_space<vmem>>, vector<1x512xf32>
    %get3A_301 = arith.constant 3 : index
    %get3A_302 = arith.constant 4608 : index
    %get3A_303 = vector.load %arg5[%get3A_301, %get3A_302] : memref<8x5120xf32, #tpu.memory_space<vmem>>, vector<1x512xf32>
    %sub3A_304 = arith.subf %get3A_300, %get3A_294 : vector<1x512xf32>
    %sub3A_305 = arith.subf %get3A_303, %get3A_297 : vector<1x512xf32>
    %mul3A_306 = arith.mulf %sub3A_304, %sub3A_305 : vector<1x512xf32>
    %min3A_307 = vector.broadcast %get3A_20 : vector<512x1xf32> to vector<512x512xf32>
    %min3A_308 = vector.broadcast %get3A_300 : vector<1x512xf32> to vector<512x512xf32>
    %min3A_309 = arith.minimumf %min3A_307, %min3A_308 : vector<512x512xf32>
    %max3A_310 = vector.broadcast %get3A_14 : vector<512x1xf32> to vector<512x512xf32>
    %max3A_311 = vector.broadcast %get3A_294 : vector<1x512xf32> to vector<512x512xf32>
    %max3A_312 = arith.maximumf %max3A_310, %max3A_311 : vector<512x512xf32>
    %sub3A_313 = arith.subf %min3A_309, %max3A_312 : vector<512x512xf32>
    %max3A_314 = arith.constant 0.000000e+00 : f32
    %max3A_315 = vector.broadcast %max3A_314 : f32 to vector<512x512xf32>
    %max3A_316 = arith.maximumf %max3A_315, %sub3A_313 : vector<512x512xf32>
    %min3A_317 = vector.broadcast %get3A_23 : vector<512x1xf32> to vector<512x512xf32>
    %min3A_318 = vector.broadcast %get3A_303 : vector<1x512xf32> to vector<512x512xf32>
    %min3A_319 = arith.minimumf %min3A_317, %min3A_318 : vector<512x512xf32>
    %max3A_320 = vector.broadcast %get3A_17 : vector<512x1xf32> to vector<512x512xf32>
    %max3A_321 = vector.broadcast %get3A_297 : vector<1x512xf32> to vector<512x512xf32>
    %max3A_322 = arith.maximumf %max3A_320, %max3A_321 : vector<512x512xf32>
    %sub3A_323 = arith.subf %min3A_319, %max3A_322 : vector<512x512xf32>
    %max3A_324 = arith.constant 0.000000e+00 : f32
    %max3A_325 = vector.broadcast %max3A_324 : f32 to vector<512x512xf32>
    %max3A_326 = arith.maximumf %max3A_325, %sub3A_323 : vector<512x512xf32>
    %mul3A_327 = arith.mulf %max3A_316, %max3A_326 : vector<512x512xf32>
    %add3A_328 = vector.broadcast %mul3A : vector<512x1xf32> to vector<512x512xf32>
    %add3A_329 = vector.broadcast %mul3A_306 : vector<1x512xf32> to vector<512x512xf32>
    %add3A_330 = arith.addf %add3A_328, %add3A_329 : vector<512x512xf32>
    %sub3A_331 = arith.subf %add3A_330, %mul3A_327 : vector<512x512xf32>
    %add3A_332 = arith.constant 9.99999997E-7 : f32
    %add3A_333 = vector.broadcast %add3A_332 : f32 to vector<512x512xf32>
    %add3A_334 = arith.addf %sub3A_331, %add3A_333 : vector<512x512xf32>
    %mul3A_335 = arith.constant 3.000000e-01 : f32
    %mul3A_336 = vector.broadcast %mul3A_335 : f32 to vector<512x512xf32>
    %mul3A_337 = arith.mulf %mul3A_336, %add3A_334 : vector<512x512xf32>
    %gt3A_338 = arith.cmpf ogt, %mul3A_327, %mul3A_337 : vector<512x512xf32>
    %jit3A_339 = arith.constant 1.000000e+00 : f32
    %jit3A_340 = arith.constant 0.000000e+00 : f32
    %broadcast_in_dim3A_341 = vector.broadcast %jit3A_339 : f32 to vector<512x512xf32>
    %broadcast_in_dim3A_342 = vector.broadcast %jit3A_340 : f32 to vector<512x512xf32>
    %select_n3A_343 = arith.select %gt3A_338, %broadcast_in_dim3A_341, %broadcast_in_dim3A_342 : vector<512x512xi1>, vector<512x512xf32>
    %dot_general3A_344 = arith.constant dense<0.000000e+00> : vector<1x512xf32>
    %dot_general3A_345 = tpu.matmul %while3A#0, %select_n3A_343, %dot_general3A_344 {dimension_numbers = #tpu.dot_dimension_numbers<[1], [0], [0], [1], [0, 0, 1, 1], [], []>, transpose_lhs_hint = false} : vector<1x512xf32>, vector<512x512xf32>, vector<1x512xf32> -> vector<1x512xf32>
    %get3A_346 = arith.constant 0 : index
    %get3A_347 = arith.constant 4608 : index
    %get3A_348 = vector.load %arg3[%get3A_346, %get3A_347] : memref<1x5120xf32, #tpu.memory_space<vmem>>, vector<1x512xf32>
    %lt3A_349 = arith.constant 5.000000e-01 : f32
    %lt3A_350 = vector.broadcast %lt3A_349 : f32 to vector<1x512xf32>
    %lt3A_351 = arith.cmpf olt, %dot_general3A_345, %lt3A_350 : vector<1x512xf32>
    %jit3A_352 = arith.constant 1.000000e+00 : f32
    %jit3A_353 = arith.constant 0.000000e+00 : f32
    %broadcast_in_dim3A_354 = vector.broadcast %jit3A_352 : f32 to vector<1x512xf32>
    %broadcast_in_dim3A_355 = vector.broadcast %jit3A_353 : f32 to vector<1x512xf32>
    %select_n3A_356 = arith.select %lt3A_351, %broadcast_in_dim3A_354, %broadcast_in_dim3A_355 : vector<1x512xi1>, vector<1x512xf32>
    %mul3A_357 = arith.mulf %get3A_348, %select_n3A_356 : vector<1x512xf32>
    %swap3A_358 = arith.constant 0 : index
    %swap3A_359 = arith.constant 4608 : index
    %swap3A_360 = vector.load %arg3[%swap3A_358, %swap3A_359] : memref<1x5120xf32, #tpu.memory_space<vmem>>, vector<1x512xf32>
    tpu.vector_store %arg3[%swap3A_358, %swap3A_359], %mul3A_357 {strides = array<i32>} : memref<1x5120xf32, #tpu.memory_space<vmem>>, vector<1x512xf32>,
    %get3A_361 = arith.constant 512 : index
    %get3A_362 = arith.constant 0 : index
    %get3A_363 = vector.load %arg0[%get3A_361, %get3A_362] : memref<5120x8xf32, #tpu.memory_space<vmem>>, vector<512x1xf32>
    %get3A_364 = arith.constant 512 : index
    %get3A_365 = arith.constant 1 : index
    %get3A_366 = vector.load %arg0[%get3A_364, %get3A_365] : memref<5120x8xf32, #tpu.memory_space<vmem>>, vector<512x1xf32>
    %get3A_367 = arith.constant 512 : index
    %get3A_368 = arith.constant 2 : index
    %get3A_369 = vector.load %arg0[%get3A_367, %get3A_368] : memref<5120x8xf32, #tpu.memory_space<vmem>>, vector<512x1xf32>
    %get3A_370 = arith.constant 512 : index
    %get3A_371 = arith.constant 3 : index
    %get3A_372 = vector.load %arg0[%get3A_370, %get3A_371] : memref<5120x8xf32, #tpu.memory_space<vmem>>, vector<512x1xf32>
    %sub3A_373 = arith.subf %get3A_369, %get3A_363 : vector<512x1xf32>
    %sub3A_374 = arith.subf %get3A_372, %get3A_366 : vector<512x1xf32>
    %mul3A_375 = arith.mulf %sub3A_373, %sub3A_374 : vector<512x1xf32>
    %get3A_376 = arith.constant 0 : index
    %get3A_377 = arith.constant 512 : index
    %get3A_378 = vector.load %arg5[%get3A_376, %get3A_377] : memref<8x5120xf32, #tpu.memory_space<vmem>>, vector<1x512xf32>
    %get3A_379 = arith.constant 1 : index
    %get3A_380 = arith.constant 512 : index
    %get3A_381 = vector.load %arg5[%get3A_379, %get3A_380] : memref<8x5120xf32, #tpu.memory_space<vmem>>, vector<1x512xf32>
    %get3A_382 = arith.constant 2 : index
    %get3A_383 = arith.constant 512 : index
    %get3A_384 = vector.load %arg5[%get3A_382, %get3A_383] : memref<8x5120xf32, #tpu.memory_space<vmem>>, vector<1x512xf32>
    %get3A_385 = arith.constant 3 : index
    %get3A_386 = arith.constant 512 : index
    %get3A_387 = vector.load %arg5[%get3A_385, %get3A_386] : memref<8x5120xf32, #tpu.memory_space<vmem>>, vector<1x512xf32>
    %sub3A_388 = arith.subf %get3A_384, %get3A_378 : vector<1x512xf32>
    %sub3A_389 = arith.subf %get3A_387, %get3A_381 : vector<1x512xf32>
    %mul3A_390 = arith.mulf %sub3A_388, %sub3A_389 : vector<1x512xf32>
    %min3A_391 = vector.broadcast %get3A_369 : vector<512x1xf32> to vector<512x512xf32>
    %min3A_392 = vector.broadcast %get3A_384 : vector<1x512xf32> to vector<512x512xf32>
    %min3A_393 = arith.minimumf %min3A_391, %min3A_392 : vector<512x512xf32>
    %max3A_394 = vector.broadcast %get3A_363 : vector<512x1xf32> to vector<512x512xf32>
    %max3A_395 = vector.broadcast %get3A_378 : vector<1x512xf32> to vector<512x512xf32>
    %max3A_396 = arith.maximumf %max3A_394, %max3A_395 : vector<512x512xf32>
    %sub3A_397 = arith.subf %min3A_393, %max3A_396 : vector<512x512xf32>
    %max3A_398 = arith.constant 0.000000e+00 : f32
    %max3A_399 = vector.broadcast %max3A_398 : f32 to vector<512x512xf32>
    %max3A_400 = arith.maximumf %max3A_399, %sub3A_397 : vector<512x512xf32>
    %min3A_401 = vector.broadcast %get3A_372 : vector<512x1xf32> to vector<512x512xf32>
    %min3A_402 = vector.broadcast %get3A_387 : vector<1x512xf32> to vector<512x512xf32>
    %min3A_403 = arith.minimumf %min3A_401, %min3A_402 : vector<512x512xf32>
    %max3A_404 = vector.broadcast %get3A_366 : vector<512x1xf32> to vector<512x512xf32>
    %max3A_405 = vector.broadcast %get3A_381 : vector<1x512xf32> to vector<512x512xf32>
    %max3A_406 = arith.maximumf %max3A_404, %max3A_405 : vector<512x512xf32>
    %sub3A_407 = arith.subf %min3A_403, %max3A_406 : vector<512x512xf32>
    %max3A_408 = arith.constant 0.000000e+00 : f32
    %max3A_409 = vector.broadcast %max3A_408 : f32 to vector<512x512xf32>
    %max3A_410 = arith.maximumf %max3A_409, %sub3A_407 : vector<512x512xf32>
    %mul3A_411 = arith.mulf %max3A_400, %max3A_410 : vector<512x512xf32>
    %add3A_412 = vector.broadcast %mul3A_375 : vector<512x1xf32> to vector<512x512xf32>
    %add3A_413 = vector.broadcast %mul3A_390 : vector<1x512xf32> to vector<512x512xf32>
    %add3A_414 = arith.addf %add3A_412, %add3A_413 : vector<512x512xf32>
    %sub3A_415 = arith.subf %add3A_414, %mul3A_411 : vector<512x512xf32>
    %add3A_416 = arith.constant 9.99999997E-7 : f32
    %add3A_417 = vector.broadcast %add3A_416 : f32 to vector<512x512xf32>
    %add3A_418 = arith.addf %sub3A_415, %add3A_417 : vector<512x512xf32>
    %mul3A_419 = arith.constant 3.000000e-01 : f32
    %mul3A_420 = vector.broadcast %mul3A_419 : f32 to vector<512x512xf32>
    %mul3A_421 = arith.mulf %mul3A_420, %add3A_418 : vector<512x512xf32>
    %gt3A_422 = arith.cmpf ogt, %mul3A_411, %mul3A_421 : vector<512x512xf32>
    %and3A_423 = arith.andi %gt3A_422, %gt3A : vector<512x512xi1>
    %jit3A_424 = arith.constant 1.000000e+00 : f32
    %jit3A_425 = arith.constant 0.000000e+00 : f32
    %broadcast_in_dim3A_426 = vector.broadcast %jit3A_424 : f32 to vector<512x512xf32>
    %broadcast_in_dim3A_427 = vector.broadcast %jit3A_425 : f32 to vector<512x512xf32>
    %select_n3A_428 = arith.select %and3A_423, %broadcast_in_dim3A_426, %broadcast_in_dim3A_427 : vector<512x512xi1>, vector<512x512xf32>
    %swap3A_429 = arith.constant 0 : index
    %swap3A_430 = arith.constant 0 : index
    %swap3A_431 = vector.load %arg4[%swap3A_429, %swap3A_430] : memref<512x512xf32, #tpu.memory_space<vmem>>, vector<512x512xf32>
    tpu.vector_store %arg4[%swap3A_429, %swap3A_430], %select_n3A_428 {strides = array<i32>} : memref<512x512xf32, #tpu.memory_space<vmem>>, vector<512x512xf32>,
    %get3A_432 = arith.constant 0 : index
    %get3A_433 = arith.constant 512 : index
    %get3A_434 = vector.load %arg3[%get3A_432, %get3A_433] : memref<1x5120xf32, #tpu.memory_space<vmem>>, vector<1x512xf32>
    %get3A_435 = arith.constant 0 : index
    %get3A_436 = arith.constant 0 : index
    %get3A_437 = vector.load %arg4[%get3A_435, %get3A_436] : memref<512x512xf32, #tpu.memory_space<vmem>>, vector<512x512xf32>
    %dot_general3A_438 = arith.constant dense<0.000000e+00> : vector<1x512xf32>
    %dot_general3A_439 = tpu.matmul %get3A_434, %get3A_437, %dot_general3A_438 {dimension_numbers = #tpu.dot_dimension_numbers<[1], [0], [0], [1], [0, 0, 1, 1], [], []>, transpose_lhs_hint = false} : vector<1x512xf32>, vector<512x512xf32>, vector<1x512xf32> -> vector<1x512xf32>
    %lt3A_440 = arith.constant 5.000000e-01 : f32
    %lt3A_441 = vector.broadcast %lt3A_440 : f32 to vector<1x512xf32>
    %lt3A_442 = arith.cmpf olt, %dot_general3A_439, %lt3A_441 : vector<1x512xf32>
    %jit3A_443 = arith.constant 1.000000e+00 : f32
    %jit3A_444 = arith.constant 0.000000e+00 : f32
    %broadcast_in_dim3A_445 = vector.broadcast %jit3A_443 : f32 to vector<1x512xf32>
    %broadcast_in_dim3A_446 = vector.broadcast %jit3A_444 : f32 to vector<1x512xf32>
    %select_n3A_447 = arith.select %lt3A_442, %broadcast_in_dim3A_445, %broadcast_in_dim3A_446 : vector<1x512xi1>, vector<1x512xf32>
    %mul3A_448 = arith.mulf %get3A_434, %select_n3A_447 : vector<1x512xf32>
    %get3A_449 = arith.constant 0 : index
    %get3A_450 = arith.constant 0 : index
    %get3A_451 = vector.load %arg4[%get3A_449, %get3A_450] : memref<512x512xf32, #tpu.memory_space<vmem>>, vector<512x512xf32>
    %dot_general3A_452 = arith.constant dense<0.000000e+00> : vector<1x512xf32>
    %dot_general3A_453 = tpu.matmul %mul3A_448, %get3A_451, %dot_general3A_452 {dimension_numbers = #tpu.dot_dimension_numbers<[1], [0], [0], [1], [0, 0, 1, 1], [], []>, transpose_lhs_hint = false} : vector<1x512xf32>, vector<512x512xf32>, vector<1x512xf32> -> vector<1x512xf32>
    %lt3A_454 = arith.constant 5.000000e-01 : f32
    %lt3A_455 = vector.broadcast %lt3A_454 : f32 to vector<1x512xf32>
    %lt3A_456 = arith.cmpf olt, %dot_general3A_453, %lt3A_455 : vector<1x512xf32>
    %jit3A_457 = arith.constant 1.000000e+00 : f32
    %jit3A_458 = arith.constant 0.000000e+00 : f32
    %broadcast_in_dim3A_459 = vector.broadcast %jit3A_457 : f32 to vector<1x512xf32>
    %broadcast_in_dim3A_460 = vector.broadcast %jit3A_458 : f32 to vector<1x512xf32>
    %select_n3A_461 = arith.select %lt3A_456, %broadcast_in_dim3A_459, %broadcast_in_dim3A_460 : vector<1x512xi1>, vector<1x512xf32>
    %mul3A_462 = arith.mulf %get3A_434, %select_n3A_461 : vector<1x512xf32>
    %get3A_463 = arith.constant 0 : index
    %get3A_464 = arith.constant 0 : index
    %get3A_465 = vector.load %arg4[%get3A_463, %get3A_464] : memref<512x512xf32, #tpu.memory_space<vmem>>, vector<512x512xf32>
    %dot_general3A_466 = arith.constant dense<0.000000e+00> : vector<1x512xf32>
    %dot_general3A_467 = tpu.matmul %mul3A_462, %get3A_465, %dot_general3A_466 {dimension_numbers = #tpu.dot_dimension_numbers<[1], [0], [0], [1], [0, 0, 1, 1], [], []>, transpose_lhs_hint = false} : vector<1x512xf32>, vector<512x512xf32>, vector<1x512xf32> -> vector<1x512xf32>
    %lt3A_468 = arith.constant 5.000000e-01 : f32
    %lt3A_469 = vector.broadcast %lt3A_468 : f32 to vector<1x512xf32>
    %lt3A_470 = arith.cmpf olt, %dot_general3A_467, %lt3A_469 : vector<1x512xf32>
    %jit3A_471 = arith.constant 1.000000e+00 : f32
    %jit3A_472 = arith.constant 0.000000e+00 : f32
    %broadcast_in_dim3A_473 = vector.broadcast %jit3A_471 : f32 to vector<1x512xf32>
    %broadcast_in_dim3A_474 = vector.broadcast %jit3A_472 : f32 to vector<1x512xf32>
    %select_n3A_475 = arith.select %lt3A_470, %broadcast_in_dim3A_473, %broadcast_in_dim3A_474 : vector<1x512xi1>, vector<1x512xf32>
    %mul3A_476 = arith.mulf %get3A_434, %select_n3A_475 : vector<1x512xf32>
    %get3A_477 = arith.constant 0 : index
    %get3A_478 = arith.constant 0 : index
    %get3A_479 = vector.load %arg4[%get3A_477, %get3A_478] : memref<512x512xf32, #tpu.memory_space<vmem>>, vector<512x512xf32>
    %dot_general3A_480 = arith.constant dense<0.000000e+00> : vector<1x512xf32>
    %dot_general3A_481 = tpu.matmul %mul3A_476, %get3A_479, %dot_general3A_480 {dimension_numbers = #tpu.dot_dimension_numbers<[1], [0], [0], [1], [0, 0, 1, 1], [], []>, transpose_lhs_hint = false} : vector<1x512xf32>, vector<512x512xf32>, vector<1x512xf32> -> vector<1x512xf32>
    %lt3A_482 = arith.constant 5.000000e-01 : f32
    %lt3A_483 = vector.broadcast %lt3A_482 : f32 to vector<1x512xf32>
    %lt3A_484 = arith.cmpf olt, %dot_general3A_481, %lt3A_483 : vector<1x512xf32>
    %jit3A_485 = arith.constant 1.000000e+00 : f32
    %jit3A_486 = arith.constant 0.000000e+00 : f32
    %broadcast_in_dim3A_487 = vector.broadcast %jit3A_485 : f32 to vector<1x512xf32>
    %broadcast_in_dim3A_488 = vector.broadcast %jit3A_486 : f32 to vector<1x512xf32>
    %select_n3A_489 = arith.select %lt3A_484, %broadcast_in_dim3A_487, %broadcast_in_dim3A_488 : vector<1x512xi1>, vector<1x512xf32>
    %mul3A_490 = arith.mulf %get3A_434, %select_n3A_489 : vector<1x512xf32>
    %while3A_491:2 = scf.while (%while3A_2549 = %mul3A_490, %while3A_2550 = %mul3A_476) : (vector<1x512xf32>, vector<1x512xf32>) -> (vector<1x512xf32>, vector<1x512xf32>) {
      %ne3A = arith.cmpf one, %while3A_2549, %while3A_2550 : vector<1x512xf32>
      %reduce_or3A = arith.constant 1.000000e+00 : f32
      %reduce_or3A_2551 = arith.constant 0.000000e+00 : f32
      %reduce_or3A_2552 = vector.broadcast %reduce_or3A : f32 to vector<1x512xf32>
      %reduce_or3A_2553 = vector.broadcast %reduce_or3A_2551 : f32 to vector<1x512xf32>
      %reduce_or3A_2554 = arith.select %ne3A, %reduce_or3A_2552, %reduce_or3A_2553 : vector<1x512xi1>, vector<1x512xf32>
      %reduce_or3A_2555 = vector.shape_cast %reduce_or3A_2554 : vector<1x512xf32> to vector<1x1x512xf32>
      %reduce_or3A_2556 = arith.constant dense<0xFF800000> : vector<1xf32>
      %reduce_or3A_2557 = vector.multi_reduction <maximumf>, %reduce_or3A_2555, %reduce_or3A_2556 [1, 2] : vector<1x1x512xf32> to vector<1xf32>
      %reduce_or3A_2558 = vector.shape_cast %reduce_or3A_2557 : vector<1xf32> to vector<1x1x1xf32>
      %reduce_or3A_2559 = vector.extract %reduce_or3A_2558[0, 0, 0] : f32 from vector<1x1x1xf32>
      %reduce_or3A_2560 = arith.constant 0.000000e+00 : f32
      %reduce_or3A_2561 = arith.cmpf ogt, %reduce_or3A_2559, %reduce_or3A_2560 : f32
      scf.condition(%reduce_or3A_2561) %while3A_2549, %while3A_2550 : vector<1x512xf32>, vector<1x512xf32>
    } do {
    ^bb0(%while3A_2549: vector<1x512xf32>, %while3A_2550: vector<1x512xf32>):
      %get3A_2551 = arith.constant 0 : index
      %get3A_2552 = arith.constant 0 : index
      %get3A_2553 = vector.load %arg4[%get3A_2551, %get3A_2552] : memref<512x512xf32, #tpu.memory_space<vmem>>, vector<512x512xf32>
      %dot_general3A_2554 = arith.constant dense<0.000000e+00> : vector<1x512xf32>
      %dot_general3A_2555 = tpu.matmul %while3A_2549, %get3A_2553, %dot_general3A_2554 {dimension_numbers = #tpu.dot_dimension_numbers<[1], [0], [0], [1], [0, 0, 1, 1], [], []>, transpose_lhs_hint = false} : vector<1x512xf32>, vector<512x512xf32>, vector<1x512xf32> -> vector<1x512xf32>
      %lt3A_2556 = arith.constant 5.000000e-01 : f32
      %lt3A_2557 = vector.broadcast %lt3A_2556 : f32 to vector<1x512xf32>
      %lt3A_2558 = arith.cmpf olt, %dot_general3A_2555, %lt3A_2557 : vector<1x512xf32>
      %jit3A_2559 = arith.constant 1.000000e+00 : f32
      %jit3A_2560 = arith.constant 0.000000e+00 : f32
      %broadcast_in_dim3A_2561 = vector.broadcast %jit3A_2559 : f32 to vector<1x512xf32>
      %broadcast_in_dim3A_2562 = vector.broadcast %jit3A_2560 : f32 to vector<1x512xf32>
      %select_n3A_2563 = arith.select %lt3A_2558, %broadcast_in_dim3A_2561, %broadcast_in_dim3A_2562 : vector<1x512xi1>, vector<1x512xf32>
      %mul3A_2564 = arith.mulf %get3A_434, %select_n3A_2563 : vector<1x512xf32>
      scf.yield %mul3A_2564, %while3A_2549 : vector<1x512xf32>, vector<1x512xf32>
    }
    %swap3A_492 = arith.constant 0 : index
    %swap3A_493 = arith.constant 512 : index
    %swap3A_494 = vector.load %arg3[%swap3A_492, %swap3A_493] : memref<1x5120xf32, #tpu.memory_space<vmem>>, vector<1x512xf32>
    tpu.vector_store %arg3[%swap3A_492, %swap3A_493], %while3A_491#0 {strides = array<i32>} : memref<1x5120xf32, #tpu.memory_space<vmem>>, vector<1x512xf32>,
    %dot_general3A_495 = arith.constant dense<0.000000e+00> : vector<512x1xf32>
    %dot_general3A_496 = tpu.matmul %select_n3A, %while3A_491#0, %dot_general3A_495 {dimension_numbers = #tpu.dot_dimension_numbers<[1], [1], [0], [0], [0, 0, 1, 0], [], []>, transpose_lhs_hint = false} : vector<512x512xf32>, vector<1x512xf32>, vector<512x1xf32> -> vector<512x1xf32>
    %get3A_497 = arith.constant 512 : index
    %get3A_498 = arith.constant 0 : index
    %get3A_499 = vector.load %arg0[%get3A_497, %get3A_498] : memref<5120x8xf32, #tpu.memory_space<vmem>>, vector<512x4xf32>
    %mul3A_500 = vector.broadcast %dot_general3A_496 : vector<512x1xf32> to vector<512x4xf32>
    %mul3A_501 = arith.mulf %get3A_499, %mul3A_500 : vector<512x4xf32>
    %swap3A_502 = arith.constant 512 : index
    %swap3A_503 = arith.constant 0 : index
    %swap3A_504 = vector.load %arg2[%swap3A_502, %swap3A_503] : memref<5000x5xf32, #tpu.memory_space<vmem>>, vector<512x4xf32>
    tpu.vector_store %arg2[%swap3A_502, %swap3A_503], %mul3A_501 {strides = array<i32>} : memref<5000x5xf32, #tpu.memory_space<vmem>>, vector<512x4xf32>,
    %get3A_505 = arith.constant 512 : index
    %get3A_506 = arith.constant 4 : index
    %get3A_507 = vector.load %arg0[%get3A_505, %get3A_506] : memref<5120x8xf32, #tpu.memory_space<vmem>>, vector<512x1xf32>
    %mul3A_508 = arith.mulf %get3A_507, %dot_general3A_496 : vector<512x1xf32>
    %swap3A_509 = arith.constant 512 : index
    %swap3A_510 = arith.constant 4 : index
    %swap3A_511 = vector.load %arg2[%swap3A_509, %swap3A_510] : memref<5000x5xf32, #tpu.memory_space<vmem>>, vector<512x1xf32>
    tpu.vector_store %arg2[%swap3A_509, %swap3A_510], %mul3A_508 {strides = array<i32>} : memref<5000x5xf32, #tpu.memory_space<vmem>>, vector<512x1xf32>,
    %get3A_512 = arith.constant 0 : index
    %get3A_513 = arith.constant 1024 : index
    %get3A_514 = vector.load %arg5[%get3A_512, %get3A_513] : memref<8x5120xf32, #tpu.memory_space<vmem>>, vector<1x2048xf32>
    %get3A_515 = arith.constant 1 : index
    %get3A_516 = arith.constant 1024 : index
    %get3A_517 = vector.load %arg5[%get3A_515, %get3A_516] : memref<8x5120xf32, #tpu.memory_space<vmem>>, vector<1x2048xf32>
    %get3A_518 = arith.constant 2 : index
    %get3A_519 = arith.constant 1024 : index
    %get3A_520 = vector.load %arg5[%get3A_518, %get3A_519] : memref<8x5120xf32, #tpu.memory_space<vmem>>, vector<1x2048xf32>
    %get3A_521 = arith.constant 3 : index
    %get3A_522 = arith.constant 1024 : index
    %get3A_523 = vector.load %arg5[%get3A_521, %get3A_522] : memref<8x5120xf32, #tpu.memory_space<vmem>>, vector<1x2048xf32>
    %sub3A_524 = arith.subf %get3A_520, %get3A_514 : vector<1x2048xf32>
    %sub3A_525 = arith.subf %get3A_523, %get3A_517 : vector<1x2048xf32>
    %mul3A_526 = arith.mulf %sub3A_524, %sub3A_525 : vector<1x2048xf32>
    %min3A_527 = vector.broadcast %get3A_369 : vector<512x1xf32> to vector<512x2048xf32>
    %min3A_528 = vector.broadcast %get3A_520 : vector<1x2048xf32> to vector<512x2048xf32>
    %min3A_529 = arith.minimumf %min3A_527, %min3A_528 : vector<512x2048xf32>
    %max3A_530 = vector.broadcast %get3A_363 : vector<512x1xf32> to vector<512x2048xf32>
    %max3A_531 = vector.broadcast %get3A_514 : vector<1x2048xf32> to vector<512x2048xf32>
    %max3A_532 = arith.maximumf %max3A_530, %max3A_531 : vector<512x2048xf32>
    %sub3A_533 = arith.subf %min3A_529, %max3A_532 : vector<512x2048xf32>
    %max3A_534 = arith.constant 0.000000e+00 : f32
    %max3A_535 = vector.broadcast %max3A_534 : f32 to vector<512x2048xf32>
    %max3A_536 = arith.maximumf %max3A_535, %sub3A_533 : vector<512x2048xf32>
    %min3A_537 = vector.broadcast %get3A_372 : vector<512x1xf32> to vector<512x2048xf32>
    %min3A_538 = vector.broadcast %get3A_523 : vector<1x2048xf32> to vector<512x2048xf32>
    %min3A_539 = arith.minimumf %min3A_537, %min3A_538 : vector<512x2048xf32>
    %max3A_540 = vector.broadcast %get3A_366 : vector<512x1xf32> to vector<512x2048xf32>
    %max3A_541 = vector.broadcast %get3A_517 : vector<1x2048xf32> to vector<512x2048xf32>
    %max3A_542 = arith.maximumf %max3A_540, %max3A_541 : vector<512x2048xf32>
    %sub3A_543 = arith.subf %min3A_539, %max3A_542 : vector<512x2048xf32>
    %max3A_544 = arith.constant 0.000000e+00 : f32
    %max3A_545 = vector.broadcast %max3A_544 : f32 to vector<512x2048xf32>
    %max3A_546 = arith.maximumf %max3A_545, %sub3A_543 : vector<512x2048xf32>
    %mul3A_547 = arith.mulf %max3A_536, %max3A_546 : vector<512x2048xf32>
    %add3A_548 = vector.broadcast %mul3A_375 : vector<512x1xf32> to vector<512x2048xf32>
    %add3A_549 = vector.broadcast %mul3A_526 : vector<1x2048xf32> to vector<512x2048xf32>
    %add3A_550 = arith.addf %add3A_548, %add3A_549 : vector<512x2048xf32>
    %sub3A_551 = arith.subf %add3A_550, %mul3A_547 : vector<512x2048xf32>
    %add3A_552 = arith.constant 9.99999997E-7 : f32
    %add3A_553 = vector.broadcast %add3A_552 : f32 to vector<512x2048xf32>
    %add3A_554 = arith.addf %sub3A_551, %add3A_553 : vector<512x2048xf32>
    %mul3A_555 = arith.constant 3.000000e-01 : f32
    %mul3A_556 = vector.broadcast %mul3A_555 : f32 to vector<512x2048xf32>
    %mul3A_557 = arith.mulf %mul3A_556, %add3A_554 : vector<512x2048xf32>
    %gt3A_558 = arith.cmpf ogt, %mul3A_547, %mul3A_557 : vector<512x2048xf32>
    %jit3A_559 = arith.constant 1.000000e+00 : f32
    %jit3A_560 = arith.constant 0.000000e+00 : f32
    %broadcast_in_dim3A_561 = vector.broadcast %jit3A_559 : f32 to vector<512x2048xf32>
    %broadcast_in_dim3A_562 = vector.broadcast %jit3A_560 : f32 to vector<512x2048xf32>
    %select_n3A_563 = arith.select %gt3A_558, %broadcast_in_dim3A_561, %broadcast_in_dim3A_562 : vector<512x2048xi1>, vector<512x2048xf32>
    %dot_general3A_564 = arith.constant dense<0.000000e+00> : vector<1x2048xf32>
    %dot_general3A_565 = tpu.matmul %while3A_491#0, %select_n3A_563, %dot_general3A_564 {dimension_numbers = #tpu.dot_dimension_numbers<[1], [0], [0], [1], [0, 0, 1, 1], [], []>, transpose_lhs_hint = false} : vector<1x512xf32>, vector<512x2048xf32>, vector<1x2048xf32> -> vector<1x2048xf32>
    %get3A_566 = arith.constant 0 : index
    %get3A_567 = arith.constant 1024 : index
    %get3A_568 = vector.load %arg3[%get3A_566, %get3A_567] : memref<1x5120xf32, #tpu.memory_space<vmem>>, vector<1x2048xf32>
    %lt3A_569 = arith.constant 5.000000e-01 : f32
    %lt3A_570 = vector.broadcast %lt3A_569 : f32 to vector<1x2048xf32>
    %lt3A_571 = arith.cmpf olt, %dot_general3A_565, %lt3A_570 : vector<1x2048xf32>
    %jit3A_572 = arith.constant 1.000000e+00 : f32
    %jit3A_573 = arith.constant 0.000000e+00 : f32
    %broadcast_in_dim3A_574 = vector.broadcast %jit3A_572 : f32 to vector<1x2048xf32>
    %broadcast_in_dim3A_575 = vector.broadcast %jit3A_573 : f32 to vector<1x2048xf32>
    %select_n3A_576 = arith.select %lt3A_571, %broadcast_in_dim3A_574, %broadcast_in_dim3A_575 : vector<1x2048xi1>, vector<1x2048xf32>
    %mul3A_577 = arith.mulf %get3A_568, %select_n3A_576 : vector<1x2048xf32>
    %swap3A_578 = arith.constant 0 : index
    %swap3A_579 = arith.constant 1024 : index
    %swap3A_580 = vector.load %arg3[%swap3A_578, %swap3A_579] : memref<1x5120xf32, #tpu.memory_space<vmem>>, vector<1x2048xf32>
    tpu.vector_store %arg3[%swap3A_578, %swap3A_579], %mul3A_577 {strides = array<i32>} : memref<1x5120xf32, #tpu.memory_space<vmem>>, vector<1x2048xf32>,
    %get3A_581 = arith.constant 0 : index
    %get3A_582 = arith.constant 3072 : index
    %get3A_583 = vector.load %arg5[%get3A_581, %get3A_582] : memref<8x5120xf32, #tpu.memory_space<vmem>>, vector<1x2048xf32>
    %get3A_584 = arith.constant 1 : index
    %get3A_585 = arith.constant 3072 : index
    %get3A_586 = vector.load %arg5[%get3A_584, %get3A_585] : memref<8x5120xf32, #tpu.memory_space<vmem>>, vector<1x2048xf32>
    %get3A_587 = arith.constant 2 : index
    %get3A_588 = arith.constant 3072 : index
    %get3A_589 = vector.load %arg5[%get3A_587, %get3A_588] : memref<8x5120xf32, #tpu.memory_space<vmem>>, vector<1x2048xf32>
    %get3A_590 = arith.constant 3 : index
    %get3A_591 = arith.constant 3072 : index
    %get3A_592 = vector.load %arg5[%get3A_590, %get3A_591] : memref<8x5120xf32, #tpu.memory_space<vmem>>, vector<1x2048xf32>
    %sub3A_593 = arith.subf %get3A_589, %get3A_583 : vector<1x2048xf32>
    %sub3A_594 = arith.subf %get3A_592, %get3A_586 : vector<1x2048xf32>
    %mul3A_595 = arith.mulf %sub3A_593, %sub3A_594 : vector<1x2048xf32>
    %min3A_596 = vector.broadcast %get3A_369 : vector<512x1xf32> to vector<512x2048xf32>
    %min3A_597 = vector.broadcast %get3A_589 : vector<1x2048xf32> to vector<512x2048xf32>
    %min3A_598 = arith.minimumf %min3A_596, %min3A_597 : vector<512x2048xf32>
    %max3A_599 = vector.broadcast %get3A_363 : vector<512x1xf32> to vector<512x2048xf32>
    %max3A_600 = vector.broadcast %get3A_583 : vector<1x2048xf32> to vector<512x2048xf32>
    %max3A_601 = arith.maximumf %max3A_599, %max3A_600 : vector<512x2048xf32>
    %sub3A_602 = arith.subf %min3A_598, %max3A_601 : vector<512x2048xf32>
    %max3A_603 = arith.constant 0.000000e+00 : f32
    %max3A_604 = vector.broadcast %max3A_603 : f32 to vector<512x2048xf32>
    %max3A_605 = arith.maximumf %max3A_604, %sub3A_602 : vector<512x2048xf32>
    %min3A_606 = vector.broadcast %get3A_372 : vector<512x1xf32> to vector<512x2048xf32>
    %min3A_607 = vector.broadcast %get3A_592 : vector<1x2048xf32> to vector<512x2048xf32>
    %min3A_608 = arith.minimumf %min3A_606, %min3A_607 : vector<512x2048xf32>
    %max3A_609 = vector.broadcast %get3A_366 : vector<512x1xf32> to vector<512x2048xf32>
    %max3A_610 = vector.broadcast %get3A_586 : vector<1x2048xf32> to vector<512x2048xf32>
    %max3A_611 = arith.maximumf %max3A_609, %max3A_610 : vector<512x2048xf32>
    %sub3A_612 = arith.subf %min3A_608, %max3A_611 : vector<512x2048xf32>
    %max3A_613 = arith.constant 0.000000e+00 : f32
    %max3A_614 = vector.broadcast %max3A_613 : f32 to vector<512x2048xf32>
    %max3A_615 = arith.maximumf %max3A_614, %sub3A_612 : vector<512x2048xf32>
    %mul3A_616 = arith.mulf %max3A_605, %max3A_615 : vector<512x2048xf32>
    %add3A_617 = vector.broadcast %mul3A_375 : vector<512x1xf32> to vector<512x2048xf32>
    %add3A_618 = vector.broadcast %mul3A_595 : vector<1x2048xf32> to vector<512x2048xf32>
    %add3A_619 = arith.addf %add3A_617, %add3A_618 : vector<512x2048xf32>
    %sub3A_620 = arith.subf %add3A_619, %mul3A_616 : vector<512x2048xf32>
    %add3A_621 = arith.constant 9.99999997E-7 : f32
    %add3A_622 = vector.broadcast %add3A_621 : f32 to vector<512x2048xf32>
    %add3A_623 = arith.addf %sub3A_620, %add3A_622 : vector<512x2048xf32>
    %mul3A_624 = arith.constant 3.000000e-01 : f32
    %mul3A_625 = vector.broadcast %mul3A_624 : f32 to vector<512x2048xf32>
    %mul3A_626 = arith.mulf %mul3A_625, %add3A_623 : vector<512x2048xf32>
    %gt3A_627 = arith.cmpf ogt, %mul3A_616, %mul3A_626 : vector<512x2048xf32>
    %jit3A_628 = arith.constant 1.000000e+00 : f32
    %jit3A_629 = arith.constant 0.000000e+00 : f32
    %broadcast_in_dim3A_630 = vector.broadcast %jit3A_628 : f32 to vector<512x2048xf32>
    %broadcast_in_dim3A_631 = vector.broadcast %jit3A_629 : f32 to vector<512x2048xf32>
    %select_n3A_632 = arith.select %gt3A_627, %broadcast_in_dim3A_630, %broadcast_in_dim3A_631 : vector<512x2048xi1>, vector<512x2048xf32>
    %dot_general3A_633 = arith.constant dense<0.000000e+00> : vector<1x2048xf32>
    %dot_general3A_634 = tpu.matmul %while3A_491#0, %select_n3A_632, %dot_general3A_633 {dimension_numbers = #tpu.dot_dimension_numbers<[1], [0], [0], [1], [0, 0, 1, 1], [], []>, transpose_lhs_hint = false} : vector<1x512xf32>, vector<512x2048xf32>, vector<1x2048xf32> -> vector<1x2048xf32>
    %get3A_635 = arith.constant 0 : index
    %get3A_636 = arith.constant 3072 : index
    %get3A_637 = vector.load %arg3[%get3A_635, %get3A_636] : memref<1x5120xf32, #tpu.memory_space<vmem>>, vector<1x2048xf32>
    %lt3A_638 = arith.constant 5.000000e-01 : f32
    %lt3A_639 = vector.broadcast %lt3A_638 : f32 to vector<1x2048xf32>
    %lt3A_640 = arith.cmpf olt, %dot_general3A_634, %lt3A_639 : vector<1x2048xf32>
    %jit3A_641 = arith.constant 1.000000e+00 : f32
    %jit3A_642 = arith.constant 0.000000e+00 : f32
    %broadcast_in_dim3A_643 = vector.broadcast %jit3A_641 : f32 to vector<1x2048xf32>
    %broadcast_in_dim3A_644 = vector.broadcast %jit3A_642 : f32 to vector<1x2048xf32>
    %select_n3A_645 = arith.select %lt3A_640, %broadcast_in_dim3A_643, %broadcast_in_dim3A_644 : vector<1x2048xi1>, vector<1x2048xf32>
    %mul3A_646 = arith.mulf %get3A_637, %select_n3A_645 : vector<1x2048xf32>
    %swap3A_647 = arith.constant 0 : index
    %swap3A_648 = arith.constant 3072 : index
    %swap3A_649 = vector.load %arg3[%swap3A_647, %swap3A_648] : memref<1x5120xf32, #tpu.memory_space<vmem>>, vector<1x2048xf32>
    tpu.vector_store %arg3[%swap3A_647, %swap3A_648], %mul3A_646 {strides = array<i32>} : memref<1x5120xf32, #tpu.memory_space<vmem>>, vector<1x2048xf32>,
    %get3A_650 = arith.constant 1024 : index
    %get3A_651 = arith.constant 0 : index
    %get3A_652 = vector.load %arg0[%get3A_650, %get3A_651] : memref<5120x8xf32, #tpu.memory_space<vmem>>, vector<512x1xf32>
    %get3A_653 = arith.constant 1024 : index
    %get3A_654 = arith.constant 1 : index
    %get3A_655 = vector.load %arg0[%get3A_653, %get3A_654] : memref<5120x8xf32, #tpu.memory_space<vmem>>, vector<512x1xf32>
    %get3A_656 = arith.constant 1024 : index
    %get3A_657 = arith.constant 2 : index
    %get3A_658 = vector.load %arg0[%get3A_656, %get3A_657] : memref<5120x8xf32, #tpu.memory_space<vmem>>, vector<512x1xf32>
    %get3A_659 = arith.constant 1024 : index
    %get3A_660 = arith.constant 3 : index
    %get3A_661 = vector.load %arg0[%get3A_659, %get3A_660] : memref<5120x8xf32, #tpu.memory_space<vmem>>, vector<512x1xf32>
    %sub3A_662 = arith.subf %get3A_658, %get3A_652 : vector<512x1xf32>
    %sub3A_663 = arith.subf %get3A_661, %get3A_655 : vector<512x1xf32>
    %mul3A_664 = arith.mulf %sub3A_662, %sub3A_663 : vector<512x1xf32>
    %get3A_665 = arith.constant 0 : index
    %get3A_666 = arith.constant 1024 : index
    %get3A_667 = vector.load %arg5[%get3A_665, %get3A_666] : memref<8x5120xf32, #tpu.memory_space<vmem>>, vector<1x512xf32>
    %get3A_668 = arith.constant 1 : index
    %get3A_669 = arith.constant 1024 : index
    %get3A_670 = vector.load %arg5[%get3A_668, %get3A_669] : memref<8x5120xf32, #tpu.memory_space<vmem>>, vector<1x512xf32>
    %get3A_671 = arith.constant 2 : index
    %get3A_672 = arith.constant 1024 : index
    %get3A_673 = vector.load %arg5[%get3A_671, %get3A_672] : memref<8x5120xf32, #tpu.memory_space<vmem>>, vector<1x512xf32>
    %get3A_674 = arith.constant 3 : index
    %get3A_675 = arith.constant 1024 : index
    %get3A_676 = vector.load %arg5[%get3A_674, %get3A_675] : memref<8x5120xf32, #tpu.memory_space<vmem>>, vector<1x512xf32>
    %sub3A_677 = arith.subf %get3A_673, %get3A_667 : vector<1x512xf32>
    %sub3A_678 = arith.subf %get3A_676, %get3A_670 : vector<1x512xf32>
    %mul3A_679 = arith.mulf %sub3A_677, %sub3A_678 : vector<1x512xf32>
    %min3A_680 = vector.broadcast %get3A_658 : vector<512x1xf32> to vector<512x512xf32>
    %min3A_681 = vector.broadcast %get3A_673 : vector<1x512xf32> to vector<512x512xf32>
    %min3A_682 = arith.minimumf %min3A_680, %min3A_681 : vector<512x512xf32>
    %max3A_683 = vector.broadcast %get3A_652 : vector<512x1xf32> to vector<512x512xf32>
    %max3A_684 = vector.broadcast %get3A_667 : vector<1x512xf32> to vector<512x512xf32>
    %max3A_685 = arith.maximumf %max3A_683, %max3A_684 : vector<512x512xf32>
    %sub3A_686 = arith.subf %min3A_682, %max3A_685 : vector<512x512xf32>
    %max3A_687 = arith.constant 0.000000e+00 : f32
    %max3A_688 = vector.broadcast %max3A_687 : f32 to vector<512x512xf32>
    %max3A_689 = arith.maximumf %max3A_688, %sub3A_686 : vector<512x512xf32>
    %min3A_690 = vector.broadcast %get3A_661 : vector<512x1xf32> to vector<512x512xf32>
    %min3A_691 = vector.broadcast %get3A_676 : vector<1x512xf32> to vector<512x512xf32>
    %min3A_692 = arith.minimumf %min3A_690, %min3A_691 : vector<512x512xf32>
    %max3A_693 = vector.broadcast %get3A_655 : vector<512x1xf32> to vector<512x512xf32>
    %max3A_694 = vector.broadcast %get3A_670 : vector<1x512xf32> to vector<512x512xf32>
    %max3A_695 = arith.maximumf %max3A_693, %max3A_694 : vector<512x512xf32>
    %sub3A_696 = arith.subf %min3A_692, %max3A_695 : vector<512x512xf32>
    %max3A_697 = arith.constant 0.000000e+00 : f32
    %max3A_698 = vector.broadcast %max3A_697 : f32 to vector<512x512xf32>
    %max3A_699 = arith.maximumf %max3A_698, %sub3A_696 : vector<512x512xf32>
    %mul3A_700 = arith.mulf %max3A_689, %max3A_699 : vector<512x512xf32>
    %add3A_701 = vector.broadcast %mul3A_664 : vector<512x1xf32> to vector<512x512xf32>
    %add3A_702 = vector.broadcast %mul3A_679 : vector<1x512xf32> to vector<512x512xf32>
    %add3A_703 = arith.addf %add3A_701, %add3A_702 : vector<512x512xf32>
    %sub3A_704 = arith.subf %add3A_703, %mul3A_700 : vector<512x512xf32>
    %add3A_705 = arith.constant 9.99999997E-7 : f32
    %add3A_706 = vector.broadcast %add3A_705 : f32 to vector<512x512xf32>
    %add3A_707 = arith.addf %sub3A_704, %add3A_706 : vector<512x512xf32>
    %mul3A_708 = arith.constant 3.000000e-01 : f32
    %mul3A_709 = vector.broadcast %mul3A_708 : f32 to vector<512x512xf32>
    %mul3A_710 = arith.mulf %mul3A_709, %add3A_707 : vector<512x512xf32>
    %gt3A_711 = arith.cmpf ogt, %mul3A_700, %mul3A_710 : vector<512x512xf32>
    %and3A_712 = arith.andi %gt3A_711, %gt3A : vector<512x512xi1>
    %jit3A_713 = arith.constant 1.000000e+00 : f32
    %jit3A_714 = arith.constant 0.000000e+00 : f32
    %broadcast_in_dim3A_715 = vector.broadcast %jit3A_713 : f32 to vector<512x512xf32>
    %broadcast_in_dim3A_716 = vector.broadcast %jit3A_714 : f32 to vector<512x512xf32>
    %select_n3A_717 = arith.select %and3A_712, %broadcast_in_dim3A_715, %broadcast_in_dim3A_716 : vector<512x512xi1>, vector<512x512xf32>
    %swap3A_718 = arith.constant 0 : index
    %swap3A_719 = arith.constant 0 : index
    %swap3A_720 = vector.load %arg4[%swap3A_718, %swap3A_719] : memref<512x512xf32, #tpu.memory_space<vmem>>, vector<512x512xf32>
    tpu.vector_store %arg4[%swap3A_718, %swap3A_719], %select_n3A_717 {strides = array<i32>} : memref<512x512xf32, #tpu.memory_space<vmem>>, vector<512x512xf32>,
    %get3A_721 = arith.constant 0 : index
    %get3A_722 = arith.constant 1024 : index
    %get3A_723 = vector.load %arg3[%get3A_721, %get3A_722] : memref<1x5120xf32, #tpu.memory_space<vmem>>, vector<1x512xf32>
    %get3A_724 = arith.constant 0 : index
    %get3A_725 = arith.constant 0 : index
    %get3A_726 = vector.load %arg4[%get3A_724, %get3A_725] : memref<512x512xf32, #tpu.memory_space<vmem>>, vector<512x512xf32>
    %dot_general3A_727 = arith.constant dense<0.000000e+00> : vector<1x512xf32>
    %dot_general3A_728 = tpu.matmul %get3A_723, %get3A_726, %dot_general3A_727 {dimension_numbers = #tpu.dot_dimension_numbers<[1], [0], [0], [1], [0, 0, 1, 1], [], []>, transpose_lhs_hint = false} : vector<1x512xf32>, vector<512x512xf32>, vector<1x512xf32> -> vector<1x512xf32>
    %lt3A_729 = arith.constant 5.000000e-01 : f32
    %lt3A_730 = vector.broadcast %lt3A_729 : f32 to vector<1x512xf32>
    %lt3A_731 = arith.cmpf olt, %dot_general3A_728, %lt3A_730 : vector<1x512xf32>
    %jit3A_732 = arith.constant 1.000000e+00 : f32
    %jit3A_733 = arith.constant 0.000000e+00 : f32
    %broadcast_in_dim3A_734 = vector.broadcast %jit3A_732 : f32 to vector<1x512xf32>
    %broadcast_in_dim3A_735 = vector.broadcast %jit3A_733 : f32 to vector<1x512xf32>
    %select_n3A_736 = arith.select %lt3A_731, %broadcast_in_dim3A_734, %broadcast_in_dim3A_735 : vector<1x512xi1>, vector<1x512xf32>
    %mul3A_737 = arith.mulf %get3A_723, %select_n3A_736 : vector<1x512xf32>
    %get3A_738 = arith.constant 0 : index
    %get3A_739 = arith.constant 0 : index
    %get3A_740 = vector.load %arg4[%get3A_738, %get3A_739] : memref<512x512xf32, #tpu.memory_space<vmem>>, vector<512x512xf32>
    %dot_general3A_741 = arith.constant dense<0.000000e+00> : vector<1x512xf32>
    %dot_general3A_742 = tpu.matmul %mul3A_737, %get3A_740, %dot_general3A_741 {dimension_numbers = #tpu.dot_dimension_numbers<[1], [0], [0], [1], [0, 0, 1, 1], [], []>, transpose_lhs_hint = false} : vector<1x512xf32>, vector<512x512xf32>, vector<1x512xf32> -> vector<1x512xf32>
    %lt3A_743 = arith.constant 5.000000e-01 : f32
    %lt3A_744 = vector.broadcast %lt3A_743 : f32 to vector<1x512xf32>
    %lt3A_745 = arith.cmpf olt, %dot_general3A_742, %lt3A_744 : vector<1x512xf32>
    %jit3A_746 = arith.constant 1.000000e+00 : f32
    %jit3A_747 = arith.constant 0.000000e+00 : f32
    %broadcast_in_dim3A_748 = vector.broadcast %jit3A_746 : f32 to vector<1x512xf32>
    %broadcast_in_dim3A_749 = vector.broadcast %jit3A_747 : f32 to vector<1x512xf32>
    %select_n3A_750 = arith.select %lt3A_745, %broadcast_in_dim3A_748, %broadcast_in_dim3A_749 : vector<1x512xi1>, vector<1x512xf32>
    %mul3A_751 = arith.mulf %get3A_723, %select_n3A_750 : vector<1x512xf32>
    %get3A_752 = arith.constant 0 : index
    %get3A_753 = arith.constant 0 : index
    %get3A_754 = vector.load %arg4[%get3A_752, %get3A_753] : memref<512x512xf32, #tpu.memory_space<vmem>>, vector<512x512xf32>
    %dot_general3A_755 = arith.constant dense<0.000000e+00> : vector<1x512xf32>
    %dot_general3A_756 = tpu.matmul %mul3A_751, %get3A_754, %dot_general3A_755 {dimension_numbers = #tpu.dot_dimension_numbers<[1], [0], [0], [1], [0, 0, 1, 1], [], []>, transpose_lhs_hint = false} : vector<1x512xf32>, vector<512x512xf32>, vector<1x512xf32> -> vector<1x512xf32>
    %lt3A_757 = arith.constant 5.000000e-01 : f32
    %lt3A_758 = vector.broadcast %lt3A_757 : f32 to vector<1x512xf32>
    %lt3A_759 = arith.cmpf olt, %dot_general3A_756, %lt3A_758 : vector<1x512xf32>
    %jit3A_760 = arith.constant 1.000000e+00 : f32
    %jit3A_761 = arith.constant 0.000000e+00 : f32
    %broadcast_in_dim3A_762 = vector.broadcast %jit3A_760 : f32 to vector<1x512xf32>
    %broadcast_in_dim3A_763 = vector.broadcast %jit3A_761 : f32 to vector<1x512xf32>
    %select_n3A_764 = arith.select %lt3A_759, %broadcast_in_dim3A_762, %broadcast_in_dim3A_763 : vector<1x512xi1>, vector<1x512xf32>
    %mul3A_765 = arith.mulf %get3A_723, %select_n3A_764 : vector<1x512xf32>
    %get3A_766 = arith.constant 0 : index
    %get3A_767 = arith.constant 0 : index
    %get3A_768 = vector.load %arg4[%get3A_766, %get3A_767] : memref<512x512xf32, #tpu.memory_space<vmem>>, vector<512x512xf32>
    %dot_general3A_769 = arith.constant dense<0.000000e+00> : vector<1x512xf32>
    %dot_general3A_770 = tpu.matmul %mul3A_765, %get3A_768, %dot_general3A_769 {dimension_numbers = #tpu.dot_dimension_numbers<[1], [0], [0], [1], [0, 0, 1, 1], [], []>, transpose_lhs_hint = false} : vector<1x512xf32>, vector<512x512xf32>, vector<1x512xf32> -> vector<1x512xf32>
    %lt3A_771 = arith.constant 5.000000e-01 : f32
    %lt3A_772 = vector.broadcast %lt3A_771 : f32 to vector<1x512xf32>
    %lt3A_773 = arith.cmpf olt, %dot_general3A_770, %lt3A_772 : vector<1x512xf32>
    %jit3A_774 = arith.constant 1.000000e+00 : f32
    %jit3A_775 = arith.constant 0.000000e+00 : f32
    %broadcast_in_dim3A_776 = vector.broadcast %jit3A_774 : f32 to vector<1x512xf32>
    %broadcast_in_dim3A_777 = vector.broadcast %jit3A_775 : f32 to vector<1x512xf32>
    %select_n3A_778 = arith.select %lt3A_773, %broadcast_in_dim3A_776, %broadcast_in_dim3A_777 : vector<1x512xi1>, vector<1x512xf32>
    %mul3A_779 = arith.mulf %get3A_723, %select_n3A_778 : vector<1x512xf32>
    %while3A_780:2 = scf.while (%while3A_2549 = %mul3A_779, %while3A_2550 = %mul3A_765) : (vector<1x512xf32>, vector<1x512xf32>) -> (vector<1x512xf32>, vector<1x512xf32>) {
      %ne3A = arith.cmpf one, %while3A_2549, %while3A_2550 : vector<1x512xf32>
      %reduce_or3A = arith.constant 1.000000e+00 : f32
      %reduce_or3A_2551 = arith.constant 0.000000e+00 : f32
      %reduce_or3A_2552 = vector.broadcast %reduce_or3A : f32 to vector<1x512xf32>
      %reduce_or3A_2553 = vector.broadcast %reduce_or3A_2551 : f32 to vector<1x512xf32>
      %reduce_or3A_2554 = arith.select %ne3A, %reduce_or3A_2552, %reduce_or3A_2553 : vector<1x512xi1>, vector<1x512xf32>
      %reduce_or3A_2555 = vector.shape_cast %reduce_or3A_2554 : vector<1x512xf32> to vector<1x1x512xf32>
      %reduce_or3A_2556 = arith.constant dense<0xFF800000> : vector<1xf32>
      %reduce_or3A_2557 = vector.multi_reduction <maximumf>, %reduce_or3A_2555, %reduce_or3A_2556 [1, 2] : vector<1x1x512xf32> to vector<1xf32>
      %reduce_or3A_2558 = vector.shape_cast %reduce_or3A_2557 : vector<1xf32> to vector<1x1x1xf32>
      %reduce_or3A_2559 = vector.extract %reduce_or3A_2558[0, 0, 0] : f32 from vector<1x1x1xf32>
      %reduce_or3A_2560 = arith.constant 0.000000e+00 : f32
      %reduce_or3A_2561 = arith.cmpf ogt, %reduce_or3A_2559, %reduce_or3A_2560 : f32
      scf.condition(%reduce_or3A_2561) %while3A_2549, %while3A_2550 : vector<1x512xf32>, vector<1x512xf32>
    } do {
    ^bb0(%while3A_2549: vector<1x512xf32>, %while3A_2550: vector<1x512xf32>):
      %get3A_2551 = arith.constant 0 : index
      %get3A_2552 = arith.constant 0 : index
      %get3A_2553 = vector.load %arg4[%get3A_2551, %get3A_2552] : memref<512x512xf32, #tpu.memory_space<vmem>>, vector<512x512xf32>
      %dot_general3A_2554 = arith.constant dense<0.000000e+00> : vector<1x512xf32>
      %dot_general3A_2555 = tpu.matmul %while3A_2549, %get3A_2553, %dot_general3A_2554 {dimension_numbers = #tpu.dot_dimension_numbers<[1], [0], [0], [1], [0, 0, 1, 1], [], []>, transpose_lhs_hint = false} : vector<1x512xf32>, vector<512x512xf32>, vector<1x512xf32> -> vector<1x512xf32>
      %lt3A_2556 = arith.constant 5.000000e-01 : f32
      %lt3A_2557 = vector.broadcast %lt3A_2556 : f32 to vector<1x512xf32>
      %lt3A_2558 = arith.cmpf olt, %dot_general3A_2555, %lt3A_2557 : vector<1x512xf32>
      %jit3A_2559 = arith.constant 1.000000e+00 : f32
      %jit3A_2560 = arith.constant 0.000000e+00 : f32
      %broadcast_in_dim3A_2561 = vector.broadcast %jit3A_2559 : f32 to vector<1x512xf32>
      %broadcast_in_dim3A_2562 = vector.broadcast %jit3A_2560 : f32 to vector<1x512xf32>
      %select_n3A_2563 = arith.select %lt3A_2558, %broadcast_in_dim3A_2561, %broadcast_in_dim3A_2562 : vector<1x512xi1>, vector<1x512xf32>
      %mul3A_2564 = arith.mulf %get3A_723, %select_n3A_2563 : vector<1x512xf32>
      scf.yield %mul3A_2564, %while3A_2549 : vector<1x512xf32>, vector<1x512xf32>
    }
    %swap3A_781 = arith.constant 0 : index
    %swap3A_782 = arith.constant 1024 : index
    %swap3A_783 = vector.load %arg3[%swap3A_781, %swap3A_782] : memref<1x5120xf32, #tpu.memory_space<vmem>>, vector<1x512xf32>
    tpu.vector_store %arg3[%swap3A_781, %swap3A_782], %while3A_780#0 {strides = array<i32>} : memref<1x5120xf32, #tpu.memory_space<vmem>>, vector<1x512xf32>,
    %dot_general3A_784 = arith.constant dense<0.000000e+00> : vector<512x1xf32>
    %dot_general3A_785 = tpu.matmul %select_n3A, %while3A_780#0, %dot_general3A_784 {dimension_numbers = #tpu.dot_dimension_numbers<[1], [1], [0], [0], [0, 0, 1, 0], [], []>, transpose_lhs_hint = false} : vector<512x512xf32>, vector<1x512xf32>, vector<512x1xf32> -> vector<512x1xf32>
    %get3A_786 = arith.constant 1024 : index
    %get3A_787 = arith.constant 0 : index
    %get3A_788 = vector.load %arg0[%get3A_786, %get3A_787] : memref<5120x8xf32, #tpu.memory_space<vmem>>, vector<512x4xf32>
    %mul3A_789 = vector.broadcast %dot_general3A_785 : vector<512x1xf32> to vector<512x4xf32>
    %mul3A_790 = arith.mulf %get3A_788, %mul3A_789 : vector<512x4xf32>
    %swap3A_791 = arith.constant 1024 : index
    %swap3A_792 = arith.constant 0 : index
    %swap3A_793 = vector.load %arg2[%swap3A_791, %swap3A_792] : memref<5000x5xf32, #tpu.memory_space<vmem>>, vector<512x4xf32>
    tpu.vector_store %arg2[%swap3A_791, %swap3A_792], %mul3A_790 {strides = array<i32>} : memref<5000x5xf32, #tpu.memory_space<vmem>>, vector<512x4xf32>,
    %get3A_794 = arith.constant 1024 : index
    %get3A_795 = arith.constant 4 : index
    %get3A_796 = vector.load %arg0[%get3A_794, %get3A_795] : memref<5120x8xf32, #tpu.memory_space<vmem>>, vector<512x1xf32>
    %mul3A_797 = arith.mulf %get3A_796, %dot_general3A_785 : vector<512x1xf32>
    %swap3A_798 = arith.constant 1024 : index
    %swap3A_799 = arith.constant 4 : index
    %swap3A_800 = vector.load %arg2[%swap3A_798, %swap3A_799] : memref<5000x5xf32, #tpu.memory_space<vmem>>, vector<512x1xf32>
    tpu.vector_store %arg2[%swap3A_798, %swap3A_799], %mul3A_797 {strides = array<i32>} : memref<5000x5xf32, #tpu.memory_space<vmem>>, vector<512x1xf32>,
    %get3A_801 = arith.constant 0 : index
    %get3A_802 = arith.constant 1536 : index
    %get3A_803 = vector.load %arg5[%get3A_801, %get3A_802] : memref<8x5120xf32, #tpu.memory_space<vmem>>, vector<1x2048xf32>
    %get3A_804 = arith.constant 1 : index
    %get3A_805 = arith.constant 1536 : index
    %get3A_806 = vector.load %arg5[%get3A_804, %get3A_805] : memref<8x5120xf32, #tpu.memory_space<vmem>>, vector<1x2048xf32>
    %get3A_807 = arith.constant 2 : index
    %get3A_808 = arith.constant 1536 : index
    %get3A_809 = vector.load %arg5[%get3A_807, %get3A_808] : memref<8x5120xf32, #tpu.memory_space<vmem>>, vector<1x2048xf32>
    %get3A_810 = arith.constant 3 : index
    %get3A_811 = arith.constant 1536 : index
    %get3A_812 = vector.load %arg5[%get3A_810, %get3A_811] : memref<8x5120xf32, #tpu.memory_space<vmem>>, vector<1x2048xf32>
    %sub3A_813 = arith.subf %get3A_809, %get3A_803 : vector<1x2048xf32>
    %sub3A_814 = arith.subf %get3A_812, %get3A_806 : vector<1x2048xf32>
    %mul3A_815 = arith.mulf %sub3A_813, %sub3A_814 : vector<1x2048xf32>
    %min3A_816 = vector.broadcast %get3A_658 : vector<512x1xf32> to vector<512x2048xf32>
    %min3A_817 = vector.broadcast %get3A_809 : vector<1x2048xf32> to vector<512x2048xf32>
    %min3A_818 = arith.minimumf %min3A_816, %min3A_817 : vector<512x2048xf32>
    %max3A_819 = vector.broadcast %get3A_652 : vector<512x1xf32> to vector<512x2048xf32>
    %max3A_820 = vector.broadcast %get3A_803 : vector<1x2048xf32> to vector<512x2048xf32>
    %max3A_821 = arith.maximumf %max3A_819, %max3A_820 : vector<512x2048xf32>
    %sub3A_822 = arith.subf %min3A_818, %max3A_821 : vector<512x2048xf32>
    %max3A_823 = arith.constant 0.000000e+00 : f32
    %max3A_824 = vector.broadcast %max3A_823 : f32 to vector<512x2048xf32>
    %max3A_825 = arith.maximumf %max3A_824, %sub3A_822 : vector<512x2048xf32>
    %min3A_826 = vector.broadcast %get3A_661 : vector<512x1xf32> to vector<512x2048xf32>
    %min3A_827 = vector.broadcast %get3A_812 : vector<1x2048xf32> to vector<512x2048xf32>
    %min3A_828 = arith.minimumf %min3A_826, %min3A_827 : vector<512x2048xf32>
    %max3A_829 = vector.broadcast %get3A_655 : vector<512x1xf32> to vector<512x2048xf32>
    %max3A_830 = vector.broadcast %get3A_806 : vector<1x2048xf32> to vector<512x2048xf32>
    %max3A_831 = arith.maximumf %max3A_829, %max3A_830 : vector<512x2048xf32>
    %sub3A_832 = arith.subf %min3A_828, %max3A_831 : vector<512x2048xf32>
    %max3A_833 = arith.constant 0.000000e+00 : f32
    %max3A_834 = vector.broadcast %max3A_833 : f32 to vector<512x2048xf32>
    %max3A_835 = arith.maximumf %max3A_834, %sub3A_832 : vector<512x2048xf32>
    %mul3A_836 = arith.mulf %max3A_825, %max3A_835 : vector<512x2048xf32>
    %add3A_837 = vector.broadcast %mul3A_664 : vector<512x1xf32> to vector<512x2048xf32>
    %add3A_838 = vector.broadcast %mul3A_815 : vector<1x2048xf32> to vector<512x2048xf32>
    %add3A_839 = arith.addf %add3A_837, %add3A_838 : vector<512x2048xf32>
    %sub3A_840 = arith.subf %add3A_839, %mul3A_836 : vector<512x2048xf32>
    %add3A_841 = arith.constant 9.99999997E-7 : f32
    %add3A_842 = vector.broadcast %add3A_841 : f32 to vector<512x2048xf32>
    %add3A_843 = arith.addf %sub3A_840, %add3A_842 : vector<512x2048xf32>
    %mul3A_844 = arith.constant 3.000000e-01 : f32
    %mul3A_845 = vector.broadcast %mul3A_844 : f32 to vector<512x2048xf32>
    %mul3A_846 = arith.mulf %mul3A_845, %add3A_843 : vector<512x2048xf32>
    %gt3A_847 = arith.cmpf ogt, %mul3A_836, %mul3A_846 : vector<512x2048xf32>
    %jit3A_848 = arith.constant 1.000000e+00 : f32
    %jit3A_849 = arith.constant 0.000000e+00 : f32
    %broadcast_in_dim3A_850 = vector.broadcast %jit3A_848 : f32 to vector<512x2048xf32>
    %broadcast_in_dim3A_851 = vector.broadcast %jit3A_849 : f32 to vector<512x2048xf32>
    %select_n3A_852 = arith.select %gt3A_847, %broadcast_in_dim3A_850, %broadcast_in_dim3A_851 : vector<512x2048xi1>, vector<512x2048xf32>
    %dot_general3A_853 = arith.constant dense<0.000000e+00> : vector<1x2048xf32>
    %dot_general3A_854 = tpu.matmul %while3A_780#0, %select_n3A_852, %dot_general3A_853 {dimension_numbers = #tpu.dot_dimension_numbers<[1], [0], [0], [1], [0, 0, 1, 1], [], []>, transpose_lhs_hint = false} : vector<1x512xf32>, vector<512x2048xf32>, vector<1x2048xf32> -> vector<1x2048xf32>
    %get3A_855 = arith.constant 0 : index
    %get3A_856 = arith.constant 1536 : index
    %get3A_857 = vector.load %arg3[%get3A_855, %get3A_856] : memref<1x5120xf32, #tpu.memory_space<vmem>>, vector<1x2048xf32>
    %lt3A_858 = arith.constant 5.000000e-01 : f32
    %lt3A_859 = vector.broadcast %lt3A_858 : f32 to vector<1x2048xf32>
    %lt3A_860 = arith.cmpf olt, %dot_general3A_854, %lt3A_859 : vector<1x2048xf32>
    %jit3A_861 = arith.constant 1.000000e+00 : f32
    %jit3A_862 = arith.constant 0.000000e+00 : f32
    %broadcast_in_dim3A_863 = vector.broadcast %jit3A_861 : f32 to vector<1x2048xf32>
    %broadcast_in_dim3A_864 = vector.broadcast %jit3A_862 : f32 to vector<1x2048xf32>
    %select_n3A_865 = arith.select %lt3A_860, %broadcast_in_dim3A_863, %broadcast_in_dim3A_864 : vector<1x2048xi1>, vector<1x2048xf32>
    %mul3A_866 = arith.mulf %get3A_857, %select_n3A_865 : vector<1x2048xf32>
    %swap3A_867 = arith.constant 0 : index
    %swap3A_868 = arith.constant 1536 : index
    %swap3A_869 = vector.load %arg3[%swap3A_867, %swap3A_868] : memref<1x5120xf32, #tpu.memory_space<vmem>>, vector<1x2048xf32>
    tpu.vector_store %arg3[%swap3A_867, %swap3A_868], %mul3A_866 {strides = array<i32>} : memref<1x5120xf32, #tpu.memory_space<vmem>>, vector<1x2048xf32>,
    %get3A_870 = arith.constant 0 : index
    %get3A_871 = arith.constant 3584 : index
    %get3A_872 = vector.load %arg5[%get3A_870, %get3A_871] : memref<8x5120xf32, #tpu.memory_space<vmem>>, vector<1x1536xf32>
    %get3A_873 = arith.constant 1 : index
    %get3A_874 = arith.constant 3584 : index
    %get3A_875 = vector.load %arg5[%get3A_873, %get3A_874] : memref<8x5120xf32, #tpu.memory_space<vmem>>, vector<1x1536xf32>
    %get3A_876 = arith.constant 2 : index
    %get3A_877 = arith.constant 3584 : index
    %get3A_878 = vector.load %arg5[%get3A_876, %get3A_877] : memref<8x5120xf32, #tpu.memory_space<vmem>>, vector<1x1536xf32>
    %get3A_879 = arith.constant 3 : index
    %get3A_880 = arith.constant 3584 : index
    %get3A_881 = vector.load %arg5[%get3A_879, %get3A_880] : memref<8x5120xf32, #tpu.memory_space<vmem>>, vector<1x1536xf32>
    %sub3A_882 = arith.subf %get3A_878, %get3A_872 : vector<1x1536xf32>
    %sub3A_883 = arith.subf %get3A_881, %get3A_875 : vector<1x1536xf32>
    %mul3A_884 = arith.mulf %sub3A_882, %sub3A_883 : vector<1x1536xf32>
    %min3A_885 = vector.broadcast %get3A_658 : vector<512x1xf32> to vector<512x1536xf32>
    %min3A_886 = vector.broadcast %get3A_878 : vector<1x1536xf32> to vector<512x1536xf32>
    %min3A_887 = arith.minimumf %min3A_885, %min3A_886 : vector<512x1536xf32>
    %max3A_888 = vector.broadcast %get3A_652 : vector<512x1xf32> to vector<512x1536xf32>
    %max3A_889 = vector.broadcast %get3A_872 : vector<1x1536xf32> to vector<512x1536xf32>
    %max3A_890 = arith.maximumf %max3A_888, %max3A_889 : vector<512x1536xf32>
    %sub3A_891 = arith.subf %min3A_887, %max3A_890 : vector<512x1536xf32>
    %max3A_892 = arith.constant 0.000000e+00 : f32
    %max3A_893 = vector.broadcast %max3A_892 : f32 to vector<512x1536xf32>
    %max3A_894 = arith.maximumf %max3A_893, %sub3A_891 : vector<512x1536xf32>
    %min3A_895 = vector.broadcast %get3A_661 : vector<512x1xf32> to vector<512x1536xf32>
    %min3A_896 = vector.broadcast %get3A_881 : vector<1x1536xf32> to vector<512x1536xf32>
    %min3A_897 = arith.minimumf %min3A_895, %min3A_896 : vector<512x1536xf32>
    %max3A_898 = vector.broadcast %get3A_655 : vector<512x1xf32> to vector<512x1536xf32>
    %max3A_899 = vector.broadcast %get3A_875 : vector<1x1536xf32> to vector<512x1536xf32>
    %max3A_900 = arith.maximumf %max3A_898, %max3A_899 : vector<512x1536xf32>
    %sub3A_901 = arith.subf %min3A_897, %max3A_900 : vector<512x1536xf32>
    %max3A_902 = arith.constant 0.000000e+00 : f32
    %max3A_903 = vector.broadcast %max3A_902 : f32 to vector<512x1536xf32>
    %max3A_904 = arith.maximumf %max3A_903, %sub3A_901 : vector<512x1536xf32>
    %mul3A_905 = arith.mulf %max3A_894, %max3A_904 : vector<512x1536xf32>
    %add3A_906 = vector.broadcast %mul3A_664 : vector<512x1xf32> to vector<512x1536xf32>
    %add3A_907 = vector.broadcast %mul3A_884 : vector<1x1536xf32> to vector<512x1536xf32>
    %add3A_908 = arith.addf %add3A_906, %add3A_907 : vector<512x1536xf32>
    %sub3A_909 = arith.subf %add3A_908, %mul3A_905 : vector<512x1536xf32>
    %add3A_910 = arith.constant 9.99999997E-7 : f32
    %add3A_911 = vector.broadcast %add3A_910 : f32 to vector<512x1536xf32>
    %add3A_912 = arith.addf %sub3A_909, %add3A_911 : vector<512x1536xf32>
    %mul3A_913 = arith.constant 3.000000e-01 : f32
    %mul3A_914 = vector.broadcast %mul3A_913 : f32 to vector<512x1536xf32>
    %mul3A_915 = arith.mulf %mul3A_914, %add3A_912 : vector<512x1536xf32>
    %gt3A_916 = arith.cmpf ogt, %mul3A_905, %mul3A_915 : vector<512x1536xf32>
    %jit3A_917 = arith.constant 1.000000e+00 : f32
    %jit3A_918 = arith.constant 0.000000e+00 : f32
    %broadcast_in_dim3A_919 = vector.broadcast %jit3A_917 : f32 to vector<512x1536xf32>
    %broadcast_in_dim3A_920 = vector.broadcast %jit3A_918 : f32 to vector<512x1536xf32>
    %select_n3A_921 = arith.select %gt3A_916, %broadcast_in_dim3A_919, %broadcast_in_dim3A_920 : vector<512x1536xi1>, vector<512x1536xf32>
    %dot_general3A_922 = arith.constant dense<0.000000e+00> : vector<1x1536xf32>
    %dot_general3A_923 = tpu.matmul %while3A_780#0, %select_n3A_921, %dot_general3A_922 {dimension_numbers = #tpu.dot_dimension_numbers<[1], [0], [0], [1], [0, 0, 1, 1], [], []>, transpose_lhs_hint = false} : vector<1x512xf32>, vector<512x1536xf32>, vector<1x1536xf32> -> vector<1x1536xf32>
    %get3A_924 = arith.constant 0 : index
    %get3A_925 = arith.constant 3584 : index
    %get3A_926 = vector.load %arg3[%get3A_924, %get3A_925] : memref<1x5120xf32, #tpu.memory_space<vmem>>, vector<1x1536xf32>
    %lt3A_927 = arith.constant 5.000000e-01 : f32
    %lt3A_928 = vector.broadcast %lt3A_927 : f32 to vector<1x1536xf32>
    %lt3A_929 = arith.cmpf olt, %dot_general3A_923, %lt3A_928 : vector<1x1536xf32>
    %jit3A_930 = arith.constant 1.000000e+00 : f32
    %jit3A_931 = arith.constant 0.000000e+00 : f32
    %broadcast_in_dim3A_932 = vector.broadcast %jit3A_930 : f32 to vector<1x1536xf32>
    %broadcast_in_dim3A_933 = vector.broadcast %jit3A_931 : f32 to vector<1x1536xf32>
    %select_n3A_934 = arith.select %lt3A_929, %broadcast_in_dim3A_932, %broadcast_in_dim3A_933 : vector<1x1536xi1>, vector<1x1536xf32>
    %mul3A_935 = arith.mulf %get3A_926, %select_n3A_934 : vector<1x1536xf32>
    %swap3A_936 = arith.constant 0 : index
    %swap3A_937 = arith.constant 3584 : index
    %swap3A_938 = vector.load %arg3[%swap3A_936, %swap3A_937] : memref<1x5120xf32, #tpu.memory_space<vmem>>, vector<1x1536xf32>
    tpu.vector_store %arg3[%swap3A_936, %swap3A_937], %mul3A_935 {strides = array<i32>} : memref<1x5120xf32, #tpu.memory_space<vmem>>, vector<1x1536xf32>,
    %get3A_939 = arith.constant 1536 : index
    %get3A_940 = arith.constant 0 : index
    %get3A_941 = vector.load %arg0[%get3A_939, %get3A_940] : memref<5120x8xf32, #tpu.memory_space<vmem>>, vector<512x1xf32>
    %get3A_942 = arith.constant 1536 : index
    %get3A_943 = arith.constant 1 : index
    %get3A_944 = vector.load %arg0[%get3A_942, %get3A_943] : memref<5120x8xf32, #tpu.memory_space<vmem>>, vector<512x1xf32>
    %get3A_945 = arith.constant 1536 : index
    %get3A_946 = arith.constant 2 : index
    %get3A_947 = vector.load %arg0[%get3A_945, %get3A_946] : memref<5120x8xf32, #tpu.memory_space<vmem>>, vector<512x1xf32>
    %get3A_948 = arith.constant 1536 : index
    %get3A_949 = arith.constant 3 : index
    %get3A_950 = vector.load %arg0[%get3A_948, %get3A_949] : memref<5120x8xf32, #tpu.memory_space<vmem>>, vector<512x1xf32>
    %sub3A_951 = arith.subf %get3A_947, %get3A_941 : vector<512x1xf32>
    %sub3A_952 = arith.subf %get3A_950, %get3A_944 : vector<512x1xf32>
    %mul3A_953 = arith.mulf %sub3A_951, %sub3A_952 : vector<512x1xf32>
    %get3A_954 = arith.constant 0 : index
    %get3A_955 = arith.constant 1536 : index
    %get3A_956 = vector.load %arg5[%get3A_954, %get3A_955] : memref<8x5120xf32, #tpu.memory_space<vmem>>, vector<1x512xf32>
    %get3A_957 = arith.constant 1 : index
    %get3A_958 = arith.constant 1536 : index
    %get3A_959 = vector.load %arg5[%get3A_957, %get3A_958] : memref<8x5120xf32, #tpu.memory_space<vmem>>, vector<1x512xf32>
    %get3A_960 = arith.constant 2 : index
    %get3A_961 = arith.constant 1536 : index
    %get3A_962 = vector.load %arg5[%get3A_960, %get3A_961] : memref<8x5120xf32, #tpu.memory_space<vmem>>, vector<1x512xf32>
    %get3A_963 = arith.constant 3 : index
    %get3A_964 = arith.constant 1536 : index
    %get3A_965 = vector.load %arg5[%get3A_963, %get3A_964] : memref<8x5120xf32, #tpu.memory_space<vmem>>, vector<1x512xf32>
    %sub3A_966 = arith.subf %get3A_962, %get3A_956 : vector<1x512xf32>
    %sub3A_967 = arith.subf %get3A_965, %get3A_959 : vector<1x512xf32>
    %mul3A_968 = arith.mulf %sub3A_966, %sub3A_967 : vector<1x512xf32>
    %min3A_969 = vector.broadcast %get3A_947 : vector<512x1xf32> to vector<512x512xf32>
    %min3A_970 = vector.broadcast %get3A_962 : vector<1x512xf32> to vector<512x512xf32>
    %min3A_971 = arith.minimumf %min3A_969, %min3A_970 : vector<512x512xf32>
    %max3A_972 = vector.broadcast %get3A_941 : vector<512x1xf32> to vector<512x512xf32>
    %max3A_973 = vector.broadcast %get3A_956 : vector<1x512xf32> to vector<512x512xf32>
    %max3A_974 = arith.maximumf %max3A_972, %max3A_973 : vector<512x512xf32>
    %sub3A_975 = arith.subf %min3A_971, %max3A_974 : vector<512x512xf32>
    %max3A_976 = arith.constant 0.000000e+00 : f32
    %max3A_977 = vector.broadcast %max3A_976 : f32 to vector<512x512xf32>
    %max3A_978 = arith.maximumf %max3A_977, %sub3A_975 : vector<512x512xf32>
    %min3A_979 = vector.broadcast %get3A_950 : vector<512x1xf32> to vector<512x512xf32>
    %min3A_980 = vector.broadcast %get3A_965 : vector<1x512xf32> to vector<512x512xf32>
    %min3A_981 = arith.minimumf %min3A_979, %min3A_980 : vector<512x512xf32>
    %max3A_982 = vector.broadcast %get3A_944 : vector<512x1xf32> to vector<512x512xf32>
    %max3A_983 = vector.broadcast %get3A_959 : vector<1x512xf32> to vector<512x512xf32>
    %max3A_984 = arith.maximumf %max3A_982, %max3A_983 : vector<512x512xf32>
    %sub3A_985 = arith.subf %min3A_981, %max3A_984 : vector<512x512xf32>
    %max3A_986 = arith.constant 0.000000e+00 : f32
    %max3A_987 = vector.broadcast %max3A_986 : f32 to vector<512x512xf32>
    %max3A_988 = arith.maximumf %max3A_987, %sub3A_985 : vector<512x512xf32>
    %mul3A_989 = arith.mulf %max3A_978, %max3A_988 : vector<512x512xf32>
    %add3A_990 = vector.broadcast %mul3A_953 : vector<512x1xf32> to vector<512x512xf32>
    %add3A_991 = vector.broadcast %mul3A_968 : vector<1x512xf32> to vector<512x512xf32>
    %add3A_992 = arith.addf %add3A_990, %add3A_991 : vector<512x512xf32>
    %sub3A_993 = arith.subf %add3A_992, %mul3A_989 : vector<512x512xf32>
    %add3A_994 = arith.constant 9.99999997E-7 : f32
    %add3A_995 = vector.broadcast %add3A_994 : f32 to vector<512x512xf32>
    %add3A_996 = arith.addf %sub3A_993, %add3A_995 : vector<512x512xf32>
    %mul3A_997 = arith.constant 3.000000e-01 : f32
    %mul3A_998 = vector.broadcast %mul3A_997 : f32 to vector<512x512xf32>
    %mul3A_999 = arith.mulf %mul3A_998, %add3A_996 : vector<512x512xf32>
    %gt3A_1000 = arith.cmpf ogt, %mul3A_989, %mul3A_999 : vector<512x512xf32>
    %and3A_1001 = arith.andi %gt3A_1000, %gt3A : vector<512x512xi1>
    %jit3A_1002 = arith.constant 1.000000e+00 : f32
    %jit3A_1003 = arith.constant 0.000000e+00 : f32
    %broadcast_in_dim3A_1004 = vector.broadcast %jit3A_1002 : f32 to vector<512x512xf32>
    %broadcast_in_dim3A_1005 = vector.broadcast %jit3A_1003 : f32 to vector<512x512xf32>
    %select_n3A_1006 = arith.select %and3A_1001, %broadcast_in_dim3A_1004, %broadcast_in_dim3A_1005 : vector<512x512xi1>, vector<512x512xf32>
    %swap3A_1007 = arith.constant 0 : index
    %swap3A_1008 = arith.constant 0 : index
    %swap3A_1009 = vector.load %arg4[%swap3A_1007, %swap3A_1008] : memref<512x512xf32, #tpu.memory_space<vmem>>, vector<512x512xf32>
    tpu.vector_store %arg4[%swap3A_1007, %swap3A_1008], %select_n3A_1006 {strides = array<i32>} : memref<512x512xf32, #tpu.memory_space<vmem>>, vector<512x512xf32>,
    %get3A_1010 = arith.constant 0 : index
    %get3A_1011 = arith.constant 1536 : index
    %get3A_1012 = vector.load %arg3[%get3A_1010, %get3A_1011] : memref<1x5120xf32, #tpu.memory_space<vmem>>, vector<1x512xf32>
    %get3A_1013 = arith.constant 0 : index
    %get3A_1014 = arith.constant 0 : index
    %get3A_1015 = vector.load %arg4[%get3A_1013, %get3A_1014] : memref<512x512xf32, #tpu.memory_space<vmem>>, vector<512x512xf32>
    %dot_general3A_1016 = arith.constant dense<0.000000e+00> : vector<1x512xf32>
    %dot_general3A_1017 = tpu.matmul %get3A_1012, %get3A_1015, %dot_general3A_1016 {dimension_numbers = #tpu.dot_dimension_numbers<[1], [0], [0], [1], [0, 0, 1, 1], [], []>, transpose_lhs_hint = false} : vector<1x512xf32>, vector<512x512xf32>, vector<1x512xf32> -> vector<1x512xf32>
    %lt3A_1018 = arith.constant 5.000000e-01 : f32
    %lt3A_1019 = vector.broadcast %lt3A_1018 : f32 to vector<1x512xf32>
    %lt3A_1020 = arith.cmpf olt, %dot_general3A_1017, %lt3A_1019 : vector<1x512xf32>
    %jit3A_1021 = arith.constant 1.000000e+00 : f32
    %jit3A_1022 = arith.constant 0.000000e+00 : f32
    %broadcast_in_dim3A_1023 = vector.broadcast %jit3A_1021 : f32 to vector<1x512xf32>
    %broadcast_in_dim3A_1024 = vector.broadcast %jit3A_1022 : f32 to vector<1x512xf32>
    %select_n3A_1025 = arith.select %lt3A_1020, %broadcast_in_dim3A_1023, %broadcast_in_dim3A_1024 : vector<1x512xi1>, vector<1x512xf32>
    %mul3A_1026 = arith.mulf %get3A_1012, %select_n3A_1025 : vector<1x512xf32>
    %get3A_1027 = arith.constant 0 : index
    %get3A_1028 = arith.constant 0 : index
    %get3A_1029 = vector.load %arg4[%get3A_1027, %get3A_1028] : memref<512x512xf32, #tpu.memory_space<vmem>>, vector<512x512xf32>
    %dot_general3A_1030 = arith.constant dense<0.000000e+00> : vector<1x512xf32>
    %dot_general3A_1031 = tpu.matmul %mul3A_1026, %get3A_1029, %dot_general3A_1030 {dimension_numbers = #tpu.dot_dimension_numbers<[1], [0], [0], [1], [0, 0, 1, 1], [], []>, transpose_lhs_hint = false} : vector<1x512xf32>, vector<512x512xf32>, vector<1x512xf32> -> vector<1x512xf32>
    %lt3A_1032 = arith.constant 5.000000e-01 : f32
    %lt3A_1033 = vector.broadcast %lt3A_1032 : f32 to vector<1x512xf32>
    %lt3A_1034 = arith.cmpf olt, %dot_general3A_1031, %lt3A_1033 : vector<1x512xf32>
    %jit3A_1035 = arith.constant 1.000000e+00 : f32
    %jit3A_1036 = arith.constant 0.000000e+00 : f32
    %broadcast_in_dim3A_1037 = vector.broadcast %jit3A_1035 : f32 to vector<1x512xf32>
    %broadcast_in_dim3A_1038 = vector.broadcast %jit3A_1036 : f32 to vector<1x512xf32>
    %select_n3A_1039 = arith.select %lt3A_1034, %broadcast_in_dim3A_1037, %broadcast_in_dim3A_1038 : vector<1x512xi1>, vector<1x512xf32>
    %mul3A_1040 = arith.mulf %get3A_1012, %select_n3A_1039 : vector<1x512xf32>
    %get3A_1041 = arith.constant 0 : index
    %get3A_1042 = arith.constant 0 : index
    %get3A_1043 = vector.load %arg4[%get3A_1041, %get3A_1042] : memref<512x512xf32, #tpu.memory_space<vmem>>, vector<512x512xf32>
    %dot_general3A_1044 = arith.constant dense<0.000000e+00> : vector<1x512xf32>
    %dot_general3A_1045 = tpu.matmul %mul3A_1040, %get3A_1043, %dot_general3A_1044 {dimension_numbers = #tpu.dot_dimension_numbers<[1], [0], [0], [1], [0, 0, 1, 1], [], []>, transpose_lhs_hint = false} : vector<1x512xf32>, vector<512x512xf32>, vector<1x512xf32> -> vector<1x512xf32>
    %lt3A_1046 = arith.constant 5.000000e-01 : f32
    %lt3A_1047 = vector.broadcast %lt3A_1046 : f32 to vector<1x512xf32>
    %lt3A_1048 = arith.cmpf olt, %dot_general3A_1045, %lt3A_1047 : vector<1x512xf32>
    %jit3A_1049 = arith.constant 1.000000e+00 : f32
    %jit3A_1050 = arith.constant 0.000000e+00 : f32
    %broadcast_in_dim3A_1051 = vector.broadcast %jit3A_1049 : f32 to vector<1x512xf32>
    %broadcast_in_dim3A_1052 = vector.broadcast %jit3A_1050 : f32 to vector<1x512xf32>
    %select_n3A_1053 = arith.select %lt3A_1048, %broadcast_in_dim3A_1051, %broadcast_in_dim3A_1052 : vector<1x512xi1>, vector<1x512xf32>
    %mul3A_1054 = arith.mulf %get3A_1012, %select_n3A_1053 : vector<1x512xf32>
    %get3A_1055 = arith.constant 0 : index
    %get3A_1056 = arith.constant 0 : index
    %get3A_1057 = vector.load %arg4[%get3A_1055, %get3A_1056] : memref<512x512xf32, #tpu.memory_space<vmem>>, vector<512x512xf32>
    %dot_general3A_1058 = arith.constant dense<0.000000e+00> : vector<1x512xf32>
    %dot_general3A_1059 = tpu.matmul %mul3A_1054, %get3A_1057, %dot_general3A_1058 {dimension_numbers = #tpu.dot_dimension_numbers<[1], [0], [0], [1], [0, 0, 1, 1], [], []>, transpose_lhs_hint = false} : vector<1x512xf32>, vector<512x512xf32>, vector<1x512xf32> -> vector<1x512xf32>
    %lt3A_1060 = arith.constant 5.000000e-01 : f32
    %lt3A_1061 = vector.broadcast %lt3A_1060 : f32 to vector<1x512xf32>
    %lt3A_1062 = arith.cmpf olt, %dot_general3A_1059, %lt3A_1061 : vector<1x512xf32>
    %jit3A_1063 = arith.constant 1.000000e+00 : f32
    %jit3A_1064 = arith.constant 0.000000e+00 : f32
    %broadcast_in_dim3A_1065 = vector.broadcast %jit3A_1063 : f32 to vector<1x512xf32>
    %broadcast_in_dim3A_1066 = vector.broadcast %jit3A_1064 : f32 to vector<1x512xf32>
    %select_n3A_1067 = arith.select %lt3A_1062, %broadcast_in_dim3A_1065, %broadcast_in_dim3A_1066 : vector<1x512xi1>, vector<1x512xf32>
    %mul3A_1068 = arith.mulf %get3A_1012, %select_n3A_1067 : vector<1x512xf32>
    %while3A_1069:2 = scf.while (%while3A_2549 = %mul3A_1068, %while3A_2550 = %mul3A_1054) : (vector<1x512xf32>, vector<1x512xf32>) -> (vector<1x512xf32>, vector<1x512xf32>) {
      %ne3A = arith.cmpf one, %while3A_2549, %while3A_2550 : vector<1x512xf32>
      %reduce_or3A = arith.constant 1.000000e+00 : f32
      %reduce_or3A_2551 = arith.constant 0.000000e+00 : f32
      %reduce_or3A_2552 = vector.broadcast %reduce_or3A : f32 to vector<1x512xf32>
      %reduce_or3A_2553 = vector.broadcast %reduce_or3A_2551 : f32 to vector<1x512xf32>
      %reduce_or3A_2554 = arith.select %ne3A, %reduce_or3A_2552, %reduce_or3A_2553 : vector<1x512xi1>, vector<1x512xf32>
      %reduce_or3A_2555 = vector.shape_cast %reduce_or3A_2554 : vector<1x512xf32> to vector<1x1x512xf32>
      %reduce_or3A_2556 = arith.constant dense<0xFF800000> : vector<1xf32>
      %reduce_or3A_2557 = vector.multi_reduction <maximumf>, %reduce_or3A_2555, %reduce_or3A_2556 [1, 2] : vector<1x1x512xf32> to vector<1xf32>
      %reduce_or3A_2558 = vector.shape_cast %reduce_or3A_2557 : vector<1xf32> to vector<1x1x1xf32>
      %reduce_or3A_2559 = vector.extract %reduce_or3A_2558[0, 0, 0] : f32 from vector<1x1x1xf32>
      %reduce_or3A_2560 = arith.constant 0.000000e+00 : f32
      %reduce_or3A_2561 = arith.cmpf ogt, %reduce_or3A_2559, %reduce_or3A_2560 : f32
      scf.condition(%reduce_or3A_2561) %while3A_2549, %while3A_2550 : vector<1x512xf32>, vector<1x512xf32>
    } do {
    ^bb0(%while3A_2549: vector<1x512xf32>, %while3A_2550: vector<1x512xf32>):
      %get3A_2551 = arith.constant 0 : index
      %get3A_2552 = arith.constant 0 : index
      %get3A_2553 = vector.load %arg4[%get3A_2551, %get3A_2552] : memref<512x512xf32, #tpu.memory_space<vmem>>, vector<512x512xf32>
      %dot_general3A_2554 = arith.constant dense<0.000000e+00> : vector<1x512xf32>
      %dot_general3A_2555 = tpu.matmul %while3A_2549, %get3A_2553, %dot_general3A_2554 {dimension_numbers = #tpu.dot_dimension_numbers<[1], [0], [0], [1], [0, 0, 1, 1], [], []>, transpose_lhs_hint = false} : vector<1x512xf32>, vector<512x512xf32>, vector<1x512xf32> -> vector<1x512xf32>
      %lt3A_2556 = arith.constant 5.000000e-01 : f32
      %lt3A_2557 = vector.broadcast %lt3A_2556 : f32 to vector<1x512xf32>
      %lt3A_2558 = arith.cmpf olt, %dot_general3A_2555, %lt3A_2557 : vector<1x512xf32>
      %jit3A_2559 = arith.constant 1.000000e+00 : f32
      %jit3A_2560 = arith.constant 0.000000e+00 : f32
      %broadcast_in_dim3A_2561 = vector.broadcast %jit3A_2559 : f32 to vector<1x512xf32>
      %broadcast_in_dim3A_2562 = vector.broadcast %jit3A_2560 : f32 to vector<1x512xf32>
      %select_n3A_2563 = arith.select %lt3A_2558, %broadcast_in_dim3A_2561, %broadcast_in_dim3A_2562 : vector<1x512xi1>, vector<1x512xf32>
      %mul3A_2564 = arith.mulf %get3A_1012, %select_n3A_2563 : vector<1x512xf32>
      scf.yield %mul3A_2564, %while3A_2549 : vector<1x512xf32>, vector<1x512xf32>
    }
    %swap3A_1070 = arith.constant 0 : index
    %swap3A_1071 = arith.constant 1536 : index
    %swap3A_1072 = vector.load %arg3[%swap3A_1070, %swap3A_1071] : memref<1x5120xf32, #tpu.memory_space<vmem>>, vector<1x512xf32>
    tpu.vector_store %arg3[%swap3A_1070, %swap3A_1071], %while3A_1069#0 {strides = array<i32>} : memref<1x5120xf32, #tpu.memory_space<vmem>>, vector<1x512xf32>,
    %dot_general3A_1073 = arith.constant dense<0.000000e+00> : vector<512x1xf32>
    %dot_general3A_1074 = tpu.matmul %select_n3A, %while3A_1069#0, %dot_general3A_1073 {dimension_numbers = #tpu.dot_dimension_numbers<[1], [1], [0], [0], [0, 0, 1, 0], [], []>, transpose_lhs_hint = false} : vector<512x512xf32>, vector<1x512xf32>, vector<512x1xf32> -> vector<512x1xf32>
    %get3A_1075 = arith.constant 1536 : index
    %get3A_1076 = arith.constant 0 : index
    %get3A_1077 = vector.load %arg0[%get3A_1075, %get3A_1076] : memref<5120x8xf32, #tpu.memory_space<vmem>>, vector<512x4xf32>
    %mul3A_1078 = vector.broadcast %dot_general3A_1074 : vector<512x1xf32> to vector<512x4xf32>
    %mul3A_1079 = arith.mulf %get3A_1077, %mul3A_1078 : vector<512x4xf32>
    %swap3A_1080 = arith.constant 1536 : index
    %swap3A_1081 = arith.constant 0 : index
    %swap3A_1082 = vector.load %arg2[%swap3A_1080, %swap3A_1081] : memref<5000x5xf32, #tpu.memory_space<vmem>>, vector<512x4xf32>
    tpu.vector_store %arg2[%swap3A_1080, %swap3A_1081], %mul3A_1079 {strides = array<i32>} : memref<5000x5xf32, #tpu.memory_space<vmem>>, vector<512x4xf32>,
    %get3A_1083 = arith.constant 1536 : index
    %get3A_1084 = arith.constant 4 : index
    %get3A_1085 = vector.load %arg0[%get3A_1083, %get3A_1084] : memref<5120x8xf32, #tpu.memory_space<vmem>>, vector<512x1xf32>
    %mul3A_1086 = arith.mulf %get3A_1085, %dot_general3A_1074 : vector<512x1xf32>
    %swap3A_1087 = arith.constant 1536 : index
    %swap3A_1088 = arith.constant 4 : index
    %swap3A_1089 = vector.load %arg2[%swap3A_1087, %swap3A_1088] : memref<5000x5xf32, #tpu.memory_space<vmem>>, vector<512x1xf32>
    tpu.vector_store %arg2[%swap3A_1087, %swap3A_1088], %mul3A_1086 {strides = array<i32>} : memref<5000x5xf32, #tpu.memory_space<vmem>>, vector<512x1xf32>,
    %get3A_1090 = arith.constant 0 : index
    %get3A_1091 = arith.constant 2048 : index
    %get3A_1092 = vector.load %arg5[%get3A_1090, %get3A_1091] : memref<8x5120xf32, #tpu.memory_space<vmem>>, vector<1x2048xf32>
    %get3A_1093 = arith.constant 1 : index
    %get3A_1094 = arith.constant 2048 : index
    %get3A_1095 = vector.load %arg5[%get3A_1093, %get3A_1094] : memref<8x5120xf32, #tpu.memory_space<vmem>>, vector<1x2048xf32>
    %get3A_1096 = arith.constant 2 : index
    %get3A_1097 = arith.constant 2048 : index
    %get3A_1098 = vector.load %arg5[%get3A_1096, %get3A_1097] : memref<8x5120xf32, #tpu.memory_space<vmem>>, vector<1x2048xf32>
    %get3A_1099 = arith.constant 3 : index
    %get3A_1100 = arith.constant 2048 : index
    %get3A_1101 = vector.load %arg5[%get3A_1099, %get3A_1100] : memref<8x5120xf32, #tpu.memory_space<vmem>>, vector<1x2048xf32>
    %sub3A_1102 = arith.subf %get3A_1098, %get3A_1092 : vector<1x2048xf32>
    %sub3A_1103 = arith.subf %get3A_1101, %get3A_1095 : vector<1x2048xf32>
    %mul3A_1104 = arith.mulf %sub3A_1102, %sub3A_1103 : vector<1x2048xf32>
    %min3A_1105 = vector.broadcast %get3A_947 : vector<512x1xf32> to vector<512x2048xf32>
    %min3A_1106 = vector.broadcast %get3A_1098 : vector<1x2048xf32> to vector<512x2048xf32>
    %min3A_1107 = arith.minimumf %min3A_1105, %min3A_1106 : vector<512x2048xf32>
    %max3A_1108 = vector.broadcast %get3A_941 : vector<512x1xf32> to vector<512x2048xf32>
    %max3A_1109 = vector.broadcast %get3A_1092 : vector<1x2048xf32> to vector<512x2048xf32>
    %max3A_1110 = arith.maximumf %max3A_1108, %max3A_1109 : vector<512x2048xf32>
    %sub3A_1111 = arith.subf %min3A_1107, %max3A_1110 : vector<512x2048xf32>
    %max3A_1112 = arith.constant 0.000000e+00 : f32
    %max3A_1113 = vector.broadcast %max3A_1112 : f32 to vector<512x2048xf32>
    %max3A_1114 = arith.maximumf %max3A_1113, %sub3A_1111 : vector<512x2048xf32>
    %min3A_1115 = vector.broadcast %get3A_950 : vector<512x1xf32> to vector<512x2048xf32>
    %min3A_1116 = vector.broadcast %get3A_1101 : vector<1x2048xf32> to vector<512x2048xf32>
    %min3A_1117 = arith.minimumf %min3A_1115, %min3A_1116 : vector<512x2048xf32>
    %max3A_1118 = vector.broadcast %get3A_944 : vector<512x1xf32> to vector<512x2048xf32>
    %max3A_1119 = vector.broadcast %get3A_1095 : vector<1x2048xf32> to vector<512x2048xf32>
    %max3A_1120 = arith.maximumf %max3A_1118, %max3A_1119 : vector<512x2048xf32>
    %sub3A_1121 = arith.subf %min3A_1117, %max3A_1120 : vector<512x2048xf32>
    %max3A_1122 = arith.constant 0.000000e+00 : f32
    %max3A_1123 = vector.broadcast %max3A_1122 : f32 to vector<512x2048xf32>
    %max3A_1124 = arith.maximumf %max3A_1123, %sub3A_1121 : vector<512x2048xf32>
    %mul3A_1125 = arith.mulf %max3A_1114, %max3A_1124 : vector<512x2048xf32>
    %add3A_1126 = vector.broadcast %mul3A_953 : vector<512x1xf32> to vector<512x2048xf32>
    %add3A_1127 = vector.broadcast %mul3A_1104 : vector<1x2048xf32> to vector<512x2048xf32>
    %add3A_1128 = arith.addf %add3A_1126, %add3A_1127 : vector<512x2048xf32>
    %sub3A_1129 = arith.subf %add3A_1128, %mul3A_1125 : vector<512x2048xf32>
    %add3A_1130 = arith.constant 9.99999997E-7 : f32
    %add3A_1131 = vector.broadcast %add3A_1130 : f32 to vector<512x2048xf32>
    %add3A_1132 = arith.addf %sub3A_1129, %add3A_1131 : vector<512x2048xf32>
    %mul3A_1133 = arith.constant 3.000000e-01 : f32
    %mul3A_1134 = vector.broadcast %mul3A_1133 : f32 to vector<512x2048xf32>
    %mul3A_1135 = arith.mulf %mul3A_1134, %add3A_1132 : vector<512x2048xf32>
    %gt3A_1136 = arith.cmpf ogt, %mul3A_1125, %mul3A_1135 : vector<512x2048xf32>
    %jit3A_1137 = arith.constant 1.000000e+00 : f32
    %jit3A_1138 = arith.constant 0.000000e+00 : f32
    %broadcast_in_dim3A_1139 = vector.broadcast %jit3A_1137 : f32 to vector<512x2048xf32>
    %broadcast_in_dim3A_1140 = vector.broadcast %jit3A_1138 : f32 to vector<512x2048xf32>
    %select_n3A_1141 = arith.select %gt3A_1136, %broadcast_in_dim3A_1139, %broadcast_in_dim3A_1140 : vector<512x2048xi1>, vector<512x2048xf32>
    %dot_general3A_1142 = arith.constant dense<0.000000e+00> : vector<1x2048xf32>
    %dot_general3A_1143 = tpu.matmul %while3A_1069#0, %select_n3A_1141, %dot_general3A_1142 {dimension_numbers = #tpu.dot_dimension_numbers<[1], [0], [0], [1], [0, 0, 1, 1], [], []>, transpose_lhs_hint = false} : vector<1x512xf32>, vector<512x2048xf32>, vector<1x2048xf32> -> vector<1x2048xf32>
    %get3A_1144 = arith.constant 0 : index
    %get3A_1145 = arith.constant 2048 : index
    %get3A_1146 = vector.load %arg3[%get3A_1144, %get3A_1145] : memref<1x5120xf32, #tpu.memory_space<vmem>>, vector<1x2048xf32>
    %lt3A_1147 = arith.constant 5.000000e-01 : f32
    %lt3A_1148 = vector.broadcast %lt3A_1147 : f32 to vector<1x2048xf32>
    %lt3A_1149 = arith.cmpf olt, %dot_general3A_1143, %lt3A_1148 : vector<1x2048xf32>
    %jit3A_1150 = arith.constant 1.000000e+00 : f32
    %jit3A_1151 = arith.constant 0.000000e+00 : f32
    %broadcast_in_dim3A_1152 = vector.broadcast %jit3A_1150 : f32 to vector<1x2048xf32>
    %broadcast_in_dim3A_1153 = vector.broadcast %jit3A_1151 : f32 to vector<1x2048xf32>
    %select_n3A_1154 = arith.select %lt3A_1149, %broadcast_in_dim3A_1152, %broadcast_in_dim3A_1153 : vector<1x2048xi1>, vector<1x2048xf32>
    %mul3A_1155 = arith.mulf %get3A_1146, %select_n3A_1154 : vector<1x2048xf32>
    %swap3A_1156 = arith.constant 0 : index
    %swap3A_1157 = arith.constant 2048 : index
    %swap3A_1158 = vector.load %arg3[%swap3A_1156, %swap3A_1157] : memref<1x5120xf32, #tpu.memory_space<vmem>>, vector<1x2048xf32>
    tpu.vector_store %arg3[%swap3A_1156, %swap3A_1157], %mul3A_1155 {strides = array<i32>} : memref<1x5120xf32, #tpu.memory_space<vmem>>, vector<1x2048xf32>,
    %get3A_1159 = arith.constant 0 : index
    %get3A_1160 = arith.constant 4096 : index
    %get3A_1161 = vector.load %arg5[%get3A_1159, %get3A_1160] : memref<8x5120xf32, #tpu.memory_space<vmem>>, vector<1x1024xf32>
    %get3A_1162 = arith.constant 1 : index
    %get3A_1163 = arith.constant 4096 : index
    %get3A_1164 = vector.load %arg5[%get3A_1162, %get3A_1163] : memref<8x5120xf32, #tpu.memory_space<vmem>>, vector<1x1024xf32>
    %get3A_1165 = arith.constant 2 : index
    %get3A_1166 = arith.constant 4096 : index
    %get3A_1167 = vector.load %arg5[%get3A_1165, %get3A_1166] : memref<8x5120xf32, #tpu.memory_space<vmem>>, vector<1x1024xf32>
    %get3A_1168 = arith.constant 3 : index
    %get3A_1169 = arith.constant 4096 : index
    %get3A_1170 = vector.load %arg5[%get3A_1168, %get3A_1169] : memref<8x5120xf32, #tpu.memory_space<vmem>>, vector<1x1024xf32>
    %sub3A_1171 = arith.subf %get3A_1167, %get3A_1161 : vector<1x1024xf32>
    %sub3A_1172 = arith.subf %get3A_1170, %get3A_1164 : vector<1x1024xf32>
    %mul3A_1173 = arith.mulf %sub3A_1171, %sub3A_1172 : vector<1x1024xf32>
    %min3A_1174 = vector.broadcast %get3A_947 : vector<512x1xf32> to vector<512x1024xf32>
    %min3A_1175 = vector.broadcast %get3A_1167 : vector<1x1024xf32> to vector<512x1024xf32>
    %min3A_1176 = arith.minimumf %min3A_1174, %min3A_1175 : vector<512x1024xf32>
    %max3A_1177 = vector.broadcast %get3A_941 : vector<512x1xf32> to vector<512x1024xf32>
    %max3A_1178 = vector.broadcast %get3A_1161 : vector<1x1024xf32> to vector<512x1024xf32>
    %max3A_1179 = arith.maximumf %max3A_1177, %max3A_1178 : vector<512x1024xf32>
    %sub3A_1180 = arith.subf %min3A_1176, %max3A_1179 : vector<512x1024xf32>
    %max3A_1181 = arith.constant 0.000000e+00 : f32
    %max3A_1182 = vector.broadcast %max3A_1181 : f32 to vector<512x1024xf32>
    %max3A_1183 = arith.maximumf %max3A_1182, %sub3A_1180 : vector<512x1024xf32>
    %min3A_1184 = vector.broadcast %get3A_950 : vector<512x1xf32> to vector<512x1024xf32>
    %min3A_1185 = vector.broadcast %get3A_1170 : vector<1x1024xf32> to vector<512x1024xf32>
    %min3A_1186 = arith.minimumf %min3A_1184, %min3A_1185 : vector<512x1024xf32>
    %max3A_1187 = vector.broadcast %get3A_944 : vector<512x1xf32> to vector<512x1024xf32>
    %max3A_1188 = vector.broadcast %get3A_1164 : vector<1x1024xf32> to vector<512x1024xf32>
    %max3A_1189 = arith.maximumf %max3A_1187, %max3A_1188 : vector<512x1024xf32>
    %sub3A_1190 = arith.subf %min3A_1186, %max3A_1189 : vector<512x1024xf32>
    %max3A_1191 = arith.constant 0.000000e+00 : f32
    %max3A_1192 = vector.broadcast %max3A_1191 : f32 to vector<512x1024xf32>
    %max3A_1193 = arith.maximumf %max3A_1192, %sub3A_1190 : vector<512x1024xf32>
    %mul3A_1194 = arith.mulf %max3A_1183, %max3A_1193 : vector<512x1024xf32>
    %add3A_1195 = vector.broadcast %mul3A_953 : vector<512x1xf32> to vector<512x1024xf32>
    %add3A_1196 = vector.broadcast %mul3A_1173 : vector<1x1024xf32> to vector<512x1024xf32>
    %add3A_1197 = arith.addf %add3A_1195, %add3A_1196 : vector<512x1024xf32>
    %sub3A_1198 = arith.subf %add3A_1197, %mul3A_1194 : vector<512x1024xf32>
    %add3A_1199 = arith.constant 9.99999997E-7 : f32
    %add3A_1200 = vector.broadcast %add3A_1199 : f32 to vector<512x1024xf32>
    %add3A_1201 = arith.addf %sub3A_1198, %add3A_1200 : vector<512x1024xf32>
    %mul3A_1202 = arith.constant 3.000000e-01 : f32
    %mul3A_1203 = vector.broadcast %mul3A_1202 : f32 to vector<512x1024xf32>
    %mul3A_1204 = arith.mulf %mul3A_1203, %add3A_1201 : vector<512x1024xf32>
    %gt3A_1205 = arith.cmpf ogt, %mul3A_1194, %mul3A_1204 : vector<512x1024xf32>
    %jit3A_1206 = arith.constant 1.000000e+00 : f32
    %jit3A_1207 = arith.constant 0.000000e+00 : f32
    %broadcast_in_dim3A_1208 = vector.broadcast %jit3A_1206 : f32 to vector<512x1024xf32>
    %broadcast_in_dim3A_1209 = vector.broadcast %jit3A_1207 : f32 to vector<512x1024xf32>
    %select_n3A_1210 = arith.select %gt3A_1205, %broadcast_in_dim3A_1208, %broadcast_in_dim3A_1209 : vector<512x1024xi1>, vector<512x1024xf32>
    %dot_general3A_1211 = arith.constant dense<0.000000e+00> : vector<1x1024xf32>
    %dot_general3A_1212 = tpu.matmul %while3A_1069#0, %select_n3A_1210, %dot_general3A_1211 {dimension_numbers = #tpu.dot_dimension_numbers<[1], [0], [0], [1], [0, 0, 1, 1], [], []>, transpose_lhs_hint = false} : vector<1x512xf32>, vector<512x1024xf32>, vector<1x1024xf32> -> vector<1x1024xf32>
    %get3A_1213 = arith.constant 0 : index
    %get3A_1214 = arith.constant 4096 : index
    %get3A_1215 = vector.load %arg3[%get3A_1213, %get3A_1214] : memref<1x5120xf32, #tpu.memory_space<vmem>>, vector<1x1024xf32>
    %lt3A_1216 = arith.constant 5.000000e-01 : f32
    %lt3A_1217 = vector.broadcast %lt3A_1216 : f32 to vector<1x1024xf32>
    %lt3A_1218 = arith.cmpf olt, %dot_general3A_1212, %lt3A_1217 : vector<1x1024xf32>
    %jit3A_1219 = arith.constant 1.000000e+00 : f32
    %jit3A_1220 = arith.constant 0.000000e+00 : f32
    %broadcast_in_dim3A_1221 = vector.broadcast %jit3A_1219 : f32 to vector<1x1024xf32>
    %broadcast_in_dim3A_1222 = vector.broadcast %jit3A_1220 : f32 to vector<1x1024xf32>
    %select_n3A_1223 = arith.select %lt3A_1218, %broadcast_in_dim3A_1221, %broadcast_in_dim3A_1222 : vector<1x1024xi1>, vector<1x1024xf32>
    %mul3A_1224 = arith.mulf %get3A_1215, %select_n3A_1223 : vector<1x1024xf32>
    %swap3A_1225 = arith.constant 0 : index
    %swap3A_1226 = arith.constant 4096 : index
    %swap3A_1227 = vector.load %arg3[%swap3A_1225, %swap3A_1226] : memref<1x5120xf32, #tpu.memory_space<vmem>>, vector<1x1024xf32>
    tpu.vector_store %arg3[%swap3A_1225, %swap3A_1226], %mul3A_1224 {strides = array<i32>} : memref<1x5120xf32, #tpu.memory_space<vmem>>, vector<1x1024xf32>,
    %get3A_1228 = arith.constant 2048 : index
    %get3A_1229 = arith.constant 0 : index
    %get3A_1230 = vector.load %arg0[%get3A_1228, %get3A_1229] : memref<5120x8xf32, #tpu.memory_space<vmem>>, vector<512x1xf32>
    %get3A_1231 = arith.constant 2048 : index
    %get3A_1232 = arith.constant 1 : index
    %get3A_1233 = vector.load %arg0[%get3A_1231, %get3A_1232] : memref<5120x8xf32, #tpu.memory_space<vmem>>, vector<512x1xf32>
    %get3A_1234 = arith.constant 2048 : index
    %get3A_1235 = arith.constant 2 : index
    %get3A_1236 = vector.load %arg0[%get3A_1234, %get3A_1235] : memref<5120x8xf32, #tpu.memory_space<vmem>>, vector<512x1xf32>
    %get3A_1237 = arith.constant 2048 : index
    %get3A_1238 = arith.constant 3 : index
    %get3A_1239 = vector.load %arg0[%get3A_1237, %get3A_1238] : memref<5120x8xf32, #tpu.memory_space<vmem>>, vector<512x1xf32>
    %sub3A_1240 = arith.subf %get3A_1236, %get3A_1230 : vector<512x1xf32>
    %sub3A_1241 = arith.subf %get3A_1239, %get3A_1233 : vector<512x1xf32>
    %mul3A_1242 = arith.mulf %sub3A_1240, %sub3A_1241 : vector<512x1xf32>
    %get3A_1243 = arith.constant 0 : index
    %get3A_1244 = arith.constant 2048 : index
    %get3A_1245 = vector.load %arg5[%get3A_1243, %get3A_1244] : memref<8x5120xf32, #tpu.memory_space<vmem>>, vector<1x512xf32>
    %get3A_1246 = arith.constant 1 : index
    %get3A_1247 = arith.constant 2048 : index
    %get3A_1248 = vector.load %arg5[%get3A_1246, %get3A_1247] : memref<8x5120xf32, #tpu.memory_space<vmem>>, vector<1x512xf32>
    %get3A_1249 = arith.constant 2 : index
    %get3A_1250 = arith.constant 2048 : index
    %get3A_1251 = vector.load %arg5[%get3A_1249, %get3A_1250] : memref<8x5120xf32, #tpu.memory_space<vmem>>, vector<1x512xf32>
    %get3A_1252 = arith.constant 3 : index
    %get3A_1253 = arith.constant 2048 : index
    %get3A_1254 = vector.load %arg5[%get3A_1252, %get3A_1253] : memref<8x5120xf32, #tpu.memory_space<vmem>>, vector<1x512xf32>
    %sub3A_1255 = arith.subf %get3A_1251, %get3A_1245 : vector<1x512xf32>
    %sub3A_1256 = arith.subf %get3A_1254, %get3A_1248 : vector<1x512xf32>
    %mul3A_1257 = arith.mulf %sub3A_1255, %sub3A_1256 : vector<1x512xf32>
    %min3A_1258 = vector.broadcast %get3A_1236 : vector<512x1xf32> to vector<512x512xf32>
    %min3A_1259 = vector.broadcast %get3A_1251 : vector<1x512xf32> to vector<512x512xf32>
    %min3A_1260 = arith.minimumf %min3A_1258, %min3A_1259 : vector<512x512xf32>
    %max3A_1261 = vector.broadcast %get3A_1230 : vector<512x1xf32> to vector<512x512xf32>
    %max3A_1262 = vector.broadcast %get3A_1245 : vector<1x512xf32> to vector<512x512xf32>
    %max3A_1263 = arith.maximumf %max3A_1261, %max3A_1262 : vector<512x512xf32>
    %sub3A_1264 = arith.subf %min3A_1260, %max3A_1263 : vector<512x512xf32>
    %max3A_1265 = arith.constant 0.000000e+00 : f32
    %max3A_1266 = vector.broadcast %max3A_1265 : f32 to vector<512x512xf32>
    %max3A_1267 = arith.maximumf %max3A_1266, %sub3A_1264 : vector<512x512xf32>
    %min3A_1268 = vector.broadcast %get3A_1239 : vector<512x1xf32> to vector<512x512xf32>
    %min3A_1269 = vector.broadcast %get3A_1254 : vector<1x512xf32> to vector<512x512xf32>
    %min3A_1270 = arith.minimumf %min3A_1268, %min3A_1269 : vector<512x512xf32>
    %max3A_1271 = vector.broadcast %get3A_1233 : vector<512x1xf32> to vector<512x512xf32>
    %max3A_1272 = vector.broadcast %get3A_1248 : vector<1x512xf32> to vector<512x512xf32>
    %max3A_1273 = arith.maximumf %max3A_1271, %max3A_1272 : vector<512x512xf32>
    %sub3A_1274 = arith.subf %min3A_1270, %max3A_1273 : vector<512x512xf32>
    %max3A_1275 = arith.constant 0.000000e+00 : f32
    %max3A_1276 = vector.broadcast %max3A_1275 : f32 to vector<512x512xf32>
    %max3A_1277 = arith.maximumf %max3A_1276, %sub3A_1274 : vector<512x512xf32>
    %mul3A_1278 = arith.mulf %max3A_1267, %max3A_1277 : vector<512x512xf32>
    %add3A_1279 = vector.broadcast %mul3A_1242 : vector<512x1xf32> to vector<512x512xf32>
    %add3A_1280 = vector.broadcast %mul3A_1257 : vector<1x512xf32> to vector<512x512xf32>
    %add3A_1281 = arith.addf %add3A_1279, %add3A_1280 : vector<512x512xf32>
    %sub3A_1282 = arith.subf %add3A_1281, %mul3A_1278 : vector<512x512xf32>
    %add3A_1283 = arith.constant 9.99999997E-7 : f32
    %add3A_1284 = vector.broadcast %add3A_1283 : f32 to vector<512x512xf32>
    %add3A_1285 = arith.addf %sub3A_1282, %add3A_1284 : vector<512x512xf32>
    %mul3A_1286 = arith.constant 3.000000e-01 : f32
    %mul3A_1287 = vector.broadcast %mul3A_1286 : f32 to vector<512x512xf32>
    %mul3A_1288 = arith.mulf %mul3A_1287, %add3A_1285 : vector<512x512xf32>
    %gt3A_1289 = arith.cmpf ogt, %mul3A_1278, %mul3A_1288 : vector<512x512xf32>
    %and3A_1290 = arith.andi %gt3A_1289, %gt3A : vector<512x512xi1>
    %jit3A_1291 = arith.constant 1.000000e+00 : f32
    %jit3A_1292 = arith.constant 0.000000e+00 : f32
    %broadcast_in_dim3A_1293 = vector.broadcast %jit3A_1291 : f32 to vector<512x512xf32>
    %broadcast_in_dim3A_1294 = vector.broadcast %jit3A_1292 : f32 to vector<512x512xf32>
    %select_n3A_1295 = arith.select %and3A_1290, %broadcast_in_dim3A_1293, %broadcast_in_dim3A_1294 : vector<512x512xi1>, vector<512x512xf32>
    %swap3A_1296 = arith.constant 0 : index
    %swap3A_1297 = arith.constant 0 : index
    %swap3A_1298 = vector.load %arg4[%swap3A_1296, %swap3A_1297] : memref<512x512xf32, #tpu.memory_space<vmem>>, vector<512x512xf32>
    tpu.vector_store %arg4[%swap3A_1296, %swap3A_1297], %select_n3A_1295 {strides = array<i32>} : memref<512x512xf32, #tpu.memory_space<vmem>>, vector<512x512xf32>,
    %get3A_1299 = arith.constant 0 : index
    %get3A_1300 = arith.constant 2048 : index
    %get3A_1301 = vector.load %arg3[%get3A_1299, %get3A_1300] : memref<1x5120xf32, #tpu.memory_space<vmem>>, vector<1x512xf32>
    %get3A_1302 = arith.constant 0 : index
    %get3A_1303 = arith.constant 0 : index
    %get3A_1304 = vector.load %arg4[%get3A_1302, %get3A_1303] : memref<512x512xf32, #tpu.memory_space<vmem>>, vector<512x512xf32>
    %dot_general3A_1305 = arith.constant dense<0.000000e+00> : vector<1x512xf32>
    %dot_general3A_1306 = tpu.matmul %get3A_1301, %get3A_1304, %dot_general3A_1305 {dimension_numbers = #tpu.dot_dimension_numbers<[1], [0], [0], [1], [0, 0, 1, 1], [], []>, transpose_lhs_hint = false} : vector<1x512xf32>, vector<512x512xf32>, vector<1x512xf32> -> vector<1x512xf32>
    %lt3A_1307 = arith.constant 5.000000e-01 : f32
    %lt3A_1308 = vector.broadcast %lt3A_1307 : f32 to vector<1x512xf32>
    %lt3A_1309 = arith.cmpf olt, %dot_general3A_1306, %lt3A_1308 : vector<1x512xf32>
    %jit3A_1310 = arith.constant 1.000000e+00 : f32
    %jit3A_1311 = arith.constant 0.000000e+00 : f32
    %broadcast_in_dim3A_1312 = vector.broadcast %jit3A_1310 : f32 to vector<1x512xf32>
    %broadcast_in_dim3A_1313 = vector.broadcast %jit3A_1311 : f32 to vector<1x512xf32>
    %select_n3A_1314 = arith.select %lt3A_1309, %broadcast_in_dim3A_1312, %broadcast_in_dim3A_1313 : vector<1x512xi1>, vector<1x512xf32>
    %mul3A_1315 = arith.mulf %get3A_1301, %select_n3A_1314 : vector<1x512xf32>
    %get3A_1316 = arith.constant 0 : index
    %get3A_1317 = arith.constant 0 : index
    %get3A_1318 = vector.load %arg4[%get3A_1316, %get3A_1317] : memref<512x512xf32, #tpu.memory_space<vmem>>, vector<512x512xf32>
    %dot_general3A_1319 = arith.constant dense<0.000000e+00> : vector<1x512xf32>
    %dot_general3A_1320 = tpu.matmul %mul3A_1315, %get3A_1318, %dot_general3A_1319 {dimension_numbers = #tpu.dot_dimension_numbers<[1], [0], [0], [1], [0, 0, 1, 1], [], []>, transpose_lhs_hint = false} : vector<1x512xf32>, vector<512x512xf32>, vector<1x512xf32> -> vector<1x512xf32>
    %lt3A_1321 = arith.constant 5.000000e-01 : f32
    %lt3A_1322 = vector.broadcast %lt3A_1321 : f32 to vector<1x512xf32>
    %lt3A_1323 = arith.cmpf olt, %dot_general3A_1320, %lt3A_1322 : vector<1x512xf32>
    %jit3A_1324 = arith.constant 1.000000e+00 : f32
    %jit3A_1325 = arith.constant 0.000000e+00 : f32
    %broadcast_in_dim3A_1326 = vector.broadcast %jit3A_1324 : f32 to vector<1x512xf32>
    %broadcast_in_dim3A_1327 = vector.broadcast %jit3A_1325 : f32 to vector<1x512xf32>
    %select_n3A_1328 = arith.select %lt3A_1323, %broadcast_in_dim3A_1326, %broadcast_in_dim3A_1327 : vector<1x512xi1>, vector<1x512xf32>
    %mul3A_1329 = arith.mulf %get3A_1301, %select_n3A_1328 : vector<1x512xf32>
    %get3A_1330 = arith.constant 0 : index
    %get3A_1331 = arith.constant 0 : index
    %get3A_1332 = vector.load %arg4[%get3A_1330, %get3A_1331] : memref<512x512xf32, #tpu.memory_space<vmem>>, vector<512x512xf32>
    %dot_general3A_1333 = arith.constant dense<0.000000e+00> : vector<1x512xf32>
    %dot_general3A_1334 = tpu.matmul %mul3A_1329, %get3A_1332, %dot_general3A_1333 {dimension_numbers = #tpu.dot_dimension_numbers<[1], [0], [0], [1], [0, 0, 1, 1], [], []>, transpose_lhs_hint = false} : vector<1x512xf32>, vector<512x512xf32>, vector<1x512xf32> -> vector<1x512xf32>
    %lt3A_1335 = arith.constant 5.000000e-01 : f32
    %lt3A_1336 = vector.broadcast %lt3A_1335 : f32 to vector<1x512xf32>
    %lt3A_1337 = arith.cmpf olt, %dot_general3A_1334, %lt3A_1336 : vector<1x512xf32>
    %jit3A_1338 = arith.constant 1.000000e+00 : f32
    %jit3A_1339 = arith.constant 0.000000e+00 : f32
    %broadcast_in_dim3A_1340 = vector.broadcast %jit3A_1338 : f32 to vector<1x512xf32>
    %broadcast_in_dim3A_1341 = vector.broadcast %jit3A_1339 : f32 to vector<1x512xf32>
    %select_n3A_1342 = arith.select %lt3A_1337, %broadcast_in_dim3A_1340, %broadcast_in_dim3A_1341 : vector<1x512xi1>, vector<1x512xf32>
    %mul3A_1343 = arith.mulf %get3A_1301, %select_n3A_1342 : vector<1x512xf32>
    %get3A_1344 = arith.constant 0 : index
    %get3A_1345 = arith.constant 0 : index
    %get3A_1346 = vector.load %arg4[%get3A_1344, %get3A_1345] : memref<512x512xf32, #tpu.memory_space<vmem>>, vector<512x512xf32>
    %dot_general3A_1347 = arith.constant dense<0.000000e+00> : vector<1x512xf32>
    %dot_general3A_1348 = tpu.matmul %mul3A_1343, %get3A_1346, %dot_general3A_1347 {dimension_numbers = #tpu.dot_dimension_numbers<[1], [0], [0], [1], [0, 0, 1, 1], [], []>, transpose_lhs_hint = false} : vector<1x512xf32>, vector<512x512xf32>, vector<1x512xf32> -> vector<1x512xf32>
    %lt3A_1349 = arith.constant 5.000000e-01 : f32
    %lt3A_1350 = vector.broadcast %lt3A_1349 : f32 to vector<1x512xf32>
    %lt3A_1351 = arith.cmpf olt, %dot_general3A_1348, %lt3A_1350 : vector<1x512xf32>
    %jit3A_1352 = arith.constant 1.000000e+00 : f32
    %jit3A_1353 = arith.constant 0.000000e+00 : f32
    %broadcast_in_dim3A_1354 = vector.broadcast %jit3A_1352 : f32 to vector<1x512xf32>
    %broadcast_in_dim3A_1355 = vector.broadcast %jit3A_1353 : f32 to vector<1x512xf32>
    %select_n3A_1356 = arith.select %lt3A_1351, %broadcast_in_dim3A_1354, %broadcast_in_dim3A_1355 : vector<1x512xi1>, vector<1x512xf32>
    %mul3A_1357 = arith.mulf %get3A_1301, %select_n3A_1356 : vector<1x512xf32>
    %while3A_1358:2 = scf.while (%while3A_2549 = %mul3A_1357, %while3A_2550 = %mul3A_1343) : (vector<1x512xf32>, vector<1x512xf32>) -> (vector<1x512xf32>, vector<1x512xf32>) {
      %ne3A = arith.cmpf one, %while3A_2549, %while3A_2550 : vector<1x512xf32>
      %reduce_or3A = arith.constant 1.000000e+00 : f32
      %reduce_or3A_2551 = arith.constant 0.000000e+00 : f32
      %reduce_or3A_2552 = vector.broadcast %reduce_or3A : f32 to vector<1x512xf32>
      %reduce_or3A_2553 = vector.broadcast %reduce_or3A_2551 : f32 to vector<1x512xf32>
      %reduce_or3A_2554 = arith.select %ne3A, %reduce_or3A_2552, %reduce_or3A_2553 : vector<1x512xi1>, vector<1x512xf32>
      %reduce_or3A_2555 = vector.shape_cast %reduce_or3A_2554 : vector<1x512xf32> to vector<1x1x512xf32>
      %reduce_or3A_2556 = arith.constant dense<0xFF800000> : vector<1xf32>
      %reduce_or3A_2557 = vector.multi_reduction <maximumf>, %reduce_or3A_2555, %reduce_or3A_2556 [1, 2] : vector<1x1x512xf32> to vector<1xf32>
      %reduce_or3A_2558 = vector.shape_cast %reduce_or3A_2557 : vector<1xf32> to vector<1x1x1xf32>
      %reduce_or3A_2559 = vector.extract %reduce_or3A_2558[0, 0, 0] : f32 from vector<1x1x1xf32>
      %reduce_or3A_2560 = arith.constant 0.000000e+00 : f32
      %reduce_or3A_2561 = arith.cmpf ogt, %reduce_or3A_2559, %reduce_or3A_2560 : f32
      scf.condition(%reduce_or3A_2561) %while3A_2549, %while3A_2550 : vector<1x512xf32>, vector<1x512xf32>
    } do {
    ^bb0(%while3A_2549: vector<1x512xf32>, %while3A_2550: vector<1x512xf32>):
      %get3A_2551 = arith.constant 0 : index
      %get3A_2552 = arith.constant 0 : index
      %get3A_2553 = vector.load %arg4[%get3A_2551, %get3A_2552] : memref<512x512xf32, #tpu.memory_space<vmem>>, vector<512x512xf32>
      %dot_general3A_2554 = arith.constant dense<0.000000e+00> : vector<1x512xf32>
      %dot_general3A_2555 = tpu.matmul %while3A_2549, %get3A_2553, %dot_general3A_2554 {dimension_numbers = #tpu.dot_dimension_numbers<[1], [0], [0], [1], [0, 0, 1, 1], [], []>, transpose_lhs_hint = false} : vector<1x512xf32>, vector<512x512xf32>, vector<1x512xf32> -> vector<1x512xf32>
      %lt3A_2556 = arith.constant 5.000000e-01 : f32
      %lt3A_2557 = vector.broadcast %lt3A_2556 : f32 to vector<1x512xf32>
      %lt3A_2558 = arith.cmpf olt, %dot_general3A_2555, %lt3A_2557 : vector<1x512xf32>
      %jit3A_2559 = arith.constant 1.000000e+00 : f32
      %jit3A_2560 = arith.constant 0.000000e+00 : f32
      %broadcast_in_dim3A_2561 = vector.broadcast %jit3A_2559 : f32 to vector<1x512xf32>
      %broadcast_in_dim3A_2562 = vector.broadcast %jit3A_2560 : f32 to vector<1x512xf32>
      %select_n3A_2563 = arith.select %lt3A_2558, %broadcast_in_dim3A_2561, %broadcast_in_dim3A_2562 : vector<1x512xi1>, vector<1x512xf32>
      %mul3A_2564 = arith.mulf %get3A_1301, %select_n3A_2563 : vector<1x512xf32>
      scf.yield %mul3A_2564, %while3A_2549 : vector<1x512xf32>, vector<1x512xf32>
    }
    %swap3A_1359 = arith.constant 0 : index
    %swap3A_1360 = arith.constant 2048 : index
    %swap3A_1361 = vector.load %arg3[%swap3A_1359, %swap3A_1360] : memref<1x5120xf32, #tpu.memory_space<vmem>>, vector<1x512xf32>
    tpu.vector_store %arg3[%swap3A_1359, %swap3A_1360], %while3A_1358#0 {strides = array<i32>} : memref<1x5120xf32, #tpu.memory_space<vmem>>, vector<1x512xf32>,
    %dot_general3A_1362 = arith.constant dense<0.000000e+00> : vector<512x1xf32>
    %dot_general3A_1363 = tpu.matmul %select_n3A, %while3A_1358#0, %dot_general3A_1362 {dimension_numbers = #tpu.dot_dimension_numbers<[1], [1], [0], [0], [0, 0, 1, 0], [], []>, transpose_lhs_hint = false} : vector<512x512xf32>, vector<1x512xf32>, vector<512x1xf32> -> vector<512x1xf32>
    %get3A_1364 = arith.constant 2048 : index
    %get3A_1365 = arith.constant 0 : index
    %get3A_1366 = vector.load %arg0[%get3A_1364, %get3A_1365] : memref<5120x8xf32, #tpu.memory_space<vmem>>, vector<512x4xf32>
    %mul3A_1367 = vector.broadcast %dot_general3A_1363 : vector<512x1xf32> to vector<512x4xf32>
    %mul3A_1368 = arith.mulf %get3A_1366, %mul3A_1367 : vector<512x4xf32>
    %swap3A_1369 = arith.constant 2048 : index
    %swap3A_1370 = arith.constant 0 : index
    %swap3A_1371 = vector.load %arg2[%swap3A_1369, %swap3A_1370] : memref<5000x5xf32, #tpu.memory_space<vmem>>, vector<512x4xf32>
    tpu.vector_store %arg2[%swap3A_1369, %swap3A_1370], %mul3A_1368 {strides = array<i32>} : memref<5000x5xf32, #tpu.memory_space<vmem>>, vector<512x4xf32>,
    %get3A_1372 = arith.constant 2048 : index
    %get3A_1373 = arith.constant 4 : index
    %get3A_1374 = vector.load %arg0[%get3A_1372, %get3A_1373] : memref<5120x8xf32, #tpu.memory_space<vmem>>, vector<512x1xf32>
    %mul3A_1375 = arith.mulf %get3A_1374, %dot_general3A_1363 : vector<512x1xf32>
    %swap3A_1376 = arith.constant 2048 : index
    %swap3A_1377 = arith.constant 4 : index
    %swap3A_1378 = vector.load %arg2[%swap3A_1376, %swap3A_1377] : memref<5000x5xf32, #tpu.memory_space<vmem>>, vector<512x1xf32>
    tpu.vector_store %arg2[%swap3A_1376, %swap3A_1377], %mul3A_1375 {strides = array<i32>} : memref<5000x5xf32, #tpu.memory_space<vmem>>, vector<512x1xf32>,
    %get3A_1379 = arith.constant 0 : index
    %get3A_1380 = arith.constant 2560 : index
    %get3A_1381 = vector.load %arg5[%get3A_1379, %get3A_1380] : memref<8x5120xf32, #tpu.memory_space<vmem>>, vector<1x2048xf32>
    %get3A_1382 = arith.constant 1 : index
    %get3A_1383 = arith.constant 2560 : index
    %get3A_1384 = vector.load %arg5[%get3A_1382, %get3A_1383] : memref<8x5120xf32, #tpu.memory_space<vmem>>, vector<1x2048xf32>
    %get3A_1385 = arith.constant 2 : index
    %get3A_1386 = arith.constant 2560 : index
    %get3A_1387 = vector.load %arg5[%get3A_1385, %get3A_1386] : memref<8x5120xf32, #tpu.memory_space<vmem>>, vector<1x2048xf32>
    %get3A_1388 = arith.constant 3 : index
    %get3A_1389 = arith.constant 2560 : index
    %get3A_1390 = vector.load %arg5[%get3A_1388, %get3A_1389] : memref<8x5120xf32, #tpu.memory_space<vmem>>, vector<1x2048xf32>
    %sub3A_1391 = arith.subf %get3A_1387, %get3A_1381 : vector<1x2048xf32>
    %sub3A_1392 = arith.subf %get3A_1390, %get3A_1384 : vector<1x2048xf32>
    %mul3A_1393 = arith.mulf %sub3A_1391, %sub3A_1392 : vector<1x2048xf32>
    %min3A_1394 = vector.broadcast %get3A_1236 : vector<512x1xf32> to vector<512x2048xf32>
    %min3A_1395 = vector.broadcast %get3A_1387 : vector<1x2048xf32> to vector<512x2048xf32>
    %min3A_1396 = arith.minimumf %min3A_1394, %min3A_1395 : vector<512x2048xf32>
    %max3A_1397 = vector.broadcast %get3A_1230 : vector<512x1xf32> to vector<512x2048xf32>
    %max3A_1398 = vector.broadcast %get3A_1381 : vector<1x2048xf32> to vector<512x2048xf32>
    %max3A_1399 = arith.maximumf %max3A_1397, %max3A_1398 : vector<512x2048xf32>
    %sub3A_1400 = arith.subf %min3A_1396, %max3A_1399 : vector<512x2048xf32>
    %max3A_1401 = arith.constant 0.000000e+00 : f32
    %max3A_1402 = vector.broadcast %max3A_1401 : f32 to vector<512x2048xf32>
    %max3A_1403 = arith.maximumf %max3A_1402, %sub3A_1400 : vector<512x2048xf32>
    %min3A_1404 = vector.broadcast %get3A_1239 : vector<512x1xf32> to vector<512x2048xf32>
    %min3A_1405 = vector.broadcast %get3A_1390 : vector<1x2048xf32> to vector<512x2048xf32>
    %min3A_1406 = arith.minimumf %min3A_1404, %min3A_1405 : vector<512x2048xf32>
    %max3A_1407 = vector.broadcast %get3A_1233 : vector<512x1xf32> to vector<512x2048xf32>
    %max3A_1408 = vector.broadcast %get3A_1384 : vector<1x2048xf32> to vector<512x2048xf32>
    %max3A_1409 = arith.maximumf %max3A_1407, %max3A_1408 : vector<512x2048xf32>
    %sub3A_1410 = arith.subf %min3A_1406, %max3A_1409 : vector<512x2048xf32>
    %max3A_1411 = arith.constant 0.000000e+00 : f32
    %max3A_1412 = vector.broadcast %max3A_1411 : f32 to vector<512x2048xf32>
    %max3A_1413 = arith.maximumf %max3A_1412, %sub3A_1410 : vector<512x2048xf32>
    %mul3A_1414 = arith.mulf %max3A_1403, %max3A_1413 : vector<512x2048xf32>
    %add3A_1415 = vector.broadcast %mul3A_1242 : vector<512x1xf32> to vector<512x2048xf32>
    %add3A_1416 = vector.broadcast %mul3A_1393 : vector<1x2048xf32> to vector<512x2048xf32>
    %add3A_1417 = arith.addf %add3A_1415, %add3A_1416 : vector<512x2048xf32>
    %sub3A_1418 = arith.subf %add3A_1417, %mul3A_1414 : vector<512x2048xf32>
    %add3A_1419 = arith.constant 9.99999997E-7 : f32
    %add3A_1420 = vector.broadcast %add3A_1419 : f32 to vector<512x2048xf32>
    %add3A_1421 = arith.addf %sub3A_1418, %add3A_1420 : vector<512x2048xf32>
    %mul3A_1422 = arith.constant 3.000000e-01 : f32
    %mul3A_1423 = vector.broadcast %mul3A_1422 : f32 to vector<512x2048xf32>
    %mul3A_1424 = arith.mulf %mul3A_1423, %add3A_1421 : vector<512x2048xf32>
    %gt3A_1425 = arith.cmpf ogt, %mul3A_1414, %mul3A_1424 : vector<512x2048xf32>
    %jit3A_1426 = arith.constant 1.000000e+00 : f32
    %jit3A_1427 = arith.constant 0.000000e+00 : f32
    %broadcast_in_dim3A_1428 = vector.broadcast %jit3A_1426 : f32 to vector<512x2048xf32>
    %broadcast_in_dim3A_1429 = vector.broadcast %jit3A_1427 : f32 to vector<512x2048xf32>
    %select_n3A_1430 = arith.select %gt3A_1425, %broadcast_in_dim3A_1428, %broadcast_in_dim3A_1429 : vector<512x2048xi1>, vector<512x2048xf32>
    %dot_general3A_1431 = arith.constant dense<0.000000e+00> : vector<1x2048xf32>
    %dot_general3A_1432 = tpu.matmul %while3A_1358#0, %select_n3A_1430, %dot_general3A_1431 {dimension_numbers = #tpu.dot_dimension_numbers<[1], [0], [0], [1], [0, 0, 1, 1], [], []>, transpose_lhs_hint = false} : vector<1x512xf32>, vector<512x2048xf32>, vector<1x2048xf32> -> vector<1x2048xf32>
    %get3A_1433 = arith.constant 0 : index
    %get3A_1434 = arith.constant 2560 : index
    %get3A_1435 = vector.load %arg3[%get3A_1433, %get3A_1434] : memref<1x5120xf32, #tpu.memory_space<vmem>>, vector<1x2048xf32>
    %lt3A_1436 = arith.constant 5.000000e-01 : f32
    %lt3A_1437 = vector.broadcast %lt3A_1436 : f32 to vector<1x2048xf32>
    %lt3A_1438 = arith.cmpf olt, %dot_general3A_1432, %lt3A_1437 : vector<1x2048xf32>
    %jit3A_1439 = arith.constant 1.000000e+00 : f32
    %jit3A_1440 = arith.constant 0.000000e+00 : f32
    %broadcast_in_dim3A_1441 = vector.broadcast %jit3A_1439 : f32 to vector<1x2048xf32>
    %broadcast_in_dim3A_1442 = vector.broadcast %jit3A_1440 : f32 to vector<1x2048xf32>
    %select_n3A_1443 = arith.select %lt3A_1438, %broadcast_in_dim3A_1441, %broadcast_in_dim3A_1442 : vector<1x2048xi1>, vector<1x2048xf32>
    %mul3A_1444 = arith.mulf %get3A_1435, %select_n3A_1443 : vector<1x2048xf32>
    %swap3A_1445 = arith.constant 0 : index
    %swap3A_1446 = arith.constant 2560 : index
    %swap3A_1447 = vector.load %arg3[%swap3A_1445, %swap3A_1446] : memref<1x5120xf32, #tpu.memory_space<vmem>>, vector<1x2048xf32>
    tpu.vector_store %arg3[%swap3A_1445, %swap3A_1446], %mul3A_1444 {strides = array<i32>} : memref<1x5120xf32, #tpu.memory_space<vmem>>, vector<1x2048xf32>,
    %get3A_1448 = arith.constant 0 : index
    %get3A_1449 = arith.constant 4608 : index
    %get3A_1450 = vector.load %arg5[%get3A_1448, %get3A_1449] : memref<8x5120xf32, #tpu.memory_space<vmem>>, vector<1x512xf32>
    %get3A_1451 = arith.constant 1 : index
    %get3A_1452 = arith.constant 4608 : index
    %get3A_1453 = vector.load %arg5[%get3A_1451, %get3A_1452] : memref<8x5120xf32, #tpu.memory_space<vmem>>, vector<1x512xf32>
    %get3A_1454 = arith.constant 2 : index
    %get3A_1455 = arith.constant 4608 : index
    %get3A_1456 = vector.load %arg5[%get3A_1454, %get3A_1455] : memref<8x5120xf32, #tpu.memory_space<vmem>>, vector<1x512xf32>
    %get3A_1457 = arith.constant 3 : index
    %get3A_1458 = arith.constant 4608 : index
    %get3A_1459 = vector.load %arg5[%get3A_1457, %get3A_1458] : memref<8x5120xf32, #tpu.memory_space<vmem>>, vector<1x512xf32>
    %sub3A_1460 = arith.subf %get3A_1456, %get3A_1450 : vector<1x512xf32>
    %sub3A_1461 = arith.subf %get3A_1459, %get3A_1453 : vector<1x512xf32>
    %mul3A_1462 = arith.mulf %sub3A_1460, %sub3A_1461 : vector<1x512xf32>
    %min3A_1463 = vector.broadcast %get3A_1236 : vector<512x1xf32> to vector<512x512xf32>
    %min3A_1464 = vector.broadcast %get3A_1456 : vector<1x512xf32> to vector<512x512xf32>
    %min3A_1465 = arith.minimumf %min3A_1463, %min3A_1464 : vector<512x512xf32>
    %max3A_1466 = vector.broadcast %get3A_1230 : vector<512x1xf32> to vector<512x512xf32>
    %max3A_1467 = vector.broadcast %get3A_1450 : vector<1x512xf32> to vector<512x512xf32>
    %max3A_1468 = arith.maximumf %max3A_1466, %max3A_1467 : vector<512x512xf32>
    %sub3A_1469 = arith.subf %min3A_1465, %max3A_1468 : vector<512x512xf32>
    %max3A_1470 = arith.constant 0.000000e+00 : f32
    %max3A_1471 = vector.broadcast %max3A_1470 : f32 to vector<512x512xf32>
    %max3A_1472 = arith.maximumf %max3A_1471, %sub3A_1469 : vector<512x512xf32>
    %min3A_1473 = vector.broadcast %get3A_1239 : vector<512x1xf32> to vector<512x512xf32>
    %min3A_1474 = vector.broadcast %get3A_1459 : vector<1x512xf32> to vector<512x512xf32>
    %min3A_1475 = arith.minimumf %min3A_1473, %min3A_1474 : vector<512x512xf32>
    %max3A_1476 = vector.broadcast %get3A_1233 : vector<512x1xf32> to vector<512x512xf32>
    %max3A_1477 = vector.broadcast %get3A_1453 : vector<1x512xf32> to vector<512x512xf32>
    %max3A_1478 = arith.maximumf %max3A_1476, %max3A_1477 : vector<512x512xf32>
    %sub3A_1479 = arith.subf %min3A_1475, %max3A_1478 : vector<512x512xf32>
    %max3A_1480 = arith.constant 0.000000e+00 : f32
    %max3A_1481 = vector.broadcast %max3A_1480 : f32 to vector<512x512xf32>
    %max3A_1482 = arith.maximumf %max3A_1481, %sub3A_1479 : vector<512x512xf32>
    %mul3A_1483 = arith.mulf %max3A_1472, %max3A_1482 : vector<512x512xf32>
    %add3A_1484 = vector.broadcast %mul3A_1242 : vector<512x1xf32> to vector<512x512xf32>
    %add3A_1485 = vector.broadcast %mul3A_1462 : vector<1x512xf32> to vector<512x512xf32>
    %add3A_1486 = arith.addf %add3A_1484, %add3A_1485 : vector<512x512xf32>
    %sub3A_1487 = arith.subf %add3A_1486, %mul3A_1483 : vector<512x512xf32>
    %add3A_1488 = arith.constant 9.99999997E-7 : f32
    %add3A_1489 = vector.broadcast %add3A_1488 : f32 to vector<512x512xf32>
    %add3A_1490 = arith.addf %sub3A_1487, %add3A_1489 : vector<512x512xf32>
    %mul3A_1491 = arith.constant 3.000000e-01 : f32
    %mul3A_1492 = vector.broadcast %mul3A_1491 : f32 to vector<512x512xf32>
    %mul3A_1493 = arith.mulf %mul3A_1492, %add3A_1490 : vector<512x512xf32>
    %gt3A_1494 = arith.cmpf ogt, %mul3A_1483, %mul3A_1493 : vector<512x512xf32>
    %jit3A_1495 = arith.constant 1.000000e+00 : f32
    %jit3A_1496 = arith.constant 0.000000e+00 : f32
    %broadcast_in_dim3A_1497 = vector.broadcast %jit3A_1495 : f32 to vector<512x512xf32>
    %broadcast_in_dim3A_1498 = vector.broadcast %jit3A_1496 : f32 to vector<512x512xf32>
    %select_n3A_1499 = arith.select %gt3A_1494, %broadcast_in_dim3A_1497, %broadcast_in_dim3A_1498 : vector<512x512xi1>, vector<512x512xf32>
    %dot_general3A_1500 = arith.constant dense<0.000000e+00> : vector<1x512xf32>
    %dot_general3A_1501 = tpu.matmul %while3A_1358#0, %select_n3A_1499, %dot_general3A_1500 {dimension_numbers = #tpu.dot_dimension_numbers<[1], [0], [0], [1], [0, 0, 1, 1], [], []>, transpose_lhs_hint = false} : vector<1x512xf32>, vector<512x512xf32>, vector<1x512xf32> -> vector<1x512xf32>
    %get3A_1502 = arith.constant 0 : index
    %get3A_1503 = arith.constant 4608 : index
    %get3A_1504 = vector.load %arg3[%get3A_1502, %get3A_1503] : memref<1x5120xf32, #tpu.memory_space<vmem>>, vector<1x512xf32>
    %lt3A_1505 = arith.constant 5.000000e-01 : f32
    %lt3A_1506 = vector.broadcast %lt3A_1505 : f32 to vector<1x512xf32>
    %lt3A_1507 = arith.cmpf olt, %dot_general3A_1501, %lt3A_1506 : vector<1x512xf32>
    %jit3A_1508 = arith.constant 1.000000e+00 : f32
    %jit3A_1509 = arith.constant 0.000000e+00 : f32
    %broadcast_in_dim3A_1510 = vector.broadcast %jit3A_1508 : f32 to vector<1x512xf32>
    %broadcast_in_dim3A_1511 = vector.broadcast %jit3A_1509 : f32 to vector<1x512xf32>
    %select_n3A_1512 = arith.select %lt3A_1507, %broadcast_in_dim3A_1510, %broadcast_in_dim3A_1511 : vector<1x512xi1>, vector<1x512xf32>
    %mul3A_1513 = arith.mulf %get3A_1504, %select_n3A_1512 : vector<1x512xf32>
    %swap3A_1514 = arith.constant 0 : index
    %swap3A_1515 = arith.constant 4608 : index
    %swap3A_1516 = vector.load %arg3[%swap3A_1514, %swap3A_1515] : memref<1x5120xf32, #tpu.memory_space<vmem>>, vector<1x512xf32>
    tpu.vector_store %arg3[%swap3A_1514, %swap3A_1515], %mul3A_1513 {strides = array<i32>} : memref<1x5120xf32, #tpu.memory_space<vmem>>, vector<1x512xf32>,
    %get3A_1517 = arith.constant 2560 : index
    %get3A_1518 = arith.constant 0 : index
    %get3A_1519 = vector.load %arg0[%get3A_1517, %get3A_1518] : memref<5120x8xf32, #tpu.memory_space<vmem>>, vector<512x1xf32>
    %get3A_1520 = arith.constant 2560 : index
    %get3A_1521 = arith.constant 1 : index
    %get3A_1522 = vector.load %arg0[%get3A_1520, %get3A_1521] : memref<5120x8xf32, #tpu.memory_space<vmem>>, vector<512x1xf32>
    %get3A_1523 = arith.constant 2560 : index
    %get3A_1524 = arith.constant 2 : index
    %get3A_1525 = vector.load %arg0[%get3A_1523, %get3A_1524] : memref<5120x8xf32, #tpu.memory_space<vmem>>, vector<512x1xf32>
    %get3A_1526 = arith.constant 2560 : index
    %get3A_1527 = arith.constant 3 : index
    %get3A_1528 = vector.load %arg0[%get3A_1526, %get3A_1527] : memref<5120x8xf32, #tpu.memory_space<vmem>>, vector<512x1xf32>
    %sub3A_1529 = arith.subf %get3A_1525, %get3A_1519 : vector<512x1xf32>
    %sub3A_1530 = arith.subf %get3A_1528, %get3A_1522 : vector<512x1xf32>
    %mul3A_1531 = arith.mulf %sub3A_1529, %sub3A_1530 : vector<512x1xf32>
    %get3A_1532 = arith.constant 0 : index
    %get3A_1533 = arith.constant 2560 : index
    %get3A_1534 = vector.load %arg5[%get3A_1532, %get3A_1533] : memref<8x5120xf32, #tpu.memory_space<vmem>>, vector<1x512xf32>
    %get3A_1535 = arith.constant 1 : index
    %get3A_1536 = arith.constant 2560 : index
    %get3A_1537 = vector.load %arg5[%get3A_1535, %get3A_1536] : memref<8x5120xf32, #tpu.memory_space<vmem>>, vector<1x512xf32>
    %get3A_1538 = arith.constant 2 : index
    %get3A_1539 = arith.constant 2560 : index
    %get3A_1540 = vector.load %arg5[%get3A_1538, %get3A_1539] : memref<8x5120xf32, #tpu.memory_space<vmem>>, vector<1x512xf32>
    %get3A_1541 = arith.constant 3 : index
    %get3A_1542 = arith.constant 2560 : index
    %get3A_1543 = vector.load %arg5[%get3A_1541, %get3A_1542] : memref<8x5120xf32, #tpu.memory_space<vmem>>, vector<1x512xf32>
    %sub3A_1544 = arith.subf %get3A_1540, %get3A_1534 : vector<1x512xf32>
    %sub3A_1545 = arith.subf %get3A_1543, %get3A_1537 : vector<1x512xf32>
    %mul3A_1546 = arith.mulf %sub3A_1544, %sub3A_1545 : vector<1x512xf32>
    %min3A_1547 = vector.broadcast %get3A_1525 : vector<512x1xf32> to vector<512x512xf32>
    %min3A_1548 = vector.broadcast %get3A_1540 : vector<1x512xf32> to vector<512x512xf32>
    %min3A_1549 = arith.minimumf %min3A_1547, %min3A_1548 : vector<512x512xf32>
    %max3A_1550 = vector.broadcast %get3A_1519 : vector<512x1xf32> to vector<512x512xf32>
    %max3A_1551 = vector.broadcast %get3A_1534 : vector<1x512xf32> to vector<512x512xf32>
    %max3A_1552 = arith.maximumf %max3A_1550, %max3A_1551 : vector<512x512xf32>
    %sub3A_1553 = arith.subf %min3A_1549, %max3A_1552 : vector<512x512xf32>
    %max3A_1554 = arith.constant 0.000000e+00 : f32
    %max3A_1555 = vector.broadcast %max3A_1554 : f32 to vector<512x512xf32>
    %max3A_1556 = arith.maximumf %max3A_1555, %sub3A_1553 : vector<512x512xf32>
    %min3A_1557 = vector.broadcast %get3A_1528 : vector<512x1xf32> to vector<512x512xf32>
    %min3A_1558 = vector.broadcast %get3A_1543 : vector<1x512xf32> to vector<512x512xf32>
    %min3A_1559 = arith.minimumf %min3A_1557, %min3A_1558 : vector<512x512xf32>
    %max3A_1560 = vector.broadcast %get3A_1522 : vector<512x1xf32> to vector<512x512xf32>
    %max3A_1561 = vector.broadcast %get3A_1537 : vector<1x512xf32> to vector<512x512xf32>
    %max3A_1562 = arith.maximumf %max3A_1560, %max3A_1561 : vector<512x512xf32>
    %sub3A_1563 = arith.subf %min3A_1559, %max3A_1562 : vector<512x512xf32>
    %max3A_1564 = arith.constant 0.000000e+00 : f32
    %max3A_1565 = vector.broadcast %max3A_1564 : f32 to vector<512x512xf32>
    %max3A_1566 = arith.maximumf %max3A_1565, %sub3A_1563 : vector<512x512xf32>
    %mul3A_1567 = arith.mulf %max3A_1556, %max3A_1566 : vector<512x512xf32>
    %add3A_1568 = vector.broadcast %mul3A_1531 : vector<512x1xf32> to vector<512x512xf32>
    %add3A_1569 = vector.broadcast %mul3A_1546 : vector<1x512xf32> to vector<512x512xf32>
    %add3A_1570 = arith.addf %add3A_1568, %add3A_1569 : vector<512x512xf32>
    %sub3A_1571 = arith.subf %add3A_1570, %mul3A_1567 : vector<512x512xf32>
    %add3A_1572 = arith.constant 9.99999997E-7 : f32
    %add3A_1573 = vector.broadcast %add3A_1572 : f32 to vector<512x512xf32>
    %add3A_1574 = arith.addf %sub3A_1571, %add3A_1573 : vector<512x512xf32>
    %mul3A_1575 = arith.constant 3.000000e-01 : f32
    %mul3A_1576 = vector.broadcast %mul3A_1575 : f32 to vector<512x512xf32>
    %mul3A_1577 = arith.mulf %mul3A_1576, %add3A_1574 : vector<512x512xf32>
    %gt3A_1578 = arith.cmpf ogt, %mul3A_1567, %mul3A_1577 : vector<512x512xf32>
    %and3A_1579 = arith.andi %gt3A_1578, %gt3A : vector<512x512xi1>
    %jit3A_1580 = arith.constant 1.000000e+00 : f32
    %jit3A_1581 = arith.constant 0.000000e+00 : f32
    %broadcast_in_dim3A_1582 = vector.broadcast %jit3A_1580 : f32 to vector<512x512xf32>
    %broadcast_in_dim3A_1583 = vector.broadcast %jit3A_1581 : f32 to vector<512x512xf32>
    %select_n3A_1584 = arith.select %and3A_1579, %broadcast_in_dim3A_1582, %broadcast_in_dim3A_1583 : vector<512x512xi1>, vector<512x512xf32>
    %swap3A_1585 = arith.constant 0 : index
    %swap3A_1586 = arith.constant 0 : index
    %swap3A_1587 = vector.load %arg4[%swap3A_1585, %swap3A_1586] : memref<512x512xf32, #tpu.memory_space<vmem>>, vector<512x512xf32>
    tpu.vector_store %arg4[%swap3A_1585, %swap3A_1586], %select_n3A_1584 {strides = array<i32>} : memref<512x512xf32, #tpu.memory_space<vmem>>, vector<512x512xf32>,
    %get3A_1588 = arith.constant 0 : index
    %get3A_1589 = arith.constant 2560 : index
    %get3A_1590 = vector.load %arg3[%get3A_1588, %get3A_1589] : memref<1x5120xf32, #tpu.memory_space<vmem>>, vector<1x512xf32>
    %get3A_1591 = arith.constant 0 : index
    %get3A_1592 = arith.constant 0 : index
    %get3A_1593 = vector.load %arg4[%get3A_1591, %get3A_1592] : memref<512x512xf32, #tpu.memory_space<vmem>>, vector<512x512xf32>
    %dot_general3A_1594 = arith.constant dense<0.000000e+00> : vector<1x512xf32>
    %dot_general3A_1595 = tpu.matmul %get3A_1590, %get3A_1593, %dot_general3A_1594 {dimension_numbers = #tpu.dot_dimension_numbers<[1], [0], [0], [1], [0, 0, 1, 1], [], []>, transpose_lhs_hint = false} : vector<1x512xf32>, vector<512x512xf32>, vector<1x512xf32> -> vector<1x512xf32>
    %lt3A_1596 = arith.constant 5.000000e-01 : f32
    %lt3A_1597 = vector.broadcast %lt3A_1596 : f32 to vector<1x512xf32>
    %lt3A_1598 = arith.cmpf olt, %dot_general3A_1595, %lt3A_1597 : vector<1x512xf32>
    %jit3A_1599 = arith.constant 1.000000e+00 : f32
    %jit3A_1600 = arith.constant 0.000000e+00 : f32
    %broadcast_in_dim3A_1601 = vector.broadcast %jit3A_1599 : f32 to vector<1x512xf32>
    %broadcast_in_dim3A_1602 = vector.broadcast %jit3A_1600 : f32 to vector<1x512xf32>
    %select_n3A_1603 = arith.select %lt3A_1598, %broadcast_in_dim3A_1601, %broadcast_in_dim3A_1602 : vector<1x512xi1>, vector<1x512xf32>
    %mul3A_1604 = arith.mulf %get3A_1590, %select_n3A_1603 : vector<1x512xf32>
    %get3A_1605 = arith.constant 0 : index
    %get3A_1606 = arith.constant 0 : index
    %get3A_1607 = vector.load %arg4[%get3A_1605, %get3A_1606] : memref<512x512xf32, #tpu.memory_space<vmem>>, vector<512x512xf32>
    %dot_general3A_1608 = arith.constant dense<0.000000e+00> : vector<1x512xf32>
    %dot_general3A_1609 = tpu.matmul %mul3A_1604, %get3A_1607, %dot_general3A_1608 {dimension_numbers = #tpu.dot_dimension_numbers<[1], [0], [0], [1], [0, 0, 1, 1], [], []>, transpose_lhs_hint = false} : vector<1x512xf32>, vector<512x512xf32>, vector<1x512xf32> -> vector<1x512xf32>
    %lt3A_1610 = arith.constant 5.000000e-01 : f32
    %lt3A_1611 = vector.broadcast %lt3A_1610 : f32 to vector<1x512xf32>
    %lt3A_1612 = arith.cmpf olt, %dot_general3A_1609, %lt3A_1611 : vector<1x512xf32>
    %jit3A_1613 = arith.constant 1.000000e+00 : f32
    %jit3A_1614 = arith.constant 0.000000e+00 : f32
    %broadcast_in_dim3A_1615 = vector.broadcast %jit3A_1613 : f32 to vector<1x512xf32>
    %broadcast_in_dim3A_1616 = vector.broadcast %jit3A_1614 : f32 to vector<1x512xf32>
    %select_n3A_1617 = arith.select %lt3A_1612, %broadcast_in_dim3A_1615, %broadcast_in_dim3A_1616 : vector<1x512xi1>, vector<1x512xf32>
    %mul3A_1618 = arith.mulf %get3A_1590, %select_n3A_1617 : vector<1x512xf32>
    %get3A_1619 = arith.constant 0 : index
    %get3A_1620 = arith.constant 0 : index
    %get3A_1621 = vector.load %arg4[%get3A_1619, %get3A_1620] : memref<512x512xf32, #tpu.memory_space<vmem>>, vector<512x512xf32>
    %dot_general3A_1622 = arith.constant dense<0.000000e+00> : vector<1x512xf32>
    %dot_general3A_1623 = tpu.matmul %mul3A_1618, %get3A_1621, %dot_general3A_1622 {dimension_numbers = #tpu.dot_dimension_numbers<[1], [0], [0], [1], [0, 0, 1, 1], [], []>, transpose_lhs_hint = false} : vector<1x512xf32>, vector<512x512xf32>, vector<1x512xf32> -> vector<1x512xf32>
    %lt3A_1624 = arith.constant 5.000000e-01 : f32
    %lt3A_1625 = vector.broadcast %lt3A_1624 : f32 to vector<1x512xf32>
    %lt3A_1626 = arith.cmpf olt, %dot_general3A_1623, %lt3A_1625 : vector<1x512xf32>
    %jit3A_1627 = arith.constant 1.000000e+00 : f32
    %jit3A_1628 = arith.constant 0.000000e+00 : f32
    %broadcast_in_dim3A_1629 = vector.broadcast %jit3A_1627 : f32 to vector<1x512xf32>
    %broadcast_in_dim3A_1630 = vector.broadcast %jit3A_1628 : f32 to vector<1x512xf32>
    %select_n3A_1631 = arith.select %lt3A_1626, %broadcast_in_dim3A_1629, %broadcast_in_dim3A_1630 : vector<1x512xi1>, vector<1x512xf32>
    %mul3A_1632 = arith.mulf %get3A_1590, %select_n3A_1631 : vector<1x512xf32>
    %get3A_1633 = arith.constant 0 : index
    %get3A_1634 = arith.constant 0 : index
    %get3A_1635 = vector.load %arg4[%get3A_1633, %get3A_1634] : memref<512x512xf32, #tpu.memory_space<vmem>>, vector<512x512xf32>
    %dot_general3A_1636 = arith.constant dense<0.000000e+00> : vector<1x512xf32>
    %dot_general3A_1637 = tpu.matmul %mul3A_1632, %get3A_1635, %dot_general3A_1636 {dimension_numbers = #tpu.dot_dimension_numbers<[1], [0], [0], [1], [0, 0, 1, 1], [], []>, transpose_lhs_hint = false} : vector<1x512xf32>, vector<512x512xf32>, vector<1x512xf32> -> vector<1x512xf32>
    %lt3A_1638 = arith.constant 5.000000e-01 : f32
    %lt3A_1639 = vector.broadcast %lt3A_1638 : f32 to vector<1x512xf32>
    %lt3A_1640 = arith.cmpf olt, %dot_general3A_1637, %lt3A_1639 : vector<1x512xf32>
    %jit3A_1641 = arith.constant 1.000000e+00 : f32
    %jit3A_1642 = arith.constant 0.000000e+00 : f32
    %broadcast_in_dim3A_1643 = vector.broadcast %jit3A_1641 : f32 to vector<1x512xf32>
    %broadcast_in_dim3A_1644 = vector.broadcast %jit3A_1642 : f32 to vector<1x512xf32>
    %select_n3A_1645 = arith.select %lt3A_1640, %broadcast_in_dim3A_1643, %broadcast_in_dim3A_1644 : vector<1x512xi1>, vector<1x512xf32>
    %mul3A_1646 = arith.mulf %get3A_1590, %select_n3A_1645 : vector<1x512xf32>
    %while3A_1647:2 = scf.while (%while3A_2549 = %mul3A_1646, %while3A_2550 = %mul3A_1632) : (vector<1x512xf32>, vector<1x512xf32>) -> (vector<1x512xf32>, vector<1x512xf32>) {
      %ne3A = arith.cmpf one, %while3A_2549, %while3A_2550 : vector<1x512xf32>
      %reduce_or3A = arith.constant 1.000000e+00 : f32
      %reduce_or3A_2551 = arith.constant 0.000000e+00 : f32
      %reduce_or3A_2552 = vector.broadcast %reduce_or3A : f32 to vector<1x512xf32>
      %reduce_or3A_2553 = vector.broadcast %reduce_or3A_2551 : f32 to vector<1x512xf32>
      %reduce_or3A_2554 = arith.select %ne3A, %reduce_or3A_2552, %reduce_or3A_2553 : vector<1x512xi1>, vector<1x512xf32>
      %reduce_or3A_2555 = vector.shape_cast %reduce_or3A_2554 : vector<1x512xf32> to vector<1x1x512xf32>
      %reduce_or3A_2556 = arith.constant dense<0xFF800000> : vector<1xf32>
      %reduce_or3A_2557 = vector.multi_reduction <maximumf>, %reduce_or3A_2555, %reduce_or3A_2556 [1, 2] : vector<1x1x512xf32> to vector<1xf32>
      %reduce_or3A_2558 = vector.shape_cast %reduce_or3A_2557 : vector<1xf32> to vector<1x1x1xf32>
      %reduce_or3A_2559 = vector.extract %reduce_or3A_2558[0, 0, 0] : f32 from vector<1x1x1xf32>
      %reduce_or3A_2560 = arith.constant 0.000000e+00 : f32
      %reduce_or3A_2561 = arith.cmpf ogt, %reduce_or3A_2559, %reduce_or3A_2560 : f32
      scf.condition(%reduce_or3A_2561) %while3A_2549, %while3A_2550 : vector<1x512xf32>, vector<1x512xf32>
    } do {
    ^bb0(%while3A_2549: vector<1x512xf32>, %while3A_2550: vector<1x512xf32>):
      %get3A_2551 = arith.constant 0 : index
      %get3A_2552 = arith.constant 0 : index
      %get3A_2553 = vector.load %arg4[%get3A_2551, %get3A_2552] : memref<512x512xf32, #tpu.memory_space<vmem>>, vector<512x512xf32>
      %dot_general3A_2554 = arith.constant dense<0.000000e+00> : vector<1x512xf32>
      %dot_general3A_2555 = tpu.matmul %while3A_2549, %get3A_2553, %dot_general3A_2554 {dimension_numbers = #tpu.dot_dimension_numbers<[1], [0], [0], [1], [0, 0, 1, 1], [], []>, transpose_lhs_hint = false} : vector<1x512xf32>, vector<512x512xf32>, vector<1x512xf32> -> vector<1x512xf32>
      %lt3A_2556 = arith.constant 5.000000e-01 : f32
      %lt3A_2557 = vector.broadcast %lt3A_2556 : f32 to vector<1x512xf32>
      %lt3A_2558 = arith.cmpf olt, %dot_general3A_2555, %lt3A_2557 : vector<1x512xf32>
      %jit3A_2559 = arith.constant 1.000000e+00 : f32
      %jit3A_2560 = arith.constant 0.000000e+00 : f32
      %broadcast_in_dim3A_2561 = vector.broadcast %jit3A_2559 : f32 to vector<1x512xf32>
      %broadcast_in_dim3A_2562 = vector.broadcast %jit3A_2560 : f32 to vector<1x512xf32>
      %select_n3A_2563 = arith.select %lt3A_2558, %broadcast_in_dim3A_2561, %broadcast_in_dim3A_2562 : vector<1x512xi1>, vector<1x512xf32>
      %mul3A_2564 = arith.mulf %get3A_1590, %select_n3A_2563 : vector<1x512xf32>
      scf.yield %mul3A_2564, %while3A_2549 : vector<1x512xf32>, vector<1x512xf32>
    }
    %swap3A_1648 = arith.constant 0 : index
    %swap3A_1649 = arith.constant 2560 : index
    %swap3A_1650 = vector.load %arg3[%swap3A_1648, %swap3A_1649] : memref<1x5120xf32, #tpu.memory_space<vmem>>, vector<1x512xf32>
    tpu.vector_store %arg3[%swap3A_1648, %swap3A_1649], %while3A_1647#0 {strides = array<i32>} : memref<1x5120xf32, #tpu.memory_space<vmem>>, vector<1x512xf32>,
    %dot_general3A_1651 = arith.constant dense<0.000000e+00> : vector<512x1xf32>
    %dot_general3A_1652 = tpu.matmul %select_n3A, %while3A_1647#0, %dot_general3A_1651 {dimension_numbers = #tpu.dot_dimension_numbers<[1], [1], [0], [0], [0, 0, 1, 0], [], []>, transpose_lhs_hint = false} : vector<512x512xf32>, vector<1x512xf32>, vector<512x1xf32> -> vector<512x1xf32>
    %get3A_1653 = arith.constant 2560 : index
    %get3A_1654 = arith.constant 0 : index
    %get3A_1655 = vector.load %arg0[%get3A_1653, %get3A_1654] : memref<5120x8xf32, #tpu.memory_space<vmem>>, vector<512x4xf32>
    %mul3A_1656 = vector.broadcast %dot_general3A_1652 : vector<512x1xf32> to vector<512x4xf32>
    %mul3A_1657 = arith.mulf %get3A_1655, %mul3A_1656 : vector<512x4xf32>
    %swap3A_1658 = arith.constant 2560 : index
    %swap3A_1659 = arith.constant 0 : index
    %swap3A_1660 = vector.load %arg2[%swap3A_1658, %swap3A_1659] : memref<5000x5xf32, #tpu.memory_space<vmem>>, vector<512x4xf32>
    tpu.vector_store %arg2[%swap3A_1658, %swap3A_1659], %mul3A_1657 {strides = array<i32>} : memref<5000x5xf32, #tpu.memory_space<vmem>>, vector<512x4xf32>,
    %get3A_1661 = arith.constant 2560 : index
    %get3A_1662 = arith.constant 4 : index
    %get3A_1663 = vector.load %arg0[%get3A_1661, %get3A_1662] : memref<5120x8xf32, #tpu.memory_space<vmem>>, vector<512x1xf32>
    %mul3A_1664 = arith.mulf %get3A_1663, %dot_general3A_1652 : vector<512x1xf32>
    %swap3A_1665 = arith.constant 2560 : index
    %swap3A_1666 = arith.constant 4 : index
    %swap3A_1667 = vector.load %arg2[%swap3A_1665, %swap3A_1666] : memref<5000x5xf32, #tpu.memory_space<vmem>>, vector<512x1xf32>
    tpu.vector_store %arg2[%swap3A_1665, %swap3A_1666], %mul3A_1664 {strides = array<i32>} : memref<5000x5xf32, #tpu.memory_space<vmem>>, vector<512x1xf32>,
    %get3A_1668 = arith.constant 0 : index
    %get3A_1669 = arith.constant 3072 : index
    %get3A_1670 = vector.load %arg5[%get3A_1668, %get3A_1669] : memref<8x5120xf32, #tpu.memory_space<vmem>>, vector<1x2048xf32>
    %get3A_1671 = arith.constant 1 : index
    %get3A_1672 = arith.constant 3072 : index
    %get3A_1673 = vector.load %arg5[%get3A_1671, %get3A_1672] : memref<8x5120xf32, #tpu.memory_space<vmem>>, vector<1x2048xf32>
    %get3A_1674 = arith.constant 2 : index
    %get3A_1675 = arith.constant 3072 : index
    %get3A_1676 = vector.load %arg5[%get3A_1674, %get3A_1675] : memref<8x5120xf32, #tpu.memory_space<vmem>>, vector<1x2048xf32>
    %get3A_1677 = arith.constant 3 : index
    %get3A_1678 = arith.constant 3072 : index
    %get3A_1679 = vector.load %arg5[%get3A_1677, %get3A_1678] : memref<8x5120xf32, #tpu.memory_space<vmem>>, vector<1x2048xf32>
    %sub3A_1680 = arith.subf %get3A_1676, %get3A_1670 : vector<1x2048xf32>
    %sub3A_1681 = arith.subf %get3A_1679, %get3A_1673 : vector<1x2048xf32>
    %mul3A_1682 = arith.mulf %sub3A_1680, %sub3A_1681 : vector<1x2048xf32>
    %min3A_1683 = vector.broadcast %get3A_1525 : vector<512x1xf32> to vector<512x2048xf32>
    %min3A_1684 = vector.broadcast %get3A_1676 : vector<1x2048xf32> to vector<512x2048xf32>
    %min3A_1685 = arith.minimumf %min3A_1683, %min3A_1684 : vector<512x2048xf32>
    %max3A_1686 = vector.broadcast %get3A_1519 : vector<512x1xf32> to vector<512x2048xf32>
    %max3A_1687 = vector.broadcast %get3A_1670 : vector<1x2048xf32> to vector<512x2048xf32>
    %max3A_1688 = arith.maximumf %max3A_1686, %max3A_1687 : vector<512x2048xf32>
    %sub3A_1689 = arith.subf %min3A_1685, %max3A_1688 : vector<512x2048xf32>
    %max3A_1690 = arith.constant 0.000000e+00 : f32
    %max3A_1691 = vector.broadcast %max3A_1690 : f32 to vector<512x2048xf32>
    %max3A_1692 = arith.maximumf %max3A_1691, %sub3A_1689 : vector<512x2048xf32>
    %min3A_1693 = vector.broadcast %get3A_1528 : vector<512x1xf32> to vector<512x2048xf32>
    %min3A_1694 = vector.broadcast %get3A_1679 : vector<1x2048xf32> to vector<512x2048xf32>
    %min3A_1695 = arith.minimumf %min3A_1693, %min3A_1694 : vector<512x2048xf32>
    %max3A_1696 = vector.broadcast %get3A_1522 : vector<512x1xf32> to vector<512x2048xf32>
    %max3A_1697 = vector.broadcast %get3A_1673 : vector<1x2048xf32> to vector<512x2048xf32>
    %max3A_1698 = arith.maximumf %max3A_1696, %max3A_1697 : vector<512x2048xf32>
    %sub3A_1699 = arith.subf %min3A_1695, %max3A_1698 : vector<512x2048xf32>
    %max3A_1700 = arith.constant 0.000000e+00 : f32
    %max3A_1701 = vector.broadcast %max3A_1700 : f32 to vector<512x2048xf32>
    %max3A_1702 = arith.maximumf %max3A_1701, %sub3A_1699 : vector<512x2048xf32>
    %mul3A_1703 = arith.mulf %max3A_1692, %max3A_1702 : vector<512x2048xf32>
    %add3A_1704 = vector.broadcast %mul3A_1531 : vector<512x1xf32> to vector<512x2048xf32>
    %add3A_1705 = vector.broadcast %mul3A_1682 : vector<1x2048xf32> to vector<512x2048xf32>
    %add3A_1706 = arith.addf %add3A_1704, %add3A_1705 : vector<512x2048xf32>
    %sub3A_1707 = arith.subf %add3A_1706, %mul3A_1703 : vector<512x2048xf32>
    %add3A_1708 = arith.constant 9.99999997E-7 : f32
    %add3A_1709 = vector.broadcast %add3A_1708 : f32 to vector<512x2048xf32>
    %add3A_1710 = arith.addf %sub3A_1707, %add3A_1709 : vector<512x2048xf32>
    %mul3A_1711 = arith.constant 3.000000e-01 : f32
    %mul3A_1712 = vector.broadcast %mul3A_1711 : f32 to vector<512x2048xf32>
    %mul3A_1713 = arith.mulf %mul3A_1712, %add3A_1710 : vector<512x2048xf32>
    %gt3A_1714 = arith.cmpf ogt, %mul3A_1703, %mul3A_1713 : vector<512x2048xf32>
    %jit3A_1715 = arith.constant 1.000000e+00 : f32
    %jit3A_1716 = arith.constant 0.000000e+00 : f32
    %broadcast_in_dim3A_1717 = vector.broadcast %jit3A_1715 : f32 to vector<512x2048xf32>
    %broadcast_in_dim3A_1718 = vector.broadcast %jit3A_1716 : f32 to vector<512x2048xf32>
    %select_n3A_1719 = arith.select %gt3A_1714, %broadcast_in_dim3A_1717, %broadcast_in_dim3A_1718 : vector<512x2048xi1>, vector<512x2048xf32>
    %dot_general3A_1720 = arith.constant dense<0.000000e+00> : vector<1x2048xf32>
    %dot_general3A_1721 = tpu.matmul %while3A_1647#0, %select_n3A_1719, %dot_general3A_1720 {dimension_numbers = #tpu.dot_dimension_numbers<[1], [0], [0], [1], [0, 0, 1, 1], [], []>, transpose_lhs_hint = false} : vector<1x512xf32>, vector<512x2048xf32>, vector<1x2048xf32> -> vector<1x2048xf32>
    %get3A_1722 = arith.constant 0 : index
    %get3A_1723 = arith.constant 3072 : index
    %get3A_1724 = vector.load %arg3[%get3A_1722, %get3A_1723] : memref<1x5120xf32, #tpu.memory_space<vmem>>, vector<1x2048xf32>
    %lt3A_1725 = arith.constant 5.000000e-01 : f32
    %lt3A_1726 = vector.broadcast %lt3A_1725 : f32 to vector<1x2048xf32>
    %lt3A_1727 = arith.cmpf olt, %dot_general3A_1721, %lt3A_1726 : vector<1x2048xf32>
    %jit3A_1728 = arith.constant 1.000000e+00 : f32
    %jit3A_1729 = arith.constant 0.000000e+00 : f32
    %broadcast_in_dim3A_1730 = vector.broadcast %jit3A_1728 : f32 to vector<1x2048xf32>
    %broadcast_in_dim3A_1731 = vector.broadcast %jit3A_1729 : f32 to vector<1x2048xf32>
    %select_n3A_1732 = arith.select %lt3A_1727, %broadcast_in_dim3A_1730, %broadcast_in_dim3A_1731 : vector<1x2048xi1>, vector<1x2048xf32>
    %mul3A_1733 = arith.mulf %get3A_1724, %select_n3A_1732 : vector<1x2048xf32>
    %swap3A_1734 = arith.constant 0 : index
    %swap3A_1735 = arith.constant 3072 : index
    %swap3A_1736 = vector.load %arg3[%swap3A_1734, %swap3A_1735] : memref<1x5120xf32, #tpu.memory_space<vmem>>, vector<1x2048xf32>
    tpu.vector_store %arg3[%swap3A_1734, %swap3A_1735], %mul3A_1733 {strides = array<i32>} : memref<1x5120xf32, #tpu.memory_space<vmem>>, vector<1x2048xf32>,
    %get3A_1737 = arith.constant 3072 : index
    %get3A_1738 = arith.constant 0 : index
    %get3A_1739 = vector.load %arg0[%get3A_1737, %get3A_1738] : memref<5120x8xf32, #tpu.memory_space<vmem>>, vector<512x1xf32>
    %get3A_1740 = arith.constant 3072 : index
    %get3A_1741 = arith.constant 1 : index
    %get3A_1742 = vector.load %arg0[%get3A_1740, %get3A_1741] : memref<5120x8xf32, #tpu.memory_space<vmem>>, vector<512x1xf32>
    %get3A_1743 = arith.constant 3072 : index
    %get3A_1744 = arith.constant 2 : index
    %get3A_1745 = vector.load %arg0[%get3A_1743, %get3A_1744] : memref<5120x8xf32, #tpu.memory_space<vmem>>, vector<512x1xf32>
    %get3A_1746 = arith.constant 3072 : index
    %get3A_1747 = arith.constant 3 : index
    %get3A_1748 = vector.load %arg0[%get3A_1746, %get3A_1747] : memref<5120x8xf32, #tpu.memory_space<vmem>>, vector<512x1xf32>
    %sub3A_1749 = arith.subf %get3A_1745, %get3A_1739 : vector<512x1xf32>
    %sub3A_1750 = arith.subf %get3A_1748, %get3A_1742 : vector<512x1xf32>
    %mul3A_1751 = arith.mulf %sub3A_1749, %sub3A_1750 : vector<512x1xf32>
    %get3A_1752 = arith.constant 0 : index
    %get3A_1753 = arith.constant 3072 : index
    %get3A_1754 = vector.load %arg5[%get3A_1752, %get3A_1753] : memref<8x5120xf32, #tpu.memory_space<vmem>>, vector<1x512xf32>
    %get3A_1755 = arith.constant 1 : index
    %get3A_1756 = arith.constant 3072 : index
    %get3A_1757 = vector.load %arg5[%get3A_1755, %get3A_1756] : memref<8x5120xf32, #tpu.memory_space<vmem>>, vector<1x512xf32>
    %get3A_1758 = arith.constant 2 : index
    %get3A_1759 = arith.constant 3072 : index
    %get3A_1760 = vector.load %arg5[%get3A_1758, %get3A_1759] : memref<8x5120xf32, #tpu.memory_space<vmem>>, vector<1x512xf32>
    %get3A_1761 = arith.constant 3 : index
    %get3A_1762 = arith.constant 3072 : index
    %get3A_1763 = vector.load %arg5[%get3A_1761, %get3A_1762] : memref<8x5120xf32, #tpu.memory_space<vmem>>, vector<1x512xf32>
    %sub3A_1764 = arith.subf %get3A_1760, %get3A_1754 : vector<1x512xf32>
    %sub3A_1765 = arith.subf %get3A_1763, %get3A_1757 : vector<1x512xf32>
    %mul3A_1766 = arith.mulf %sub3A_1764, %sub3A_1765 : vector<1x512xf32>
    %min3A_1767 = vector.broadcast %get3A_1745 : vector<512x1xf32> to vector<512x512xf32>
    %min3A_1768 = vector.broadcast %get3A_1760 : vector<1x512xf32> to vector<512x512xf32>
    %min3A_1769 = arith.minimumf %min3A_1767, %min3A_1768 : vector<512x512xf32>
    %max3A_1770 = vector.broadcast %get3A_1739 : vector<512x1xf32> to vector<512x512xf32>
    %max3A_1771 = vector.broadcast %get3A_1754 : vector<1x512xf32> to vector<512x512xf32>
    %max3A_1772 = arith.maximumf %max3A_1770, %max3A_1771 : vector<512x512xf32>
    %sub3A_1773 = arith.subf %min3A_1769, %max3A_1772 : vector<512x512xf32>
    %max3A_1774 = arith.constant 0.000000e+00 : f32
    %max3A_1775 = vector.broadcast %max3A_1774 : f32 to vector<512x512xf32>
    %max3A_1776 = arith.maximumf %max3A_1775, %sub3A_1773 : vector<512x512xf32>
    %min3A_1777 = vector.broadcast %get3A_1748 : vector<512x1xf32> to vector<512x512xf32>
    %min3A_1778 = vector.broadcast %get3A_1763 : vector<1x512xf32> to vector<512x512xf32>
    %min3A_1779 = arith.minimumf %min3A_1777, %min3A_1778 : vector<512x512xf32>
    %max3A_1780 = vector.broadcast %get3A_1742 : vector<512x1xf32> to vector<512x512xf32>
    %max3A_1781 = vector.broadcast %get3A_1757 : vector<1x512xf32> to vector<512x512xf32>
    %max3A_1782 = arith.maximumf %max3A_1780, %max3A_1781 : vector<512x512xf32>
    %sub3A_1783 = arith.subf %min3A_1779, %max3A_1782 : vector<512x512xf32>
    %max3A_1784 = arith.constant 0.000000e+00 : f32
    %max3A_1785 = vector.broadcast %max3A_1784 : f32 to vector<512x512xf32>
    %max3A_1786 = arith.maximumf %max3A_1785, %sub3A_1783 : vector<512x512xf32>
    %mul3A_1787 = arith.mulf %max3A_1776, %max3A_1786 : vector<512x512xf32>
    %add3A_1788 = vector.broadcast %mul3A_1751 : vector<512x1xf32> to vector<512x512xf32>
    %add3A_1789 = vector.broadcast %mul3A_1766 : vector<1x512xf32> to vector<512x512xf32>
    %add3A_1790 = arith.addf %add3A_1788, %add3A_1789 : vector<512x512xf32>
    %sub3A_1791 = arith.subf %add3A_1790, %mul3A_1787 : vector<512x512xf32>
    %add3A_1792 = arith.constant 9.99999997E-7 : f32
    %add3A_1793 = vector.broadcast %add3A_1792 : f32 to vector<512x512xf32>
    %add3A_1794 = arith.addf %sub3A_1791, %add3A_1793 : vector<512x512xf32>
    %mul3A_1795 = arith.constant 3.000000e-01 : f32
    %mul3A_1796 = vector.broadcast %mul3A_1795 : f32 to vector<512x512xf32>
    %mul3A_1797 = arith.mulf %mul3A_1796, %add3A_1794 : vector<512x512xf32>
    %gt3A_1798 = arith.cmpf ogt, %mul3A_1787, %mul3A_1797 : vector<512x512xf32>
    %and3A_1799 = arith.andi %gt3A_1798, %gt3A : vector<512x512xi1>
    %jit3A_1800 = arith.constant 1.000000e+00 : f32
    %jit3A_1801 = arith.constant 0.000000e+00 : f32
    %broadcast_in_dim3A_1802 = vector.broadcast %jit3A_1800 : f32 to vector<512x512xf32>
    %broadcast_in_dim3A_1803 = vector.broadcast %jit3A_1801 : f32 to vector<512x512xf32>
    %select_n3A_1804 = arith.select %and3A_1799, %broadcast_in_dim3A_1802, %broadcast_in_dim3A_1803 : vector<512x512xi1>, vector<512x512xf32>
    %swap3A_1805 = arith.constant 0 : index
    %swap3A_1806 = arith.constant 0 : index
    %swap3A_1807 = vector.load %arg4[%swap3A_1805, %swap3A_1806] : memref<512x512xf32, #tpu.memory_space<vmem>>, vector<512x512xf32>
    tpu.vector_store %arg4[%swap3A_1805, %swap3A_1806], %select_n3A_1804 {strides = array<i32>} : memref<512x512xf32, #tpu.memory_space<vmem>>, vector<512x512xf32>,
    %get3A_1808 = arith.constant 0 : index
    %get3A_1809 = arith.constant 3072 : index
    %get3A_1810 = vector.load %arg3[%get3A_1808, %get3A_1809] : memref<1x5120xf32, #tpu.memory_space<vmem>>, vector<1x512xf32>
    %get3A_1811 = arith.constant 0 : index
    %get3A_1812 = arith.constant 0 : index
    %get3A_1813 = vector.load %arg4[%get3A_1811, %get3A_1812] : memref<512x512xf32, #tpu.memory_space<vmem>>, vector<512x512xf32>
    %dot_general3A_1814 = arith.constant dense<0.000000e+00> : vector<1x512xf32>
    %dot_general3A_1815 = tpu.matmul %get3A_1810, %get3A_1813, %dot_general3A_1814 {dimension_numbers = #tpu.dot_dimension_numbers<[1], [0], [0], [1], [0, 0, 1, 1], [], []>, transpose_lhs_hint = false} : vector<1x512xf32>, vector<512x512xf32>, vector<1x512xf32> -> vector<1x512xf32>
    %lt3A_1816 = arith.constant 5.000000e-01 : f32
    %lt3A_1817 = vector.broadcast %lt3A_1816 : f32 to vector<1x512xf32>
    %lt3A_1818 = arith.cmpf olt, %dot_general3A_1815, %lt3A_1817 : vector<1x512xf32>
    %jit3A_1819 = arith.constant 1.000000e+00 : f32
    %jit3A_1820 = arith.constant 0.000000e+00 : f32
    %broadcast_in_dim3A_1821 = vector.broadcast %jit3A_1819 : f32 to vector<1x512xf32>
    %broadcast_in_dim3A_1822 = vector.broadcast %jit3A_1820 : f32 to vector<1x512xf32>
    %select_n3A_1823 = arith.select %lt3A_1818, %broadcast_in_dim3A_1821, %broadcast_in_dim3A_1822 : vector<1x512xi1>, vector<1x512xf32>
    %mul3A_1824 = arith.mulf %get3A_1810, %select_n3A_1823 : vector<1x512xf32>
    %get3A_1825 = arith.constant 0 : index
    %get3A_1826 = arith.constant 0 : index
    %get3A_1827 = vector.load %arg4[%get3A_1825, %get3A_1826] : memref<512x512xf32, #tpu.memory_space<vmem>>, vector<512x512xf32>
    %dot_general3A_1828 = arith.constant dense<0.000000e+00> : vector<1x512xf32>
    %dot_general3A_1829 = tpu.matmul %mul3A_1824, %get3A_1827, %dot_general3A_1828 {dimension_numbers = #tpu.dot_dimension_numbers<[1], [0], [0], [1], [0, 0, 1, 1], [], []>, transpose_lhs_hint = false} : vector<1x512xf32>, vector<512x512xf32>, vector<1x512xf32> -> vector<1x512xf32>
    %lt3A_1830 = arith.constant 5.000000e-01 : f32
    %lt3A_1831 = vector.broadcast %lt3A_1830 : f32 to vector<1x512xf32>
    %lt3A_1832 = arith.cmpf olt, %dot_general3A_1829, %lt3A_1831 : vector<1x512xf32>
    %jit3A_1833 = arith.constant 1.000000e+00 : f32
    %jit3A_1834 = arith.constant 0.000000e+00 : f32
    %broadcast_in_dim3A_1835 = vector.broadcast %jit3A_1833 : f32 to vector<1x512xf32>
    %broadcast_in_dim3A_1836 = vector.broadcast %jit3A_1834 : f32 to vector<1x512xf32>
    %select_n3A_1837 = arith.select %lt3A_1832, %broadcast_in_dim3A_1835, %broadcast_in_dim3A_1836 : vector<1x512xi1>, vector<1x512xf32>
    %mul3A_1838 = arith.mulf %get3A_1810, %select_n3A_1837 : vector<1x512xf32>
    %get3A_1839 = arith.constant 0 : index
    %get3A_1840 = arith.constant 0 : index
    %get3A_1841 = vector.load %arg4[%get3A_1839, %get3A_1840] : memref<512x512xf32, #tpu.memory_space<vmem>>, vector<512x512xf32>
    %dot_general3A_1842 = arith.constant dense<0.000000e+00> : vector<1x512xf32>
    %dot_general3A_1843 = tpu.matmul %mul3A_1838, %get3A_1841, %dot_general3A_1842 {dimension_numbers = #tpu.dot_dimension_numbers<[1], [0], [0], [1], [0, 0, 1, 1], [], []>, transpose_lhs_hint = false} : vector<1x512xf32>, vector<512x512xf32>, vector<1x512xf32> -> vector<1x512xf32>
    %lt3A_1844 = arith.constant 5.000000e-01 : f32
    %lt3A_1845 = vector.broadcast %lt3A_1844 : f32 to vector<1x512xf32>
    %lt3A_1846 = arith.cmpf olt, %dot_general3A_1843, %lt3A_1845 : vector<1x512xf32>
    %jit3A_1847 = arith.constant 1.000000e+00 : f32
    %jit3A_1848 = arith.constant 0.000000e+00 : f32
    %broadcast_in_dim3A_1849 = vector.broadcast %jit3A_1847 : f32 to vector<1x512xf32>
    %broadcast_in_dim3A_1850 = vector.broadcast %jit3A_1848 : f32 to vector<1x512xf32>
    %select_n3A_1851 = arith.select %lt3A_1846, %broadcast_in_dim3A_1849, %broadcast_in_dim3A_1850 : vector<1x512xi1>, vector<1x512xf32>
    %mul3A_1852 = arith.mulf %get3A_1810, %select_n3A_1851 : vector<1x512xf32>
    %get3A_1853 = arith.constant 0 : index
    %get3A_1854 = arith.constant 0 : index
    %get3A_1855 = vector.load %arg4[%get3A_1853, %get3A_1854] : memref<512x512xf32, #tpu.memory_space<vmem>>, vector<512x512xf32>
    %dot_general3A_1856 = arith.constant dense<0.000000e+00> : vector<1x512xf32>
    %dot_general3A_1857 = tpu.matmul %mul3A_1852, %get3A_1855, %dot_general3A_1856 {dimension_numbers = #tpu.dot_dimension_numbers<[1], [0], [0], [1], [0, 0, 1, 1], [], []>, transpose_lhs_hint = false} : vector<1x512xf32>, vector<512x512xf32>, vector<1x512xf32> -> vector<1x512xf32>
    %lt3A_1858 = arith.constant 5.000000e-01 : f32
    %lt3A_1859 = vector.broadcast %lt3A_1858 : f32 to vector<1x512xf32>
    %lt3A_1860 = arith.cmpf olt, %dot_general3A_1857, %lt3A_1859 : vector<1x512xf32>
    %jit3A_1861 = arith.constant 1.000000e+00 : f32
    %jit3A_1862 = arith.constant 0.000000e+00 : f32
    %broadcast_in_dim3A_1863 = vector.broadcast %jit3A_1861 : f32 to vector<1x512xf32>
    %broadcast_in_dim3A_1864 = vector.broadcast %jit3A_1862 : f32 to vector<1x512xf32>
    %select_n3A_1865 = arith.select %lt3A_1860, %broadcast_in_dim3A_1863, %broadcast_in_dim3A_1864 : vector<1x512xi1>, vector<1x512xf32>
    %mul3A_1866 = arith.mulf %get3A_1810, %select_n3A_1865 : vector<1x512xf32>
    %while3A_1867:2 = scf.while (%while3A_2549 = %mul3A_1866, %while3A_2550 = %mul3A_1852) : (vector<1x512xf32>, vector<1x512xf32>) -> (vector<1x512xf32>, vector<1x512xf32>) {
      %ne3A = arith.cmpf one, %while3A_2549, %while3A_2550 : vector<1x512xf32>
      %reduce_or3A = arith.constant 1.000000e+00 : f32
      %reduce_or3A_2551 = arith.constant 0.000000e+00 : f32
      %reduce_or3A_2552 = vector.broadcast %reduce_or3A : f32 to vector<1x512xf32>
      %reduce_or3A_2553 = vector.broadcast %reduce_or3A_2551 : f32 to vector<1x512xf32>
      %reduce_or3A_2554 = arith.select %ne3A, %reduce_or3A_2552, %reduce_or3A_2553 : vector<1x512xi1>, vector<1x512xf32>
      %reduce_or3A_2555 = vector.shape_cast %reduce_or3A_2554 : vector<1x512xf32> to vector<1x1x512xf32>
      %reduce_or3A_2556 = arith.constant dense<0xFF800000> : vector<1xf32>
      %reduce_or3A_2557 = vector.multi_reduction <maximumf>, %reduce_or3A_2555, %reduce_or3A_2556 [1, 2] : vector<1x1x512xf32> to vector<1xf32>
      %reduce_or3A_2558 = vector.shape_cast %reduce_or3A_2557 : vector<1xf32> to vector<1x1x1xf32>
      %reduce_or3A_2559 = vector.extract %reduce_or3A_2558[0, 0, 0] : f32 from vector<1x1x1xf32>
      %reduce_or3A_2560 = arith.constant 0.000000e+00 : f32
      %reduce_or3A_2561 = arith.cmpf ogt, %reduce_or3A_2559, %reduce_or3A_2560 : f32
      scf.condition(%reduce_or3A_2561) %while3A_2549, %while3A_2550 : vector<1x512xf32>, vector<1x512xf32>
    } do {
    ^bb0(%while3A_2549: vector<1x512xf32>, %while3A_2550: vector<1x512xf32>):
      %get3A_2551 = arith.constant 0 : index
      %get3A_2552 = arith.constant 0 : index
      %get3A_2553 = vector.load %arg4[%get3A_2551, %get3A_2552] : memref<512x512xf32, #tpu.memory_space<vmem>>, vector<512x512xf32>
      %dot_general3A_2554 = arith.constant dense<0.000000e+00> : vector<1x512xf32>
      %dot_general3A_2555 = tpu.matmul %while3A_2549, %get3A_2553, %dot_general3A_2554 {dimension_numbers = #tpu.dot_dimension_numbers<[1], [0], [0], [1], [0, 0, 1, 1], [], []>, transpose_lhs_hint = false} : vector<1x512xf32>, vector<512x512xf32>, vector<1x512xf32> -> vector<1x512xf32>
      %lt3A_2556 = arith.constant 5.000000e-01 : f32
      %lt3A_2557 = vector.broadcast %lt3A_2556 : f32 to vector<1x512xf32>
      %lt3A_2558 = arith.cmpf olt, %dot_general3A_2555, %lt3A_2557 : vector<1x512xf32>
      %jit3A_2559 = arith.constant 1.000000e+00 : f32
      %jit3A_2560 = arith.constant 0.000000e+00 : f32
      %broadcast_in_dim3A_2561 = vector.broadcast %jit3A_2559 : f32 to vector<1x512xf32>
      %broadcast_in_dim3A_2562 = vector.broadcast %jit3A_2560 : f32 to vector<1x512xf32>
      %select_n3A_2563 = arith.select %lt3A_2558, %broadcast_in_dim3A_2561, %broadcast_in_dim3A_2562 : vector<1x512xi1>, vector<1x512xf32>
      %mul3A_2564 = arith.mulf %get3A_1810, %select_n3A_2563 : vector<1x512xf32>
      scf.yield %mul3A_2564, %while3A_2549 : vector<1x512xf32>, vector<1x512xf32>
    }
    %swap3A_1868 = arith.constant 0 : index
    %swap3A_1869 = arith.constant 3072 : index
    %swap3A_1870 = vector.load %arg3[%swap3A_1868, %swap3A_1869] : memref<1x5120xf32, #tpu.memory_space<vmem>>, vector<1x512xf32>
    tpu.vector_store %arg3[%swap3A_1868, %swap3A_1869], %while3A_1867#0 {strides = array<i32>} : memref<1x5120xf32, #tpu.memory_space<vmem>>, vector<1x512xf32>,
    %dot_general3A_1871 = arith.constant dense<0.000000e+00> : vector<512x1xf32>
    %dot_general3A_1872 = tpu.matmul %select_n3A, %while3A_1867#0, %dot_general3A_1871 {dimension_numbers = #tpu.dot_dimension_numbers<[1], [1], [0], [0], [0, 0, 1, 0], [], []>, transpose_lhs_hint = false} : vector<512x512xf32>, vector<1x512xf32>, vector<512x1xf32> -> vector<512x1xf32>
    %get3A_1873 = arith.constant 3072 : index
    %get3A_1874 = arith.constant 0 : index
    %get3A_1875 = vector.load %arg0[%get3A_1873, %get3A_1874] : memref<5120x8xf32, #tpu.memory_space<vmem>>, vector<512x4xf32>
    %mul3A_1876 = vector.broadcast %dot_general3A_1872 : vector<512x1xf32> to vector<512x4xf32>
    %mul3A_1877 = arith.mulf %get3A_1875, %mul3A_1876 : vector<512x4xf32>
    %swap3A_1878 = arith.constant 3072 : index
    %swap3A_1879 = arith.constant 0 : index
    %swap3A_1880 = vector.load %arg2[%swap3A_1878, %swap3A_1879] : memref<5000x5xf32, #tpu.memory_space<vmem>>, vector<512x4xf32>
    tpu.vector_store %arg2[%swap3A_1878, %swap3A_1879], %mul3A_1877 {strides = array<i32>} : memref<5000x5xf32, #tpu.memory_space<vmem>>, vector<512x4xf32>,
    %get3A_1881 = arith.constant 3072 : index
    %get3A_1882 = arith.constant 4 : index
    %get3A_1883 = vector.load %arg0[%get3A_1881, %get3A_1882] : memref<5120x8xf32, #tpu.memory_space<vmem>>, vector<512x1xf32>
    %mul3A_1884 = arith.mulf %get3A_1883, %dot_general3A_1872 : vector<512x1xf32>
    %swap3A_1885 = arith.constant 3072 : index
    %swap3A_1886 = arith.constant 4 : index
    %swap3A_1887 = vector.load %arg2[%swap3A_1885, %swap3A_1886] : memref<5000x5xf32, #tpu.memory_space<vmem>>, vector<512x1xf32>
    tpu.vector_store %arg2[%swap3A_1885, %swap3A_1886], %mul3A_1884 {strides = array<i32>} : memref<5000x5xf32, #tpu.memory_space<vmem>>, vector<512x1xf32>,
    %get3A_1888 = arith.constant 0 : index
    %get3A_1889 = arith.constant 3584 : index
    %get3A_1890 = vector.load %arg5[%get3A_1888, %get3A_1889] : memref<8x5120xf32, #tpu.memory_space<vmem>>, vector<1x1536xf32>
    %get3A_1891 = arith.constant 1 : index
    %get3A_1892 = arith.constant 3584 : index
    %get3A_1893 = vector.load %arg5[%get3A_1891, %get3A_1892] : memref<8x5120xf32, #tpu.memory_space<vmem>>, vector<1x1536xf32>
    %get3A_1894 = arith.constant 2 : index
    %get3A_1895 = arith.constant 3584 : index
    %get3A_1896 = vector.load %arg5[%get3A_1894, %get3A_1895] : memref<8x5120xf32, #tpu.memory_space<vmem>>, vector<1x1536xf32>
    %get3A_1897 = arith.constant 3 : index
    %get3A_1898 = arith.constant 3584 : index
    %get3A_1899 = vector.load %arg5[%get3A_1897, %get3A_1898] : memref<8x5120xf32, #tpu.memory_space<vmem>>, vector<1x1536xf32>
    %sub3A_1900 = arith.subf %get3A_1896, %get3A_1890 : vector<1x1536xf32>
    %sub3A_1901 = arith.subf %get3A_1899, %get3A_1893 : vector<1x1536xf32>
    %mul3A_1902 = arith.mulf %sub3A_1900, %sub3A_1901 : vector<1x1536xf32>
    %min3A_1903 = vector.broadcast %get3A_1745 : vector<512x1xf32> to vector<512x1536xf32>
    %min3A_1904 = vector.broadcast %get3A_1896 : vector<1x1536xf32> to vector<512x1536xf32>
    %min3A_1905 = arith.minimumf %min3A_1903, %min3A_1904 : vector<512x1536xf32>
    %max3A_1906 = vector.broadcast %get3A_1739 : vector<512x1xf32> to vector<512x1536xf32>
    %max3A_1907 = vector.broadcast %get3A_1890 : vector<1x1536xf32> to vector<512x1536xf32>
    %max3A_1908 = arith.maximumf %max3A_1906, %max3A_1907 : vector<512x1536xf32>
    %sub3A_1909 = arith.subf %min3A_1905, %max3A_1908 : vector<512x1536xf32>
    %max3A_1910 = arith.constant 0.000000e+00 : f32
    %max3A_1911 = vector.broadcast %max3A_1910 : f32 to vector<512x1536xf32>
    %max3A_1912 = arith.maximumf %max3A_1911, %sub3A_1909 : vector<512x1536xf32>
    %min3A_1913 = vector.broadcast %get3A_1748 : vector<512x1xf32> to vector<512x1536xf32>
    %min3A_1914 = vector.broadcast %get3A_1899 : vector<1x1536xf32> to vector<512x1536xf32>
    %min3A_1915 = arith.minimumf %min3A_1913, %min3A_1914 : vector<512x1536xf32>
    %max3A_1916 = vector.broadcast %get3A_1742 : vector<512x1xf32> to vector<512x1536xf32>
    %max3A_1917 = vector.broadcast %get3A_1893 : vector<1x1536xf32> to vector<512x1536xf32>
    %max3A_1918 = arith.maximumf %max3A_1916, %max3A_1917 : vector<512x1536xf32>
    %sub3A_1919 = arith.subf %min3A_1915, %max3A_1918 : vector<512x1536xf32>
    %max3A_1920 = arith.constant 0.000000e+00 : f32
    %max3A_1921 = vector.broadcast %max3A_1920 : f32 to vector<512x1536xf32>
    %max3A_1922 = arith.maximumf %max3A_1921, %sub3A_1919 : vector<512x1536xf32>
    %mul3A_1923 = arith.mulf %max3A_1912, %max3A_1922 : vector<512x1536xf32>
    %add3A_1924 = vector.broadcast %mul3A_1751 : vector<512x1xf32> to vector<512x1536xf32>
    %add3A_1925 = vector.broadcast %mul3A_1902 : vector<1x1536xf32> to vector<512x1536xf32>
    %add3A_1926 = arith.addf %add3A_1924, %add3A_1925 : vector<512x1536xf32>
    %sub3A_1927 = arith.subf %add3A_1926, %mul3A_1923 : vector<512x1536xf32>
    %add3A_1928 = arith.constant 9.99999997E-7 : f32
    %add3A_1929 = vector.broadcast %add3A_1928 : f32 to vector<512x1536xf32>
    %add3A_1930 = arith.addf %sub3A_1927, %add3A_1929 : vector<512x1536xf32>
    %mul3A_1931 = arith.constant 3.000000e-01 : f32
    %mul3A_1932 = vector.broadcast %mul3A_1931 : f32 to vector<512x1536xf32>
    %mul3A_1933 = arith.mulf %mul3A_1932, %add3A_1930 : vector<512x1536xf32>
    %gt3A_1934 = arith.cmpf ogt, %mul3A_1923, %mul3A_1933 : vector<512x1536xf32>
    %jit3A_1935 = arith.constant 1.000000e+00 : f32
    %jit3A_1936 = arith.constant 0.000000e+00 : f32
    %broadcast_in_dim3A_1937 = vector.broadcast %jit3A_1935 : f32 to vector<512x1536xf32>
    %broadcast_in_dim3A_1938 = vector.broadcast %jit3A_1936 : f32 to vector<512x1536xf32>
    %select_n3A_1939 = arith.select %gt3A_1934, %broadcast_in_dim3A_1937, %broadcast_in_dim3A_1938 : vector<512x1536xi1>, vector<512x1536xf32>
    %dot_general3A_1940 = arith.constant dense<0.000000e+00> : vector<1x1536xf32>
    %dot_general3A_1941 = tpu.matmul %while3A_1867#0, %select_n3A_1939, %dot_general3A_1940 {dimension_numbers = #tpu.dot_dimension_numbers<[1], [0], [0], [1], [0, 0, 1, 1], [], []>, transpose_lhs_hint = false} : vector<1x512xf32>, vector<512x1536xf32>, vector<1x1536xf32> -> vector<1x1536xf32>
    %get3A_1942 = arith.constant 0 : index
    %get3A_1943 = arith.constant 3584 : index
    %get3A_1944 = vector.load %arg3[%get3A_1942, %get3A_1943] : memref<1x5120xf32, #tpu.memory_space<vmem>>, vector<1x1536xf32>
    %lt3A_1945 = arith.constant 5.000000e-01 : f32
    %lt3A_1946 = vector.broadcast %lt3A_1945 : f32 to vector<1x1536xf32>
    %lt3A_1947 = arith.cmpf olt, %dot_general3A_1941, %lt3A_1946 : vector<1x1536xf32>
    %jit3A_1948 = arith.constant 1.000000e+00 : f32
    %jit3A_1949 = arith.constant 0.000000e+00 : f32
    %broadcast_in_dim3A_1950 = vector.broadcast %jit3A_1948 : f32 to vector<1x1536xf32>
    %broadcast_in_dim3A_1951 = vector.broadcast %jit3A_1949 : f32 to vector<1x1536xf32>
    %select_n3A_1952 = arith.select %lt3A_1947, %broadcast_in_dim3A_1950, %broadcast_in_dim3A_1951 : vector<1x1536xi1>, vector<1x1536xf32>
    %mul3A_1953 = arith.mulf %get3A_1944, %select_n3A_1952 : vector<1x1536xf32>
    %swap3A_1954 = arith.constant 0 : index
    %swap3A_1955 = arith.constant 3584 : index
    %swap3A_1956 = vector.load %arg3[%swap3A_1954, %swap3A_1955] : memref<1x5120xf32, #tpu.memory_space<vmem>>, vector<1x1536xf32>
    tpu.vector_store %arg3[%swap3A_1954, %swap3A_1955], %mul3A_1953 {strides = array<i32>} : memref<1x5120xf32, #tpu.memory_space<vmem>>, vector<1x1536xf32>,
    %get3A_1957 = arith.constant 3584 : index
    %get3A_1958 = arith.constant 0 : index
    %get3A_1959 = vector.load %arg0[%get3A_1957, %get3A_1958] : memref<5120x8xf32, #tpu.memory_space<vmem>>, vector<512x1xf32>
    %get3A_1960 = arith.constant 3584 : index
    %get3A_1961 = arith.constant 1 : index
    %get3A_1962 = vector.load %arg0[%get3A_1960, %get3A_1961] : memref<5120x8xf32, #tpu.memory_space<vmem>>, vector<512x1xf32>
    %get3A_1963 = arith.constant 3584 : index
    %get3A_1964 = arith.constant 2 : index
    %get3A_1965 = vector.load %arg0[%get3A_1963, %get3A_1964] : memref<5120x8xf32, #tpu.memory_space<vmem>>, vector<512x1xf32>
    %get3A_1966 = arith.constant 3584 : index
    %get3A_1967 = arith.constant 3 : index
    %get3A_1968 = vector.load %arg0[%get3A_1966, %get3A_1967] : memref<5120x8xf32, #tpu.memory_space<vmem>>, vector<512x1xf32>
    %sub3A_1969 = arith.subf %get3A_1965, %get3A_1959 : vector<512x1xf32>
    %sub3A_1970 = arith.subf %get3A_1968, %get3A_1962 : vector<512x1xf32>
    %mul3A_1971 = arith.mulf %sub3A_1969, %sub3A_1970 : vector<512x1xf32>
    %get3A_1972 = arith.constant 0 : index
    %get3A_1973 = arith.constant 3584 : index
    %get3A_1974 = vector.load %arg5[%get3A_1972, %get3A_1973] : memref<8x5120xf32, #tpu.memory_space<vmem>>, vector<1x512xf32>
    %get3A_1975 = arith.constant 1 : index
    %get3A_1976 = arith.constant 3584 : index
    %get3A_1977 = vector.load %arg5[%get3A_1975, %get3A_1976] : memref<8x5120xf32, #tpu.memory_space<vmem>>, vector<1x512xf32>
    %get3A_1978 = arith.constant 2 : index
    %get3A_1979 = arith.constant 3584 : index
    %get3A_1980 = vector.load %arg5[%get3A_1978, %get3A_1979] : memref<8x5120xf32, #tpu.memory_space<vmem>>, vector<1x512xf32>
    %get3A_1981 = arith.constant 3 : index
    %get3A_1982 = arith.constant 3584 : index
    %get3A_1983 = vector.load %arg5[%get3A_1981, %get3A_1982] : memref<8x5120xf32, #tpu.memory_space<vmem>>, vector<1x512xf32>
    %sub3A_1984 = arith.subf %get3A_1980, %get3A_1974 : vector<1x512xf32>
    %sub3A_1985 = arith.subf %get3A_1983, %get3A_1977 : vector<1x512xf32>
    %mul3A_1986 = arith.mulf %sub3A_1984, %sub3A_1985 : vector<1x512xf32>
    %min3A_1987 = vector.broadcast %get3A_1965 : vector<512x1xf32> to vector<512x512xf32>
    %min3A_1988 = vector.broadcast %get3A_1980 : vector<1x512xf32> to vector<512x512xf32>
    %min3A_1989 = arith.minimumf %min3A_1987, %min3A_1988 : vector<512x512xf32>
    %max3A_1990 = vector.broadcast %get3A_1959 : vector<512x1xf32> to vector<512x512xf32>
    %max3A_1991 = vector.broadcast %get3A_1974 : vector<1x512xf32> to vector<512x512xf32>
    %max3A_1992 = arith.maximumf %max3A_1990, %max3A_1991 : vector<512x512xf32>
    %sub3A_1993 = arith.subf %min3A_1989, %max3A_1992 : vector<512x512xf32>
    %max3A_1994 = arith.constant 0.000000e+00 : f32
    %max3A_1995 = vector.broadcast %max3A_1994 : f32 to vector<512x512xf32>
    %max3A_1996 = arith.maximumf %max3A_1995, %sub3A_1993 : vector<512x512xf32>
    %min3A_1997 = vector.broadcast %get3A_1968 : vector<512x1xf32> to vector<512x512xf32>
    %min3A_1998 = vector.broadcast %get3A_1983 : vector<1x512xf32> to vector<512x512xf32>
    %min3A_1999 = arith.minimumf %min3A_1997, %min3A_1998 : vector<512x512xf32>
    %max3A_2000 = vector.broadcast %get3A_1962 : vector<512x1xf32> to vector<512x512xf32>
    %max3A_2001 = vector.broadcast %get3A_1977 : vector<1x512xf32> to vector<512x512xf32>
    %max3A_2002 = arith.maximumf %max3A_2000, %max3A_2001 : vector<512x512xf32>
    %sub3A_2003 = arith.subf %min3A_1999, %max3A_2002 : vector<512x512xf32>
    %max3A_2004 = arith.constant 0.000000e+00 : f32
    %max3A_2005 = vector.broadcast %max3A_2004 : f32 to vector<512x512xf32>
    %max3A_2006 = arith.maximumf %max3A_2005, %sub3A_2003 : vector<512x512xf32>
    %mul3A_2007 = arith.mulf %max3A_1996, %max3A_2006 : vector<512x512xf32>
    %add3A_2008 = vector.broadcast %mul3A_1971 : vector<512x1xf32> to vector<512x512xf32>
    %add3A_2009 = vector.broadcast %mul3A_1986 : vector<1x512xf32> to vector<512x512xf32>
    %add3A_2010 = arith.addf %add3A_2008, %add3A_2009 : vector<512x512xf32>
    %sub3A_2011 = arith.subf %add3A_2010, %mul3A_2007 : vector<512x512xf32>
    %add3A_2012 = arith.constant 9.99999997E-7 : f32
    %add3A_2013 = vector.broadcast %add3A_2012 : f32 to vector<512x512xf32>
    %add3A_2014 = arith.addf %sub3A_2011, %add3A_2013 : vector<512x512xf32>
    %mul3A_2015 = arith.constant 3.000000e-01 : f32
    %mul3A_2016 = vector.broadcast %mul3A_2015 : f32 to vector<512x512xf32>
    %mul3A_2017 = arith.mulf %mul3A_2016, %add3A_2014 : vector<512x512xf32>
    %gt3A_2018 = arith.cmpf ogt, %mul3A_2007, %mul3A_2017 : vector<512x512xf32>
    %and3A_2019 = arith.andi %gt3A_2018, %gt3A : vector<512x512xi1>
    %jit3A_2020 = arith.constant 1.000000e+00 : f32
    %jit3A_2021 = arith.constant 0.000000e+00 : f32
    %broadcast_in_dim3A_2022 = vector.broadcast %jit3A_2020 : f32 to vector<512x512xf32>
    %broadcast_in_dim3A_2023 = vector.broadcast %jit3A_2021 : f32 to vector<512x512xf32>
    %select_n3A_2024 = arith.select %and3A_2019, %broadcast_in_dim3A_2022, %broadcast_in_dim3A_2023 : vector<512x512xi1>, vector<512x512xf32>
    %swap3A_2025 = arith.constant 0 : index
    %swap3A_2026 = arith.constant 0 : index
    %swap3A_2027 = vector.load %arg4[%swap3A_2025, %swap3A_2026] : memref<512x512xf32, #tpu.memory_space<vmem>>, vector<512x512xf32>
    tpu.vector_store %arg4[%swap3A_2025, %swap3A_2026], %select_n3A_2024 {strides = array<i32>} : memref<512x512xf32, #tpu.memory_space<vmem>>, vector<512x512xf32>,
    %get3A_2028 = arith.constant 0 : index
    %get3A_2029 = arith.constant 3584 : index
    %get3A_2030 = vector.load %arg3[%get3A_2028, %get3A_2029] : memref<1x5120xf32, #tpu.memory_space<vmem>>, vector<1x512xf32>
    %get3A_2031 = arith.constant 0 : index
    %get3A_2032 = arith.constant 0 : index
    %get3A_2033 = vector.load %arg4[%get3A_2031, %get3A_2032] : memref<512x512xf32, #tpu.memory_space<vmem>>, vector<512x512xf32>
    %dot_general3A_2034 = arith.constant dense<0.000000e+00> : vector<1x512xf32>
    %dot_general3A_2035 = tpu.matmul %get3A_2030, %get3A_2033, %dot_general3A_2034 {dimension_numbers = #tpu.dot_dimension_numbers<[1], [0], [0], [1], [0, 0, 1, 1], [], []>, transpose_lhs_hint = false} : vector<1x512xf32>, vector<512x512xf32>, vector<1x512xf32> -> vector<1x512xf32>
    %lt3A_2036 = arith.constant 5.000000e-01 : f32
    %lt3A_2037 = vector.broadcast %lt3A_2036 : f32 to vector<1x512xf32>
    %lt3A_2038 = arith.cmpf olt, %dot_general3A_2035, %lt3A_2037 : vector<1x512xf32>
    %jit3A_2039 = arith.constant 1.000000e+00 : f32
    %jit3A_2040 = arith.constant 0.000000e+00 : f32
    %broadcast_in_dim3A_2041 = vector.broadcast %jit3A_2039 : f32 to vector<1x512xf32>
    %broadcast_in_dim3A_2042 = vector.broadcast %jit3A_2040 : f32 to vector<1x512xf32>
    %select_n3A_2043 = arith.select %lt3A_2038, %broadcast_in_dim3A_2041, %broadcast_in_dim3A_2042 : vector<1x512xi1>, vector<1x512xf32>
    %mul3A_2044 = arith.mulf %get3A_2030, %select_n3A_2043 : vector<1x512xf32>
    %get3A_2045 = arith.constant 0 : index
    %get3A_2046 = arith.constant 0 : index
    %get3A_2047 = vector.load %arg4[%get3A_2045, %get3A_2046] : memref<512x512xf32, #tpu.memory_space<vmem>>, vector<512x512xf32>
    %dot_general3A_2048 = arith.constant dense<0.000000e+00> : vector<1x512xf32>
    %dot_general3A_2049 = tpu.matmul %mul3A_2044, %get3A_2047, %dot_general3A_2048 {dimension_numbers = #tpu.dot_dimension_numbers<[1], [0], [0], [1], [0, 0, 1, 1], [], []>, transpose_lhs_hint = false} : vector<1x512xf32>, vector<512x512xf32>, vector<1x512xf32> -> vector<1x512xf32>
    %lt3A_2050 = arith.constant 5.000000e-01 : f32
    %lt3A_2051 = vector.broadcast %lt3A_2050 : f32 to vector<1x512xf32>
    %lt3A_2052 = arith.cmpf olt, %dot_general3A_2049, %lt3A_2051 : vector<1x512xf32>
    %jit3A_2053 = arith.constant 1.000000e+00 : f32
    %jit3A_2054 = arith.constant 0.000000e+00 : f32
    %broadcast_in_dim3A_2055 = vector.broadcast %jit3A_2053 : f32 to vector<1x512xf32>
    %broadcast_in_dim3A_2056 = vector.broadcast %jit3A_2054 : f32 to vector<1x512xf32>
    %select_n3A_2057 = arith.select %lt3A_2052, %broadcast_in_dim3A_2055, %broadcast_in_dim3A_2056 : vector<1x512xi1>, vector<1x512xf32>
    %mul3A_2058 = arith.mulf %get3A_2030, %select_n3A_2057 : vector<1x512xf32>
    %get3A_2059 = arith.constant 0 : index
    %get3A_2060 = arith.constant 0 : index
    %get3A_2061 = vector.load %arg4[%get3A_2059, %get3A_2060] : memref<512x512xf32, #tpu.memory_space<vmem>>, vector<512x512xf32>
    %dot_general3A_2062 = arith.constant dense<0.000000e+00> : vector<1x512xf32>
    %dot_general3A_2063 = tpu.matmul %mul3A_2058, %get3A_2061, %dot_general3A_2062 {dimension_numbers = #tpu.dot_dimension_numbers<[1], [0], [0], [1], [0, 0, 1, 1], [], []>, transpose_lhs_hint = false} : vector<1x512xf32>, vector<512x512xf32>, vector<1x512xf32> -> vector<1x512xf32>
    %lt3A_2064 = arith.constant 5.000000e-01 : f32
    %lt3A_2065 = vector.broadcast %lt3A_2064 : f32 to vector<1x512xf32>
    %lt3A_2066 = arith.cmpf olt, %dot_general3A_2063, %lt3A_2065 : vector<1x512xf32>
    %jit3A_2067 = arith.constant 1.000000e+00 : f32
    %jit3A_2068 = arith.constant 0.000000e+00 : f32
    %broadcast_in_dim3A_2069 = vector.broadcast %jit3A_2067 : f32 to vector<1x512xf32>
    %broadcast_in_dim3A_2070 = vector.broadcast %jit3A_2068 : f32 to vector<1x512xf32>
    %select_n3A_2071 = arith.select %lt3A_2066, %broadcast_in_dim3A_2069, %broadcast_in_dim3A_2070 : vector<1x512xi1>, vector<1x512xf32>
    %mul3A_2072 = arith.mulf %get3A_2030, %select_n3A_2071 : vector<1x512xf32>
    %get3A_2073 = arith.constant 0 : index
    %get3A_2074 = arith.constant 0 : index
    %get3A_2075 = vector.load %arg4[%get3A_2073, %get3A_2074] : memref<512x512xf32, #tpu.memory_space<vmem>>, vector<512x512xf32>
    %dot_general3A_2076 = arith.constant dense<0.000000e+00> : vector<1x512xf32>
    %dot_general3A_2077 = tpu.matmul %mul3A_2072, %get3A_2075, %dot_general3A_2076 {dimension_numbers = #tpu.dot_dimension_numbers<[1], [0], [0], [1], [0, 0, 1, 1], [], []>, transpose_lhs_hint = false} : vector<1x512xf32>, vector<512x512xf32>, vector<1x512xf32> -> vector<1x512xf32>
    %lt3A_2078 = arith.constant 5.000000e-01 : f32
    %lt3A_2079 = vector.broadcast %lt3A_2078 : f32 to vector<1x512xf32>
    %lt3A_2080 = arith.cmpf olt, %dot_general3A_2077, %lt3A_2079 : vector<1x512xf32>
    %jit3A_2081 = arith.constant 1.000000e+00 : f32
    %jit3A_2082 = arith.constant 0.000000e+00 : f32
    %broadcast_in_dim3A_2083 = vector.broadcast %jit3A_2081 : f32 to vector<1x512xf32>
    %broadcast_in_dim3A_2084 = vector.broadcast %jit3A_2082 : f32 to vector<1x512xf32>
    %select_n3A_2085 = arith.select %lt3A_2080, %broadcast_in_dim3A_2083, %broadcast_in_dim3A_2084 : vector<1x512xi1>, vector<1x512xf32>
    %mul3A_2086 = arith.mulf %get3A_2030, %select_n3A_2085 : vector<1x512xf32>
    %while3A_2087:2 = scf.while (%while3A_2549 = %mul3A_2086, %while3A_2550 = %mul3A_2072) : (vector<1x512xf32>, vector<1x512xf32>) -> (vector<1x512xf32>, vector<1x512xf32>) {
      %ne3A = arith.cmpf one, %while3A_2549, %while3A_2550 : vector<1x512xf32>
      %reduce_or3A = arith.constant 1.000000e+00 : f32
      %reduce_or3A_2551 = arith.constant 0.000000e+00 : f32
      %reduce_or3A_2552 = vector.broadcast %reduce_or3A : f32 to vector<1x512xf32>
      %reduce_or3A_2553 = vector.broadcast %reduce_or3A_2551 : f32 to vector<1x512xf32>
      %reduce_or3A_2554 = arith.select %ne3A, %reduce_or3A_2552, %reduce_or3A_2553 : vector<1x512xi1>, vector<1x512xf32>
      %reduce_or3A_2555 = vector.shape_cast %reduce_or3A_2554 : vector<1x512xf32> to vector<1x1x512xf32>
      %reduce_or3A_2556 = arith.constant dense<0xFF800000> : vector<1xf32>
      %reduce_or3A_2557 = vector.multi_reduction <maximumf>, %reduce_or3A_2555, %reduce_or3A_2556 [1, 2] : vector<1x1x512xf32> to vector<1xf32>
      %reduce_or3A_2558 = vector.shape_cast %reduce_or3A_2557 : vector<1xf32> to vector<1x1x1xf32>
      %reduce_or3A_2559 = vector.extract %reduce_or3A_2558[0, 0, 0] : f32 from vector<1x1x1xf32>
      %reduce_or3A_2560 = arith.constant 0.000000e+00 : f32
      %reduce_or3A_2561 = arith.cmpf ogt, %reduce_or3A_2559, %reduce_or3A_2560 : f32
      scf.condition(%reduce_or3A_2561) %while3A_2549, %while3A_2550 : vector<1x512xf32>, vector<1x512xf32>
    } do {
    ^bb0(%while3A_2549: vector<1x512xf32>, %while3A_2550: vector<1x512xf32>):
      %get3A_2551 = arith.constant 0 : index
      %get3A_2552 = arith.constant 0 : index
      %get3A_2553 = vector.load %arg4[%get3A_2551, %get3A_2552] : memref<512x512xf32, #tpu.memory_space<vmem>>, vector<512x512xf32>
      %dot_general3A_2554 = arith.constant dense<0.000000e+00> : vector<1x512xf32>
      %dot_general3A_2555 = tpu.matmul %while3A_2549, %get3A_2553, %dot_general3A_2554 {dimension_numbers = #tpu.dot_dimension_numbers<[1], [0], [0], [1], [0, 0, 1, 1], [], []>, transpose_lhs_hint = false} : vector<1x512xf32>, vector<512x512xf32>, vector<1x512xf32> -> vector<1x512xf32>
      %lt3A_2556 = arith.constant 5.000000e-01 : f32
      %lt3A_2557 = vector.broadcast %lt3A_2556 : f32 to vector<1x512xf32>
      %lt3A_2558 = arith.cmpf olt, %dot_general3A_2555, %lt3A_2557 : vector<1x512xf32>
      %jit3A_2559 = arith.constant 1.000000e+00 : f32
      %jit3A_2560 = arith.constant 0.000000e+00 : f32
      %broadcast_in_dim3A_2561 = vector.broadcast %jit3A_2559 : f32 to vector<1x512xf32>
      %broadcast_in_dim3A_2562 = vector.broadcast %jit3A_2560 : f32 to vector<1x512xf32>
      %select_n3A_2563 = arith.select %lt3A_2558, %broadcast_in_dim3A_2561, %broadcast_in_dim3A_2562 : vector<1x512xi1>, vector<1x512xf32>
      %mul3A_2564 = arith.mulf %get3A_2030, %select_n3A_2563 : vector<1x512xf32>
      scf.yield %mul3A_2564, %while3A_2549 : vector<1x512xf32>, vector<1x512xf32>
    }
    %swap3A_2088 = arith.constant 0 : index
    %swap3A_2089 = arith.constant 3584 : index
    %swap3A_2090 = vector.load %arg3[%swap3A_2088, %swap3A_2089] : memref<1x5120xf32, #tpu.memory_space<vmem>>, vector<1x512xf32>
    tpu.vector_store %arg3[%swap3A_2088, %swap3A_2089], %while3A_2087#0 {strides = array<i32>} : memref<1x5120xf32, #tpu.memory_space<vmem>>, vector<1x512xf32>,
    %dot_general3A_2091 = arith.constant dense<0.000000e+00> : vector<512x1xf32>
    %dot_general3A_2092 = tpu.matmul %select_n3A, %while3A_2087#0, %dot_general3A_2091 {dimension_numbers = #tpu.dot_dimension_numbers<[1], [1], [0], [0], [0, 0, 1, 0], [], []>, transpose_lhs_hint = false} : vector<512x512xf32>, vector<1x512xf32>, vector<512x1xf32> -> vector<512x1xf32>
    %get3A_2093 = arith.constant 3584 : index
    %get3A_2094 = arith.constant 0 : index
    %get3A_2095 = vector.load %arg0[%get3A_2093, %get3A_2094] : memref<5120x8xf32, #tpu.memory_space<vmem>>, vector<512x4xf32>
    %mul3A_2096 = vector.broadcast %dot_general3A_2092 : vector<512x1xf32> to vector<512x4xf32>
    %mul3A_2097 = arith.mulf %get3A_2095, %mul3A_2096 : vector<512x4xf32>
    %swap3A_2098 = arith.constant 3584 : index
    %swap3A_2099 = arith.constant 0 : index
    %swap3A_2100 = vector.load %arg2[%swap3A_2098, %swap3A_2099] : memref<5000x5xf32, #tpu.memory_space<vmem>>, vector<512x4xf32>
    tpu.vector_store %arg2[%swap3A_2098, %swap3A_2099], %mul3A_2097 {strides = array<i32>} : memref<5000x5xf32, #tpu.memory_space<vmem>>, vector<512x4xf32>,
    %get3A_2101 = arith.constant 3584 : index
    %get3A_2102 = arith.constant 4 : index
    %get3A_2103 = vector.load %arg0[%get3A_2101, %get3A_2102] : memref<5120x8xf32, #tpu.memory_space<vmem>>, vector<512x1xf32>
    %mul3A_2104 = arith.mulf %get3A_2103, %dot_general3A_2092 : vector<512x1xf32>
    %swap3A_2105 = arith.constant 3584 : index
    %swap3A_2106 = arith.constant 4 : index
    %swap3A_2107 = vector.load %arg2[%swap3A_2105, %swap3A_2106] : memref<5000x5xf32, #tpu.memory_space<vmem>>, vector<512x1xf32>
    tpu.vector_store %arg2[%swap3A_2105, %swap3A_2106], %mul3A_2104 {strides = array<i32>} : memref<5000x5xf32, #tpu.memory_space<vmem>>, vector<512x1xf32>,
    %get3A_2108 = arith.constant 0 : index
    %get3A_2109 = arith.constant 4096 : index
    %get3A_2110 = vector.load %arg5[%get3A_2108, %get3A_2109] : memref<8x5120xf32, #tpu.memory_space<vmem>>, vector<1x1024xf32>
    %get3A_2111 = arith.constant 1 : index
    %get3A_2112 = arith.constant 4096 : index
    %get3A_2113 = vector.load %arg5[%get3A_2111, %get3A_2112] : memref<8x5120xf32, #tpu.memory_space<vmem>>, vector<1x1024xf32>
    %get3A_2114 = arith.constant 2 : index
    %get3A_2115 = arith.constant 4096 : index
    %get3A_2116 = vector.load %arg5[%get3A_2114, %get3A_2115] : memref<8x5120xf32, #tpu.memory_space<vmem>>, vector<1x1024xf32>
    %get3A_2117 = arith.constant 3 : index
    %get3A_2118 = arith.constant 4096 : index
    %get3A_2119 = vector.load %arg5[%get3A_2117, %get3A_2118] : memref<8x5120xf32, #tpu.memory_space<vmem>>, vector<1x1024xf32>
    %sub3A_2120 = arith.subf %get3A_2116, %get3A_2110 : vector<1x1024xf32>
    %sub3A_2121 = arith.subf %get3A_2119, %get3A_2113 : vector<1x1024xf32>
    %mul3A_2122 = arith.mulf %sub3A_2120, %sub3A_2121 : vector<1x1024xf32>
    %min3A_2123 = vector.broadcast %get3A_1965 : vector<512x1xf32> to vector<512x1024xf32>
    %min3A_2124 = vector.broadcast %get3A_2116 : vector<1x1024xf32> to vector<512x1024xf32>
    %min3A_2125 = arith.minimumf %min3A_2123, %min3A_2124 : vector<512x1024xf32>
    %max3A_2126 = vector.broadcast %get3A_1959 : vector<512x1xf32> to vector<512x1024xf32>
    %max3A_2127 = vector.broadcast %get3A_2110 : vector<1x1024xf32> to vector<512x1024xf32>
    %max3A_2128 = arith.maximumf %max3A_2126, %max3A_2127 : vector<512x1024xf32>
    %sub3A_2129 = arith.subf %min3A_2125, %max3A_2128 : vector<512x1024xf32>
    %max3A_2130 = arith.constant 0.000000e+00 : f32
    %max3A_2131 = vector.broadcast %max3A_2130 : f32 to vector<512x1024xf32>
    %max3A_2132 = arith.maximumf %max3A_2131, %sub3A_2129 : vector<512x1024xf32>
    %min3A_2133 = vector.broadcast %get3A_1968 : vector<512x1xf32> to vector<512x1024xf32>
    %min3A_2134 = vector.broadcast %get3A_2119 : vector<1x1024xf32> to vector<512x1024xf32>
    %min3A_2135 = arith.minimumf %min3A_2133, %min3A_2134 : vector<512x1024xf32>
    %max3A_2136 = vector.broadcast %get3A_1962 : vector<512x1xf32> to vector<512x1024xf32>
    %max3A_2137 = vector.broadcast %get3A_2113 : vector<1x1024xf32> to vector<512x1024xf32>
    %max3A_2138 = arith.maximumf %max3A_2136, %max3A_2137 : vector<512x1024xf32>
    %sub3A_2139 = arith.subf %min3A_2135, %max3A_2138 : vector<512x1024xf32>
    %max3A_2140 = arith.constant 0.000000e+00 : f32
    %max3A_2141 = vector.broadcast %max3A_2140 : f32 to vector<512x1024xf32>
    %max3A_2142 = arith.maximumf %max3A_2141, %sub3A_2139 : vector<512x1024xf32>
    %mul3A_2143 = arith.mulf %max3A_2132, %max3A_2142 : vector<512x1024xf32>
    %add3A_2144 = vector.broadcast %mul3A_1971 : vector<512x1xf32> to vector<512x1024xf32>
    %add3A_2145 = vector.broadcast %mul3A_2122 : vector<1x1024xf32> to vector<512x1024xf32>
    %add3A_2146 = arith.addf %add3A_2144, %add3A_2145 : vector<512x1024xf32>
    %sub3A_2147 = arith.subf %add3A_2146, %mul3A_2143 : vector<512x1024xf32>
    %add3A_2148 = arith.constant 9.99999997E-7 : f32
    %add3A_2149 = vector.broadcast %add3A_2148 : f32 to vector<512x1024xf32>
    %add3A_2150 = arith.addf %sub3A_2147, %add3A_2149 : vector<512x1024xf32>
    %mul3A_2151 = arith.constant 3.000000e-01 : f32
    %mul3A_2152 = vector.broadcast %mul3A_2151 : f32 to vector<512x1024xf32>
    %mul3A_2153 = arith.mulf %mul3A_2152, %add3A_2150 : vector<512x1024xf32>
    %gt3A_2154 = arith.cmpf ogt, %mul3A_2143, %mul3A_2153 : vector<512x1024xf32>
    %jit3A_2155 = arith.constant 1.000000e+00 : f32
    %jit3A_2156 = arith.constant 0.000000e+00 : f32
    %broadcast_in_dim3A_2157 = vector.broadcast %jit3A_2155 : f32 to vector<512x1024xf32>
    %broadcast_in_dim3A_2158 = vector.broadcast %jit3A_2156 : f32 to vector<512x1024xf32>
    %select_n3A_2159 = arith.select %gt3A_2154, %broadcast_in_dim3A_2157, %broadcast_in_dim3A_2158 : vector<512x1024xi1>, vector<512x1024xf32>
    %dot_general3A_2160 = arith.constant dense<0.000000e+00> : vector<1x1024xf32>
    %dot_general3A_2161 = tpu.matmul %while3A_2087#0, %select_n3A_2159, %dot_general3A_2160 {dimension_numbers = #tpu.dot_dimension_numbers<[1], [0], [0], [1], [0, 0, 1, 1], [], []>, transpose_lhs_hint = false} : vector<1x512xf32>, vector<512x1024xf32>, vector<1x1024xf32> -> vector<1x1024xf32>
    %get3A_2162 = arith.constant 0 : index
    %get3A_2163 = arith.constant 4096 : index
    %get3A_2164 = vector.load %arg3[%get3A_2162, %get3A_2163] : memref<1x5120xf32, #tpu.memory_space<vmem>>, vector<1x1024xf32>
    %lt3A_2165 = arith.constant 5.000000e-01 : f32
    %lt3A_2166 = vector.broadcast %lt3A_2165 : f32 to vector<1x1024xf32>
    %lt3A_2167 = arith.cmpf olt, %dot_general3A_2161, %lt3A_2166 : vector<1x1024xf32>
    %jit3A_2168 = arith.constant 1.000000e+00 : f32
    %jit3A_2169 = arith.constant 0.000000e+00 : f32
    %broadcast_in_dim3A_2170 = vector.broadcast %jit3A_2168 : f32 to vector<1x1024xf32>
    %broadcast_in_dim3A_2171 = vector.broadcast %jit3A_2169 : f32 to vector<1x1024xf32>
    %select_n3A_2172 = arith.select %lt3A_2167, %broadcast_in_dim3A_2170, %broadcast_in_dim3A_2171 : vector<1x1024xi1>, vector<1x1024xf32>
    %mul3A_2173 = arith.mulf %get3A_2164, %select_n3A_2172 : vector<1x1024xf32>
    %swap3A_2174 = arith.constant 0 : index
    %swap3A_2175 = arith.constant 4096 : index
    %swap3A_2176 = vector.load %arg3[%swap3A_2174, %swap3A_2175] : memref<1x5120xf32, #tpu.memory_space<vmem>>, vector<1x1024xf32>
    tpu.vector_store %arg3[%swap3A_2174, %swap3A_2175], %mul3A_2173 {strides = array<i32>} : memref<1x5120xf32, #tpu.memory_space<vmem>>, vector<1x1024xf32>,
    %get3A_2177 = arith.constant 4096 : index
    %get3A_2178 = arith.constant 0 : index
    %get3A_2179 = vector.load %arg0[%get3A_2177, %get3A_2178] : memref<5120x8xf32, #tpu.memory_space<vmem>>, vector<512x1xf32>
    %get3A_2180 = arith.constant 4096 : index
    %get3A_2181 = arith.constant 1 : index
    %get3A_2182 = vector.load %arg0[%get3A_2180, %get3A_2181] : memref<5120x8xf32, #tpu.memory_space<vmem>>, vector<512x1xf32>
    %get3A_2183 = arith.constant 4096 : index
    %get3A_2184 = arith.constant 2 : index
    %get3A_2185 = vector.load %arg0[%get3A_2183, %get3A_2184] : memref<5120x8xf32, #tpu.memory_space<vmem>>, vector<512x1xf32>
    %get3A_2186 = arith.constant 4096 : index
    %get3A_2187 = arith.constant 3 : index
    %get3A_2188 = vector.load %arg0[%get3A_2186, %get3A_2187] : memref<5120x8xf32, #tpu.memory_space<vmem>>, vector<512x1xf32>
    %sub3A_2189 = arith.subf %get3A_2185, %get3A_2179 : vector<512x1xf32>
    %sub3A_2190 = arith.subf %get3A_2188, %get3A_2182 : vector<512x1xf32>
    %mul3A_2191 = arith.mulf %sub3A_2189, %sub3A_2190 : vector<512x1xf32>
    %get3A_2192 = arith.constant 0 : index
    %get3A_2193 = arith.constant 4096 : index
    %get3A_2194 = vector.load %arg5[%get3A_2192, %get3A_2193] : memref<8x5120xf32, #tpu.memory_space<vmem>>, vector<1x512xf32>
    %get3A_2195 = arith.constant 1 : index
    %get3A_2196 = arith.constant 4096 : index
    %get3A_2197 = vector.load %arg5[%get3A_2195, %get3A_2196] : memref<8x5120xf32, #tpu.memory_space<vmem>>, vector<1x512xf32>
    %get3A_2198 = arith.constant 2 : index
    %get3A_2199 = arith.constant 4096 : index
    %get3A_2200 = vector.load %arg5[%get3A_2198, %get3A_2199] : memref<8x5120xf32, #tpu.memory_space<vmem>>, vector<1x512xf32>
    %get3A_2201 = arith.constant 3 : index
    %get3A_2202 = arith.constant 4096 : index
    %get3A_2203 = vector.load %arg5[%get3A_2201, %get3A_2202] : memref<8x5120xf32, #tpu.memory_space<vmem>>, vector<1x512xf32>
    %sub3A_2204 = arith.subf %get3A_2200, %get3A_2194 : vector<1x512xf32>
    %sub3A_2205 = arith.subf %get3A_2203, %get3A_2197 : vector<1x512xf32>
    %mul3A_2206 = arith.mulf %sub3A_2204, %sub3A_2205 : vector<1x512xf32>
    %min3A_2207 = vector.broadcast %get3A_2185 : vector<512x1xf32> to vector<512x512xf32>
    %min3A_2208 = vector.broadcast %get3A_2200 : vector<1x512xf32> to vector<512x512xf32>
    %min3A_2209 = arith.minimumf %min3A_2207, %min3A_2208 : vector<512x512xf32>
    %max3A_2210 = vector.broadcast %get3A_2179 : vector<512x1xf32> to vector<512x512xf32>
    %max3A_2211 = vector.broadcast %get3A_2194 : vector<1x512xf32> to vector<512x512xf32>
    %max3A_2212 = arith.maximumf %max3A_2210, %max3A_2211 : vector<512x512xf32>
    %sub3A_2213 = arith.subf %min3A_2209, %max3A_2212 : vector<512x512xf32>
    %max3A_2214 = arith.constant 0.000000e+00 : f32
    %max3A_2215 = vector.broadcast %max3A_2214 : f32 to vector<512x512xf32>
    %max3A_2216 = arith.maximumf %max3A_2215, %sub3A_2213 : vector<512x512xf32>
    %min3A_2217 = vector.broadcast %get3A_2188 : vector<512x1xf32> to vector<512x512xf32>
    %min3A_2218 = vector.broadcast %get3A_2203 : vector<1x512xf32> to vector<512x512xf32>
    %min3A_2219 = arith.minimumf %min3A_2217, %min3A_2218 : vector<512x512xf32>
    %max3A_2220 = vector.broadcast %get3A_2182 : vector<512x1xf32> to vector<512x512xf32>
    %max3A_2221 = vector.broadcast %get3A_2197 : vector<1x512xf32> to vector<512x512xf32>
    %max3A_2222 = arith.maximumf %max3A_2220, %max3A_2221 : vector<512x512xf32>
    %sub3A_2223 = arith.subf %min3A_2219, %max3A_2222 : vector<512x512xf32>
    %max3A_2224 = arith.constant 0.000000e+00 : f32
    %max3A_2225 = vector.broadcast %max3A_2224 : f32 to vector<512x512xf32>
    %max3A_2226 = arith.maximumf %max3A_2225, %sub3A_2223 : vector<512x512xf32>
    %mul3A_2227 = arith.mulf %max3A_2216, %max3A_2226 : vector<512x512xf32>
    %add3A_2228 = vector.broadcast %mul3A_2191 : vector<512x1xf32> to vector<512x512xf32>
    %add3A_2229 = vector.broadcast %mul3A_2206 : vector<1x512xf32> to vector<512x512xf32>
    %add3A_2230 = arith.addf %add3A_2228, %add3A_2229 : vector<512x512xf32>
    %sub3A_2231 = arith.subf %add3A_2230, %mul3A_2227 : vector<512x512xf32>
    %add3A_2232 = arith.constant 9.99999997E-7 : f32
    %add3A_2233 = vector.broadcast %add3A_2232 : f32 to vector<512x512xf32>
    %add3A_2234 = arith.addf %sub3A_2231, %add3A_2233 : vector<512x512xf32>
    %mul3A_2235 = arith.constant 3.000000e-01 : f32
    %mul3A_2236 = vector.broadcast %mul3A_2235 : f32 to vector<512x512xf32>
    %mul3A_2237 = arith.mulf %mul3A_2236, %add3A_2234 : vector<512x512xf32>
    %gt3A_2238 = arith.cmpf ogt, %mul3A_2227, %mul3A_2237 : vector<512x512xf32>
    %and3A_2239 = arith.andi %gt3A_2238, %gt3A : vector<512x512xi1>
    %jit3A_2240 = arith.constant 1.000000e+00 : f32
    %jit3A_2241 = arith.constant 0.000000e+00 : f32
    %broadcast_in_dim3A_2242 = vector.broadcast %jit3A_2240 : f32 to vector<512x512xf32>
    %broadcast_in_dim3A_2243 = vector.broadcast %jit3A_2241 : f32 to vector<512x512xf32>
    %select_n3A_2244 = arith.select %and3A_2239, %broadcast_in_dim3A_2242, %broadcast_in_dim3A_2243 : vector<512x512xi1>, vector<512x512xf32>
    %swap3A_2245 = arith.constant 0 : index
    %swap3A_2246 = arith.constant 0 : index
    %swap3A_2247 = vector.load %arg4[%swap3A_2245, %swap3A_2246] : memref<512x512xf32, #tpu.memory_space<vmem>>, vector<512x512xf32>
    tpu.vector_store %arg4[%swap3A_2245, %swap3A_2246], %select_n3A_2244 {strides = array<i32>} : memref<512x512xf32, #tpu.memory_space<vmem>>, vector<512x512xf32>,
    %get3A_2248 = arith.constant 0 : index
    %get3A_2249 = arith.constant 4096 : index
    %get3A_2250 = vector.load %arg3[%get3A_2248, %get3A_2249] : memref<1x5120xf32, #tpu.memory_space<vmem>>, vector<1x512xf32>
    %get3A_2251 = arith.constant 0 : index
    %get3A_2252 = arith.constant 0 : index
    %get3A_2253 = vector.load %arg4[%get3A_2251, %get3A_2252] : memref<512x512xf32, #tpu.memory_space<vmem>>, vector<512x512xf32>
    %dot_general3A_2254 = arith.constant dense<0.000000e+00> : vector<1x512xf32>
    %dot_general3A_2255 = tpu.matmul %get3A_2250, %get3A_2253, %dot_general3A_2254 {dimension_numbers = #tpu.dot_dimension_numbers<[1], [0], [0], [1], [0, 0, 1, 1], [], []>, transpose_lhs_hint = false} : vector<1x512xf32>, vector<512x512xf32>, vector<1x512xf32> -> vector<1x512xf32>
    %lt3A_2256 = arith.constant 5.000000e-01 : f32
    %lt3A_2257 = vector.broadcast %lt3A_2256 : f32 to vector<1x512xf32>
    %lt3A_2258 = arith.cmpf olt, %dot_general3A_2255, %lt3A_2257 : vector<1x512xf32>
    %jit3A_2259 = arith.constant 1.000000e+00 : f32
    %jit3A_2260 = arith.constant 0.000000e+00 : f32
    %broadcast_in_dim3A_2261 = vector.broadcast %jit3A_2259 : f32 to vector<1x512xf32>
    %broadcast_in_dim3A_2262 = vector.broadcast %jit3A_2260 : f32 to vector<1x512xf32>
    %select_n3A_2263 = arith.select %lt3A_2258, %broadcast_in_dim3A_2261, %broadcast_in_dim3A_2262 : vector<1x512xi1>, vector<1x512xf32>
    %mul3A_2264 = arith.mulf %get3A_2250, %select_n3A_2263 : vector<1x512xf32>
    %get3A_2265 = arith.constant 0 : index
    %get3A_2266 = arith.constant 0 : index
    %get3A_2267 = vector.load %arg4[%get3A_2265, %get3A_2266] : memref<512x512xf32, #tpu.memory_space<vmem>>, vector<512x512xf32>
    %dot_general3A_2268 = arith.constant dense<0.000000e+00> : vector<1x512xf32>
    %dot_general3A_2269 = tpu.matmul %mul3A_2264, %get3A_2267, %dot_general3A_2268 {dimension_numbers = #tpu.dot_dimension_numbers<[1], [0], [0], [1], [0, 0, 1, 1], [], []>, transpose_lhs_hint = false} : vector<1x512xf32>, vector<512x512xf32>, vector<1x512xf32> -> vector<1x512xf32>
    %lt3A_2270 = arith.constant 5.000000e-01 : f32
    %lt3A_2271 = vector.broadcast %lt3A_2270 : f32 to vector<1x512xf32>
    %lt3A_2272 = arith.cmpf olt, %dot_general3A_2269, %lt3A_2271 : vector<1x512xf32>
    %jit3A_2273 = arith.constant 1.000000e+00 : f32
    %jit3A_2274 = arith.constant 0.000000e+00 : f32
    %broadcast_in_dim3A_2275 = vector.broadcast %jit3A_2273 : f32 to vector<1x512xf32>
    %broadcast_in_dim3A_2276 = vector.broadcast %jit3A_2274 : f32 to vector<1x512xf32>
    %select_n3A_2277 = arith.select %lt3A_2272, %broadcast_in_dim3A_2275, %broadcast_in_dim3A_2276 : vector<1x512xi1>, vector<1x512xf32>
    %mul3A_2278 = arith.mulf %get3A_2250, %select_n3A_2277 : vector<1x512xf32>
    %get3A_2279 = arith.constant 0 : index
    %get3A_2280 = arith.constant 0 : index
    %get3A_2281 = vector.load %arg4[%get3A_2279, %get3A_2280] : memref<512x512xf32, #tpu.memory_space<vmem>>, vector<512x512xf32>
    %dot_general3A_2282 = arith.constant dense<0.000000e+00> : vector<1x512xf32>
    %dot_general3A_2283 = tpu.matmul %mul3A_2278, %get3A_2281, %dot_general3A_2282 {dimension_numbers = #tpu.dot_dimension_numbers<[1], [0], [0], [1], [0, 0, 1, 1], [], []>, transpose_lhs_hint = false} : vector<1x512xf32>, vector<512x512xf32>, vector<1x512xf32> -> vector<1x512xf32>
    %lt3A_2284 = arith.constant 5.000000e-01 : f32
    %lt3A_2285 = vector.broadcast %lt3A_2284 : f32 to vector<1x512xf32>
    %lt3A_2286 = arith.cmpf olt, %dot_general3A_2283, %lt3A_2285 : vector<1x512xf32>
    %jit3A_2287 = arith.constant 1.000000e+00 : f32
    %jit3A_2288 = arith.constant 0.000000e+00 : f32
    %broadcast_in_dim3A_2289 = vector.broadcast %jit3A_2287 : f32 to vector<1x512xf32>
    %broadcast_in_dim3A_2290 = vector.broadcast %jit3A_2288 : f32 to vector<1x512xf32>
    %select_n3A_2291 = arith.select %lt3A_2286, %broadcast_in_dim3A_2289, %broadcast_in_dim3A_2290 : vector<1x512xi1>, vector<1x512xf32>
    %mul3A_2292 = arith.mulf %get3A_2250, %select_n3A_2291 : vector<1x512xf32>
    %get3A_2293 = arith.constant 0 : index
    %get3A_2294 = arith.constant 0 : index
    %get3A_2295 = vector.load %arg4[%get3A_2293, %get3A_2294] : memref<512x512xf32, #tpu.memory_space<vmem>>, vector<512x512xf32>
    %dot_general3A_2296 = arith.constant dense<0.000000e+00> : vector<1x512xf32>
    %dot_general3A_2297 = tpu.matmul %mul3A_2292, %get3A_2295, %dot_general3A_2296 {dimension_numbers = #tpu.dot_dimension_numbers<[1], [0], [0], [1], [0, 0, 1, 1], [], []>, transpose_lhs_hint = false} : vector<1x512xf32>, vector<512x512xf32>, vector<1x512xf32> -> vector<1x512xf32>
    %lt3A_2298 = arith.constant 5.000000e-01 : f32
    %lt3A_2299 = vector.broadcast %lt3A_2298 : f32 to vector<1x512xf32>
    %lt3A_2300 = arith.cmpf olt, %dot_general3A_2297, %lt3A_2299 : vector<1x512xf32>
    %jit3A_2301 = arith.constant 1.000000e+00 : f32
    %jit3A_2302 = arith.constant 0.000000e+00 : f32
    %broadcast_in_dim3A_2303 = vector.broadcast %jit3A_2301 : f32 to vector<1x512xf32>
    %broadcast_in_dim3A_2304 = vector.broadcast %jit3A_2302 : f32 to vector<1x512xf32>
    %select_n3A_2305 = arith.select %lt3A_2300, %broadcast_in_dim3A_2303, %broadcast_in_dim3A_2304 : vector<1x512xi1>, vector<1x512xf32>
    %mul3A_2306 = arith.mulf %get3A_2250, %select_n3A_2305 : vector<1x512xf32>
    %while3A_2307:2 = scf.while (%while3A_2549 = %mul3A_2306, %while3A_2550 = %mul3A_2292) : (vector<1x512xf32>, vector<1x512xf32>) -> (vector<1x512xf32>, vector<1x512xf32>) {
      %ne3A = arith.cmpf one, %while3A_2549, %while3A_2550 : vector<1x512xf32>
      %reduce_or3A = arith.constant 1.000000e+00 : f32
      %reduce_or3A_2551 = arith.constant 0.000000e+00 : f32
      %reduce_or3A_2552 = vector.broadcast %reduce_or3A : f32 to vector<1x512xf32>
      %reduce_or3A_2553 = vector.broadcast %reduce_or3A_2551 : f32 to vector<1x512xf32>
      %reduce_or3A_2554 = arith.select %ne3A, %reduce_or3A_2552, %reduce_or3A_2553 : vector<1x512xi1>, vector<1x512xf32>
      %reduce_or3A_2555 = vector.shape_cast %reduce_or3A_2554 : vector<1x512xf32> to vector<1x1x512xf32>
      %reduce_or3A_2556 = arith.constant dense<0xFF800000> : vector<1xf32>
      %reduce_or3A_2557 = vector.multi_reduction <maximumf>, %reduce_or3A_2555, %reduce_or3A_2556 [1, 2] : vector<1x1x512xf32> to vector<1xf32>
      %reduce_or3A_2558 = vector.shape_cast %reduce_or3A_2557 : vector<1xf32> to vector<1x1x1xf32>
      %reduce_or3A_2559 = vector.extract %reduce_or3A_2558[0, 0, 0] : f32 from vector<1x1x1xf32>
      %reduce_or3A_2560 = arith.constant 0.000000e+00 : f32
      %reduce_or3A_2561 = arith.cmpf ogt, %reduce_or3A_2559, %reduce_or3A_2560 : f32
      scf.condition(%reduce_or3A_2561) %while3A_2549, %while3A_2550 : vector<1x512xf32>, vector<1x512xf32>
    } do {
    ^bb0(%while3A_2549: vector<1x512xf32>, %while3A_2550: vector<1x512xf32>):
      %get3A_2551 = arith.constant 0 : index
      %get3A_2552 = arith.constant 0 : index
      %get3A_2553 = vector.load %arg4[%get3A_2551, %get3A_2552] : memref<512x512xf32, #tpu.memory_space<vmem>>, vector<512x512xf32>
      %dot_general3A_2554 = arith.constant dense<0.000000e+00> : vector<1x512xf32>
      %dot_general3A_2555 = tpu.matmul %while3A_2549, %get3A_2553, %dot_general3A_2554 {dimension_numbers = #tpu.dot_dimension_numbers<[1], [0], [0], [1], [0, 0, 1, 1], [], []>, transpose_lhs_hint = false} : vector<1x512xf32>, vector<512x512xf32>, vector<1x512xf32> -> vector<1x512xf32>
      %lt3A_2556 = arith.constant 5.000000e-01 : f32
      %lt3A_2557 = vector.broadcast %lt3A_2556 : f32 to vector<1x512xf32>
      %lt3A_2558 = arith.cmpf olt, %dot_general3A_2555, %lt3A_2557 : vector<1x512xf32>
      %jit3A_2559 = arith.constant 1.000000e+00 : f32
      %jit3A_2560 = arith.constant 0.000000e+00 : f32
      %broadcast_in_dim3A_2561 = vector.broadcast %jit3A_2559 : f32 to vector<1x512xf32>
      %broadcast_in_dim3A_2562 = vector.broadcast %jit3A_2560 : f32 to vector<1x512xf32>
      %select_n3A_2563 = arith.select %lt3A_2558, %broadcast_in_dim3A_2561, %broadcast_in_dim3A_2562 : vector<1x512xi1>, vector<1x512xf32>
      %mul3A_2564 = arith.mulf %get3A_2250, %select_n3A_2563 : vector<1x512xf32>
      scf.yield %mul3A_2564, %while3A_2549 : vector<1x512xf32>, vector<1x512xf32>
    }
    %swap3A_2308 = arith.constant 0 : index
    %swap3A_2309 = arith.constant 4096 : index
    %swap3A_2310 = vector.load %arg3[%swap3A_2308, %swap3A_2309] : memref<1x5120xf32, #tpu.memory_space<vmem>>, vector<1x512xf32>
    tpu.vector_store %arg3[%swap3A_2308, %swap3A_2309], %while3A_2307#0 {strides = array<i32>} : memref<1x5120xf32, #tpu.memory_space<vmem>>, vector<1x512xf32>,
    %dot_general3A_2311 = arith.constant dense<0.000000e+00> : vector<512x1xf32>
    %dot_general3A_2312 = tpu.matmul %select_n3A, %while3A_2307#0, %dot_general3A_2311 {dimension_numbers = #tpu.dot_dimension_numbers<[1], [1], [0], [0], [0, 0, 1, 0], [], []>, transpose_lhs_hint = false} : vector<512x512xf32>, vector<1x512xf32>, vector<512x1xf32> -> vector<512x1xf32>
    %get3A_2313 = arith.constant 4096 : index
    %get3A_2314 = arith.constant 0 : index
    %get3A_2315 = vector.load %arg0[%get3A_2313, %get3A_2314] : memref<5120x8xf32, #tpu.memory_space<vmem>>, vector<512x4xf32>
    %mul3A_2316 = vector.broadcast %dot_general3A_2312 : vector<512x1xf32> to vector<512x4xf32>
    %mul3A_2317 = arith.mulf %get3A_2315, %mul3A_2316 : vector<512x4xf32>
    %swap3A_2318 = arith.constant 4096 : index
    %swap3A_2319 = arith.constant 0 : index
    %swap3A_2320 = vector.load %arg2[%swap3A_2318, %swap3A_2319] : memref<5000x5xf32, #tpu.memory_space<vmem>>, vector<512x4xf32>
    tpu.vector_store %arg2[%swap3A_2318, %swap3A_2319], %mul3A_2317 {strides = array<i32>} : memref<5000x5xf32, #tpu.memory_space<vmem>>, vector<512x4xf32>,
    %get3A_2321 = arith.constant 4096 : index
    %get3A_2322 = arith.constant 4 : index
    %get3A_2323 = vector.load %arg0[%get3A_2321, %get3A_2322] : memref<5120x8xf32, #tpu.memory_space<vmem>>, vector<512x1xf32>
    %mul3A_2324 = arith.mulf %get3A_2323, %dot_general3A_2312 : vector<512x1xf32>
    %swap3A_2325 = arith.constant 4096 : index
    %swap3A_2326 = arith.constant 4 : index
    %swap3A_2327 = vector.load %arg2[%swap3A_2325, %swap3A_2326] : memref<5000x5xf32, #tpu.memory_space<vmem>>, vector<512x1xf32>
    tpu.vector_store %arg2[%swap3A_2325, %swap3A_2326], %mul3A_2324 {strides = array<i32>} : memref<5000x5xf32, #tpu.memory_space<vmem>>, vector<512x1xf32>,
    %get3A_2328 = arith.constant 0 : index
    %get3A_2329 = arith.constant 4608 : index
    %get3A_2330 = vector.load %arg5[%get3A_2328, %get3A_2329] : memref<8x5120xf32, #tpu.memory_space<vmem>>, vector<1x512xf32>
    %get3A_2331 = arith.constant 1 : index
    %get3A_2332 = arith.constant 4608 : index
    %get3A_2333 = vector.load %arg5[%get3A_2331, %get3A_2332] : memref<8x5120xf32, #tpu.memory_space<vmem>>, vector<1x512xf32>
    %get3A_2334 = arith.constant 2 : index
    %get3A_2335 = arith.constant 4608 : index
    %get3A_2336 = vector.load %arg5[%get3A_2334, %get3A_2335] : memref<8x5120xf32, #tpu.memory_space<vmem>>, vector<1x512xf32>
    %get3A_2337 = arith.constant 3 : index
    %get3A_2338 = arith.constant 4608 : index
    %get3A_2339 = vector.load %arg5[%get3A_2337, %get3A_2338] : memref<8x5120xf32, #tpu.memory_space<vmem>>, vector<1x512xf32>
    %sub3A_2340 = arith.subf %get3A_2336, %get3A_2330 : vector<1x512xf32>
    %sub3A_2341 = arith.subf %get3A_2339, %get3A_2333 : vector<1x512xf32>
    %mul3A_2342 = arith.mulf %sub3A_2340, %sub3A_2341 : vector<1x512xf32>
    %min3A_2343 = vector.broadcast %get3A_2185 : vector<512x1xf32> to vector<512x512xf32>
    %min3A_2344 = vector.broadcast %get3A_2336 : vector<1x512xf32> to vector<512x512xf32>
    %min3A_2345 = arith.minimumf %min3A_2343, %min3A_2344 : vector<512x512xf32>
    %max3A_2346 = vector.broadcast %get3A_2179 : vector<512x1xf32> to vector<512x512xf32>
    %max3A_2347 = vector.broadcast %get3A_2330 : vector<1x512xf32> to vector<512x512xf32>
    %max3A_2348 = arith.maximumf %max3A_2346, %max3A_2347 : vector<512x512xf32>
    %sub3A_2349 = arith.subf %min3A_2345, %max3A_2348 : vector<512x512xf32>
    %max3A_2350 = arith.constant 0.000000e+00 : f32
    %max3A_2351 = vector.broadcast %max3A_2350 : f32 to vector<512x512xf32>
    %max3A_2352 = arith.maximumf %max3A_2351, %sub3A_2349 : vector<512x512xf32>
    %min3A_2353 = vector.broadcast %get3A_2188 : vector<512x1xf32> to vector<512x512xf32>
    %min3A_2354 = vector.broadcast %get3A_2339 : vector<1x512xf32> to vector<512x512xf32>
    %min3A_2355 = arith.minimumf %min3A_2353, %min3A_2354 : vector<512x512xf32>
    %max3A_2356 = vector.broadcast %get3A_2182 : vector<512x1xf32> to vector<512x512xf32>
    %max3A_2357 = vector.broadcast %get3A_2333 : vector<1x512xf32> to vector<512x512xf32>
    %max3A_2358 = arith.maximumf %max3A_2356, %max3A_2357 : vector<512x512xf32>
    %sub3A_2359 = arith.subf %min3A_2355, %max3A_2358 : vector<512x512xf32>
    %max3A_2360 = arith.constant 0.000000e+00 : f32
    %max3A_2361 = vector.broadcast %max3A_2360 : f32 to vector<512x512xf32>
    %max3A_2362 = arith.maximumf %max3A_2361, %sub3A_2359 : vector<512x512xf32>
    %mul3A_2363 = arith.mulf %max3A_2352, %max3A_2362 : vector<512x512xf32>
    %add3A_2364 = vector.broadcast %mul3A_2191 : vector<512x1xf32> to vector<512x512xf32>
    %add3A_2365 = vector.broadcast %mul3A_2342 : vector<1x512xf32> to vector<512x512xf32>
    %add3A_2366 = arith.addf %add3A_2364, %add3A_2365 : vector<512x512xf32>
    %sub3A_2367 = arith.subf %add3A_2366, %mul3A_2363 : vector<512x512xf32>
    %add3A_2368 = arith.constant 9.99999997E-7 : f32
    %add3A_2369 = vector.broadcast %add3A_2368 : f32 to vector<512x512xf32>
    %add3A_2370 = arith.addf %sub3A_2367, %add3A_2369 : vector<512x512xf32>
    %mul3A_2371 = arith.constant 3.000000e-01 : f32
    %mul3A_2372 = vector.broadcast %mul3A_2371 : f32 to vector<512x512xf32>
    %mul3A_2373 = arith.mulf %mul3A_2372, %add3A_2370 : vector<512x512xf32>
    %gt3A_2374 = arith.cmpf ogt, %mul3A_2363, %mul3A_2373 : vector<512x512xf32>
    %jit3A_2375 = arith.constant 1.000000e+00 : f32
    %jit3A_2376 = arith.constant 0.000000e+00 : f32
    %broadcast_in_dim3A_2377 = vector.broadcast %jit3A_2375 : f32 to vector<512x512xf32>
    %broadcast_in_dim3A_2378 = vector.broadcast %jit3A_2376 : f32 to vector<512x512xf32>
    %select_n3A_2379 = arith.select %gt3A_2374, %broadcast_in_dim3A_2377, %broadcast_in_dim3A_2378 : vector<512x512xi1>, vector<512x512xf32>
    %dot_general3A_2380 = arith.constant dense<0.000000e+00> : vector<1x512xf32>
    %dot_general3A_2381 = tpu.matmul %while3A_2307#0, %select_n3A_2379, %dot_general3A_2380 {dimension_numbers = #tpu.dot_dimension_numbers<[1], [0], [0], [1], [0, 0, 1, 1], [], []>, transpose_lhs_hint = false} : vector<1x512xf32>, vector<512x512xf32>, vector<1x512xf32> -> vector<1x512xf32>
    %get3A_2382 = arith.constant 0 : index
    %get3A_2383 = arith.constant 4608 : index
    %get3A_2384 = vector.load %arg3[%get3A_2382, %get3A_2383] : memref<1x5120xf32, #tpu.memory_space<vmem>>, vector<1x512xf32>
    %lt3A_2385 = arith.constant 5.000000e-01 : f32
    %lt3A_2386 = vector.broadcast %lt3A_2385 : f32 to vector<1x512xf32>
    %lt3A_2387 = arith.cmpf olt, %dot_general3A_2381, %lt3A_2386 : vector<1x512xf32>
    %jit3A_2388 = arith.constant 1.000000e+00 : f32
    %jit3A_2389 = arith.constant 0.000000e+00 : f32
    %broadcast_in_dim3A_2390 = vector.broadcast %jit3A_2388 : f32 to vector<1x512xf32>
    %broadcast_in_dim3A_2391 = vector.broadcast %jit3A_2389 : f32 to vector<1x512xf32>
    %select_n3A_2392 = arith.select %lt3A_2387, %broadcast_in_dim3A_2390, %broadcast_in_dim3A_2391 : vector<1x512xi1>, vector<1x512xf32>
    %mul3A_2393 = arith.mulf %get3A_2384, %select_n3A_2392 : vector<1x512xf32>
    %swap3A_2394 = arith.constant 0 : index
    %swap3A_2395 = arith.constant 4608 : index
    %swap3A_2396 = vector.load %arg3[%swap3A_2394, %swap3A_2395] : memref<1x5120xf32, #tpu.memory_space<vmem>>, vector<1x512xf32>
    tpu.vector_store %arg3[%swap3A_2394, %swap3A_2395], %mul3A_2393 {strides = array<i32>} : memref<1x5120xf32, #tpu.memory_space<vmem>>, vector<1x512xf32>,
    %get3A_2397 = arith.constant 4608 : index
    %get3A_2398 = arith.constant 0 : index
    %get3A_2399 = vector.load %arg0[%get3A_2397, %get3A_2398] : memref<5120x8xf32, #tpu.memory_space<vmem>>, vector<512x1xf32>
    %get3A_2400 = arith.constant 4608 : index
    %get3A_2401 = arith.constant 1 : index
    %get3A_2402 = vector.load %arg0[%get3A_2400, %get3A_2401] : memref<5120x8xf32, #tpu.memory_space<vmem>>, vector<512x1xf32>
    %get3A_2403 = arith.constant 4608 : index
    %get3A_2404 = arith.constant 2 : index
    %get3A_2405 = vector.load %arg0[%get3A_2403, %get3A_2404] : memref<5120x8xf32, #tpu.memory_space<vmem>>, vector<512x1xf32>
    %get3A_2406 = arith.constant 4608 : index
    %get3A_2407 = arith.constant 3 : index
    %get3A_2408 = vector.load %arg0[%get3A_2406, %get3A_2407] : memref<5120x8xf32, #tpu.memory_space<vmem>>, vector<512x1xf32>
    %sub3A_2409 = arith.subf %get3A_2405, %get3A_2399 : vector<512x1xf32>
    %sub3A_2410 = arith.subf %get3A_2408, %get3A_2402 : vector<512x1xf32>
    %mul3A_2411 = arith.mulf %sub3A_2409, %sub3A_2410 : vector<512x1xf32>
    %get3A_2412 = arith.constant 0 : index
    %get3A_2413 = arith.constant 4608 : index
    %get3A_2414 = vector.load %arg5[%get3A_2412, %get3A_2413] : memref<8x5120xf32, #tpu.memory_space<vmem>>, vector<1x512xf32>
    %get3A_2415 = arith.constant 1 : index
    %get3A_2416 = arith.constant 4608 : index
    %get3A_2417 = vector.load %arg5[%get3A_2415, %get3A_2416] : memref<8x5120xf32, #tpu.memory_space<vmem>>, vector<1x512xf32>
    %get3A_2418 = arith.constant 2 : index
    %get3A_2419 = arith.constant 4608 : index
    %get3A_2420 = vector.load %arg5[%get3A_2418, %get3A_2419] : memref<8x5120xf32, #tpu.memory_space<vmem>>, vector<1x512xf32>
    %get3A_2421 = arith.constant 3 : index
    %get3A_2422 = arith.constant 4608 : index
    %get3A_2423 = vector.load %arg5[%get3A_2421, %get3A_2422] : memref<8x5120xf32, #tpu.memory_space<vmem>>, vector<1x512xf32>
    %sub3A_2424 = arith.subf %get3A_2420, %get3A_2414 : vector<1x512xf32>
    %sub3A_2425 = arith.subf %get3A_2423, %get3A_2417 : vector<1x512xf32>
    %mul3A_2426 = arith.mulf %sub3A_2424, %sub3A_2425 : vector<1x512xf32>
    %min3A_2427 = vector.broadcast %get3A_2405 : vector<512x1xf32> to vector<512x512xf32>
    %min3A_2428 = vector.broadcast %get3A_2420 : vector<1x512xf32> to vector<512x512xf32>
    %min3A_2429 = arith.minimumf %min3A_2427, %min3A_2428 : vector<512x512xf32>
    %max3A_2430 = vector.broadcast %get3A_2399 : vector<512x1xf32> to vector<512x512xf32>
    %max3A_2431 = vector.broadcast %get3A_2414 : vector<1x512xf32> to vector<512x512xf32>
    %max3A_2432 = arith.maximumf %max3A_2430, %max3A_2431 : vector<512x512xf32>
    %sub3A_2433 = arith.subf %min3A_2429, %max3A_2432 : vector<512x512xf32>
    %max3A_2434 = arith.constant 0.000000e+00 : f32
    %max3A_2435 = vector.broadcast %max3A_2434 : f32 to vector<512x512xf32>
    %max3A_2436 = arith.maximumf %max3A_2435, %sub3A_2433 : vector<512x512xf32>
    %min3A_2437 = vector.broadcast %get3A_2408 : vector<512x1xf32> to vector<512x512xf32>
    %min3A_2438 = vector.broadcast %get3A_2423 : vector<1x512xf32> to vector<512x512xf32>
    %min3A_2439 = arith.minimumf %min3A_2437, %min3A_2438 : vector<512x512xf32>
    %max3A_2440 = vector.broadcast %get3A_2402 : vector<512x1xf32> to vector<512x512xf32>
    %max3A_2441 = vector.broadcast %get3A_2417 : vector<1x512xf32> to vector<512x512xf32>
    %max3A_2442 = arith.maximumf %max3A_2440, %max3A_2441 : vector<512x512xf32>
    %sub3A_2443 = arith.subf %min3A_2439, %max3A_2442 : vector<512x512xf32>
    %max3A_2444 = arith.constant 0.000000e+00 : f32
    %max3A_2445 = vector.broadcast %max3A_2444 : f32 to vector<512x512xf32>
    %max3A_2446 = arith.maximumf %max3A_2445, %sub3A_2443 : vector<512x512xf32>
    %mul3A_2447 = arith.mulf %max3A_2436, %max3A_2446 : vector<512x512xf32>
    %add3A_2448 = vector.broadcast %mul3A_2411 : vector<512x1xf32> to vector<512x512xf32>
    %add3A_2449 = vector.broadcast %mul3A_2426 : vector<1x512xf32> to vector<512x512xf32>
    %add3A_2450 = arith.addf %add3A_2448, %add3A_2449 : vector<512x512xf32>
    %sub3A_2451 = arith.subf %add3A_2450, %mul3A_2447 : vector<512x512xf32>
    %add3A_2452 = arith.constant 9.99999997E-7 : f32
    %add3A_2453 = vector.broadcast %add3A_2452 : f32 to vector<512x512xf32>
    %add3A_2454 = arith.addf %sub3A_2451, %add3A_2453 : vector<512x512xf32>
    %mul3A_2455 = arith.constant 3.000000e-01 : f32
    %mul3A_2456 = vector.broadcast %mul3A_2455 : f32 to vector<512x512xf32>
    %mul3A_2457 = arith.mulf %mul3A_2456, %add3A_2454 : vector<512x512xf32>
    %gt3A_2458 = arith.cmpf ogt, %mul3A_2447, %mul3A_2457 : vector<512x512xf32>
    %and3A_2459 = arith.andi %gt3A_2458, %gt3A : vector<512x512xi1>
    %jit3A_2460 = arith.constant 1.000000e+00 : f32
    %jit3A_2461 = arith.constant 0.000000e+00 : f32
    %broadcast_in_dim3A_2462 = vector.broadcast %jit3A_2460 : f32 to vector<512x512xf32>
    %broadcast_in_dim3A_2463 = vector.broadcast %jit3A_2461 : f32 to vector<512x512xf32>
    %select_n3A_2464 = arith.select %and3A_2459, %broadcast_in_dim3A_2462, %broadcast_in_dim3A_2463 : vector<512x512xi1>, vector<512x512xf32>
    %swap3A_2465 = arith.constant 0 : index
    %swap3A_2466 = arith.constant 0 : index
    %swap3A_2467 = vector.load %arg4[%swap3A_2465, %swap3A_2466] : memref<512x512xf32, #tpu.memory_space<vmem>>, vector<512x512xf32>
    tpu.vector_store %arg4[%swap3A_2465, %swap3A_2466], %select_n3A_2464 {strides = array<i32>} : memref<512x512xf32, #tpu.memory_space<vmem>>, vector<512x512xf32>,
    %get3A_2468 = arith.constant 0 : index
    %get3A_2469 = arith.constant 4608 : index
    %get3A_2470 = vector.load %arg3[%get3A_2468, %get3A_2469] : memref<1x5120xf32, #tpu.memory_space<vmem>>, vector<1x512xf32>
    %get3A_2471 = arith.constant 0 : index
    %get3A_2472 = arith.constant 0 : index
    %get3A_2473 = vector.load %arg4[%get3A_2471, %get3A_2472] : memref<512x512xf32, #tpu.memory_space<vmem>>, vector<512x512xf32>
    %dot_general3A_2474 = arith.constant dense<0.000000e+00> : vector<1x512xf32>
    %dot_general3A_2475 = tpu.matmul %get3A_2470, %get3A_2473, %dot_general3A_2474 {dimension_numbers = #tpu.dot_dimension_numbers<[1], [0], [0], [1], [0, 0, 1, 1], [], []>, transpose_lhs_hint = false} : vector<1x512xf32>, vector<512x512xf32>, vector<1x512xf32> -> vector<1x512xf32>
    %lt3A_2476 = arith.constant 5.000000e-01 : f32
    %lt3A_2477 = vector.broadcast %lt3A_2476 : f32 to vector<1x512xf32>
    %lt3A_2478 = arith.cmpf olt, %dot_general3A_2475, %lt3A_2477 : vector<1x512xf32>
    %jit3A_2479 = arith.constant 1.000000e+00 : f32
    %jit3A_2480 = arith.constant 0.000000e+00 : f32
    %broadcast_in_dim3A_2481 = vector.broadcast %jit3A_2479 : f32 to vector<1x512xf32>
    %broadcast_in_dim3A_2482 = vector.broadcast %jit3A_2480 : f32 to vector<1x512xf32>
    %select_n3A_2483 = arith.select %lt3A_2478, %broadcast_in_dim3A_2481, %broadcast_in_dim3A_2482 : vector<1x512xi1>, vector<1x512xf32>
    %mul3A_2484 = arith.mulf %get3A_2470, %select_n3A_2483 : vector<1x512xf32>
    %get3A_2485 = arith.constant 0 : index
    %get3A_2486 = arith.constant 0 : index
    %get3A_2487 = vector.load %arg4[%get3A_2485, %get3A_2486] : memref<512x512xf32, #tpu.memory_space<vmem>>, vector<512x512xf32>
    %dot_general3A_2488 = arith.constant dense<0.000000e+00> : vector<1x512xf32>
    %dot_general3A_2489 = tpu.matmul %mul3A_2484, %get3A_2487, %dot_general3A_2488 {dimension_numbers = #tpu.dot_dimension_numbers<[1], [0], [0], [1], [0, 0, 1, 1], [], []>, transpose_lhs_hint = false} : vector<1x512xf32>, vector<512x512xf32>, vector<1x512xf32> -> vector<1x512xf32>
    %lt3A_2490 = arith.constant 5.000000e-01 : f32
    %lt3A_2491 = vector.broadcast %lt3A_2490 : f32 to vector<1x512xf32>
    %lt3A_2492 = arith.cmpf olt, %dot_general3A_2489, %lt3A_2491 : vector<1x512xf32>
    %jit3A_2493 = arith.constant 1.000000e+00 : f32
    %jit3A_2494 = arith.constant 0.000000e+00 : f32
    %broadcast_in_dim3A_2495 = vector.broadcast %jit3A_2493 : f32 to vector<1x512xf32>
    %broadcast_in_dim3A_2496 = vector.broadcast %jit3A_2494 : f32 to vector<1x512xf32>
    %select_n3A_2497 = arith.select %lt3A_2492, %broadcast_in_dim3A_2495, %broadcast_in_dim3A_2496 : vector<1x512xi1>, vector<1x512xf32>
    %mul3A_2498 = arith.mulf %get3A_2470, %select_n3A_2497 : vector<1x512xf32>
    %get3A_2499 = arith.constant 0 : index
    %get3A_2500 = arith.constant 0 : index
    %get3A_2501 = vector.load %arg4[%get3A_2499, %get3A_2500] : memref<512x512xf32, #tpu.memory_space<vmem>>, vector<512x512xf32>
    %dot_general3A_2502 = arith.constant dense<0.000000e+00> : vector<1x512xf32>
    %dot_general3A_2503 = tpu.matmul %mul3A_2498, %get3A_2501, %dot_general3A_2502 {dimension_numbers = #tpu.dot_dimension_numbers<[1], [0], [0], [1], [0, 0, 1, 1], [], []>, transpose_lhs_hint = false} : vector<1x512xf32>, vector<512x512xf32>, vector<1x512xf32> -> vector<1x512xf32>
    %lt3A_2504 = arith.constant 5.000000e-01 : f32
    %lt3A_2505 = vector.broadcast %lt3A_2504 : f32 to vector<1x512xf32>
    %lt3A_2506 = arith.cmpf olt, %dot_general3A_2503, %lt3A_2505 : vector<1x512xf32>
    %jit3A_2507 = arith.constant 1.000000e+00 : f32
    %jit3A_2508 = arith.constant 0.000000e+00 : f32
    %broadcast_in_dim3A_2509 = vector.broadcast %jit3A_2507 : f32 to vector<1x512xf32>
    %broadcast_in_dim3A_2510 = vector.broadcast %jit3A_2508 : f32 to vector<1x512xf32>
    %select_n3A_2511 = arith.select %lt3A_2506, %broadcast_in_dim3A_2509, %broadcast_in_dim3A_2510 : vector<1x512xi1>, vector<1x512xf32>
    %mul3A_2512 = arith.mulf %get3A_2470, %select_n3A_2511 : vector<1x512xf32>
    %get3A_2513 = arith.constant 0 : index
    %get3A_2514 = arith.constant 0 : index
    %get3A_2515 = vector.load %arg4[%get3A_2513, %get3A_2514] : memref<512x512xf32, #tpu.memory_space<vmem>>, vector<512x512xf32>
    %dot_general3A_2516 = arith.constant dense<0.000000e+00> : vector<1x512xf32>
    %dot_general3A_2517 = tpu.matmul %mul3A_2512, %get3A_2515, %dot_general3A_2516 {dimension_numbers = #tpu.dot_dimension_numbers<[1], [0], [0], [1], [0, 0, 1, 1], [], []>, transpose_lhs_hint = false} : vector<1x512xf32>, vector<512x512xf32>, vector<1x512xf32> -> vector<1x512xf32>
    %lt3A_2518 = arith.constant 5.000000e-01 : f32
    %lt3A_2519 = vector.broadcast %lt3A_2518 : f32 to vector<1x512xf32>
    %lt3A_2520 = arith.cmpf olt, %dot_general3A_2517, %lt3A_2519 : vector<1x512xf32>
    %jit3A_2521 = arith.constant 1.000000e+00 : f32
    %jit3A_2522 = arith.constant 0.000000e+00 : f32
    %broadcast_in_dim3A_2523 = vector.broadcast %jit3A_2521 : f32 to vector<1x512xf32>
    %broadcast_in_dim3A_2524 = vector.broadcast %jit3A_2522 : f32 to vector<1x512xf32>
    %select_n3A_2525 = arith.select %lt3A_2520, %broadcast_in_dim3A_2523, %broadcast_in_dim3A_2524 : vector<1x512xi1>, vector<1x512xf32>
    %mul3A_2526 = arith.mulf %get3A_2470, %select_n3A_2525 : vector<1x512xf32>
    %while3A_2527:2 = scf.while (%while3A_2549 = %mul3A_2526, %while3A_2550 = %mul3A_2512) : (vector<1x512xf32>, vector<1x512xf32>) -> (vector<1x512xf32>, vector<1x512xf32>) {
      %ne3A = arith.cmpf one, %while3A_2549, %while3A_2550 : vector<1x512xf32>
      %reduce_or3A = arith.constant 1.000000e+00 : f32
      %reduce_or3A_2551 = arith.constant 0.000000e+00 : f32
      %reduce_or3A_2552 = vector.broadcast %reduce_or3A : f32 to vector<1x512xf32>
      %reduce_or3A_2553 = vector.broadcast %reduce_or3A_2551 : f32 to vector<1x512xf32>
      %reduce_or3A_2554 = arith.select %ne3A, %reduce_or3A_2552, %reduce_or3A_2553 : vector<1x512xi1>, vector<1x512xf32>
      %reduce_or3A_2555 = vector.shape_cast %reduce_or3A_2554 : vector<1x512xf32> to vector<1x1x512xf32>
      %reduce_or3A_2556 = arith.constant dense<0xFF800000> : vector<1xf32>
      %reduce_or3A_2557 = vector.multi_reduction <maximumf>, %reduce_or3A_2555, %reduce_or3A_2556 [1, 2] : vector<1x1x512xf32> to vector<1xf32>
      %reduce_or3A_2558 = vector.shape_cast %reduce_or3A_2557 : vector<1xf32> to vector<1x1x1xf32>
      %reduce_or3A_2559 = vector.extract %reduce_or3A_2558[0, 0, 0] : f32 from vector<1x1x1xf32>
      %reduce_or3A_2560 = arith.constant 0.000000e+00 : f32
      %reduce_or3A_2561 = arith.cmpf ogt, %reduce_or3A_2559, %reduce_or3A_2560 : f32
      scf.condition(%reduce_or3A_2561) %while3A_2549, %while3A_2550 : vector<1x512xf32>, vector<1x512xf32>
    } do {
    ^bb0(%while3A_2549: vector<1x512xf32>, %while3A_2550: vector<1x512xf32>):
      %get3A_2551 = arith.constant 0 : index
      %get3A_2552 = arith.constant 0 : index
      %get3A_2553 = vector.load %arg4[%get3A_2551, %get3A_2552] : memref<512x512xf32, #tpu.memory_space<vmem>>, vector<512x512xf32>
      %dot_general3A_2554 = arith.constant dense<0.000000e+00> : vector<1x512xf32>
      %dot_general3A_2555 = tpu.matmul %while3A_2549, %get3A_2553, %dot_general3A_2554 {dimension_numbers = #tpu.dot_dimension_numbers<[1], [0], [0], [1], [0, 0, 1, 1], [], []>, transpose_lhs_hint = false} : vector<1x512xf32>, vector<512x512xf32>, vector<1x512xf32> -> vector<1x512xf32>
      %lt3A_2556 = arith.constant 5.000000e-01 : f32
      %lt3A_2557 = vector.broadcast %lt3A_2556 : f32 to vector<1x512xf32>
      %lt3A_2558 = arith.cmpf olt, %dot_general3A_2555, %lt3A_2557 : vector<1x512xf32>
      %jit3A_2559 = arith.constant 1.000000e+00 : f32
      %jit3A_2560 = arith.constant 0.000000e+00 : f32
      %broadcast_in_dim3A_2561 = vector.broadcast %jit3A_2559 : f32 to vector<1x512xf32>
      %broadcast_in_dim3A_2562 = vector.broadcast %jit3A_2560 : f32 to vector<1x512xf32>
      %select_n3A_2563 = arith.select %lt3A_2558, %broadcast_in_dim3A_2561, %broadcast_in_dim3A_2562 : vector<1x512xi1>, vector<1x512xf32>
      %mul3A_2564 = arith.mulf %get3A_2470, %select_n3A_2563 : vector<1x512xf32>
      scf.yield %mul3A_2564, %while3A_2549 : vector<1x512xf32>, vector<1x512xf32>
    }
    %swap3A_2528 = arith.constant 0 : index
    %swap3A_2529 = arith.constant 4608 : index
    %swap3A_2530 = vector.load %arg3[%swap3A_2528, %swap3A_2529] : memref<1x5120xf32, #tpu.memory_space<vmem>>, vector<1x512xf32>
    tpu.vector_store %arg3[%swap3A_2528, %swap3A_2529], %while3A_2527#0 {strides = array<i32>} : memref<1x5120xf32, #tpu.memory_space<vmem>>, vector<1x512xf32>,
    %dot_general3A_2531 = arith.constant dense<0.000000e+00> : vector<512x1xf32>
    %dot_general3A_2532 = tpu.matmul %select_n3A, %while3A_2527#0, %dot_general3A_2531 {dimension_numbers = #tpu.dot_dimension_numbers<[1], [1], [0], [0], [0, 0, 1, 0], [], []>, transpose_lhs_hint = false} : vector<512x512xf32>, vector<1x512xf32>, vector<512x1xf32> -> vector<512x1xf32>
    %get3A_2533 = arith.constant 4608 : index
    %get3A_2534 = arith.constant 0 : index
    %get3A_2535 = vector.load %arg0[%get3A_2533, %get3A_2534] : memref<5120x8xf32, #tpu.memory_space<vmem>>, vector<392x4xf32>
    %slice3A = vector.extract_strided_slice %dot_general3A_2532 {offsets = [0, 0], sizes = [392, 1], strides = [1, 1]} : vector<512x1xf32> to vector<392x1xf32>
    %mul3A_2536 = vector.broadcast %slice3A : vector<392x1xf32> to vector<392x4xf32>
    %mul3A_2537 = arith.mulf %get3A_2535, %mul3A_2536 : vector<392x4xf32>
    %swap3A_2538 = arith.constant 4608 : index
    %swap3A_2539 = arith.constant 0 : index
    %swap3A_2540 = vector.load %arg2[%swap3A_2538, %swap3A_2539] : memref<5000x5xf32, #tpu.memory_space<vmem>>, vector<392x4xf32>
    tpu.vector_store %arg2[%swap3A_2538, %swap3A_2539], %mul3A_2537 {strides = array<i32>} : memref<5000x5xf32, #tpu.memory_space<vmem>>, vector<392x4xf32>,
    %get3A_2541 = arith.constant 4608 : index
    %get3A_2542 = arith.constant 4 : index
    %get3A_2543 = vector.load %arg0[%get3A_2541, %get3A_2542] : memref<5120x8xf32, #tpu.memory_space<vmem>>, vector<392x1xf32>
    %slice3A_2544 = vector.extract_strided_slice %dot_general3A_2532 {offsets = [0, 0], sizes = [392, 1], strides = [1, 1]} : vector<512x1xf32> to vector<392x1xf32>
    %mul3A_2545 = arith.mulf %get3A_2543, %slice3A_2544 : vector<392x1xf32>
    %swap3A_2546 = arith.constant 4608 : index
    %swap3A_2547 = arith.constant 4 : index
    %swap3A_2548 = vector.load %arg2[%swap3A_2546, %swap3A_2547] : memref<5000x5xf32, #tpu.memory_space<vmem>>, vector<392x1xf32>
    tpu.vector_store %arg2[%swap3A_2546, %swap3A_2547], %mul3A_2545 {strides = array<i32>} : memref<5000x5xf32, #tpu.memory_space<vmem>>, vector<392x1xf32>,
    return
  }
}

</mosaic_0001>

<sc_bundles>
// kernel: kernel.4.cloned.1.call-start
scs
__scs_entry_jumppad:
0x0: {  	(pc) =	sbr.rel $0x88, $3  }
0x1: {  	(tag) =	ssettag $0x0;
	lr =	simm.s32 $0x1  }
0x2: {  	[smem:$0x3F9F] =	sst lr;
	_ =	strace $0xD0000000  }
0x3: {  	_ = 	snop  }
0x4: {  	_ = 	snop  }
0x5: {  	_ = 	snop  }
0x6: {  	_ = 	snop  }
0x7: {  	_ = 	snop  }
__scs_overlays_trampoline_lowered:
0x8: {  	[smem:$0x3FAE] =	sst s0  }
0x9: {  	[smem:$0x3FAF] =	sst s1  }
0xa: {  	[smem:$0x3FB0] =	sst s2  }
0xb: {  	[smem:$0x3FB1] =	sst s3  }
0xc: {  	[smem:$0x3FB2] =	sst s4  }
0xd: {  	[smem:$0x3FB3] =	sst s5  }
0xe: {  	[smem:$0x3FB4] =	sst s6  }
0xf: {  	[smem:$0x3FB5] =	sst s7  }
0x10: {  	[smem:$0x3FB6] =	sst s8  }
0x11: {  	[smem:$0x3FB7] =	sst s9;
	s0 =	simm.s32 @!p0 $0x0  }
0x12: {  	s1 =	sld [smem:$0x3F9D];
	s0 =	simm.s32 @p0 $0x1  }
0x13: {  	[smem:$0x3FB8] =	sst s0;
	s0 =	simm.s32 @!p1 $0x0  }
0x14: {  	s2 =	sld [smem:$0x3F9C];
	s0 =	simm.s32 @p1 $0x1  }
0x15: {  	[smem:$0x3FB9] =	sst s0;
	s0 =	simm.s32 @!p2 $0x0  }
0x16: {  	s3 =	sld [smem:$0x3FDB];
	s0 =	simm.s32 @p2 $0x1  }
0x17: {  	s4 =	simm.s32 $0x1BF5;
	[smem:$0x3FBB] =	sst s0  }
0x18: {  	s0 =	sld [smem:$0x3F9E];
	_ =	swait.ge [sflag:s4], $0x0  }
0x19: {  	s7 =	sld [smem:$0x3F9F]  }
0x1a: {  	s8 =	sadd.s32 $0xFFFFE003, lr  }
0x1b: {  	s9 =	sadd.s32 $0xFFFFFEF7, lr;
	s5 =	simm.s32 $0xFFFFFFFF;
	p2 =	slt.u32 s8, $0xFFFFF086  }
0x1c: {  	p1 =	slt.u32 s9, $0xF7A;
	s5 =	simm.s32 @!p2 $0x0  }
0x1d: {  	s5 =	simm.s32 @p1 $0x1;
	p0 =	seq.s32 s7, s2  }
0x1e: {  	s7 =	smul.u32 @!p0 $0xF7A, s2;
	p2 =	seq.s32 @!p0 s5, $0x0  }
0x1f: {  	s9 =	smul.u32 $0xF7A, s1;
	s8 =	simm.s32 @!p0 $0x1BF5;
	p2 =	por !p2, p0  }
0x20: {  	[sflag:s8] =	ssyncset.s32 @!p0 $0xFFFFF086;
	s6 =	sadd.s32 @!p0 s3, s7;
	s7 =	simm.s32 @!p0 $0x108  }
0x21: {  	s3 =	sadd.s32 s3, s9;
	s6 =	sadd.s32 @!p0 $0x88, s6;
	s7 =	simm.s32 @p2 $0x1082  }
0x22: {  	[simem:s7], [sflag:s8] =	dma.local @!p0 [hbm:s6], $0xF7A  }
0x23: {  	s9 =	sor.u32 $0xD0000000, s2;
	s6 =	simm.s32 $0x108;
	_ =	swait.ge @!p0 [sflag:s8], $0x0  }
0x24: {  	s3 =	sadd.s32 $0x88, s3;
	s6 =	simm.s32 @!p1 $0x1082;
	[sflag:s4] =	ssyncset.s32 $0xFFFFF086  }
0x25: {  	[simem:s6], [sflag:s4] =	dma.local [hbm:s3], $0xF7A  }
0x26: {  	[smem:$0x3F9F] =	sst s1;
	(tag) =	ssettag s2;
	_ =	strace s9  }
0x27: {  	s1 =	sld [smem:$0x3FAF]  }
0x28: {  	s2 =	sld [smem:$0x3FB0]  }
0x29: {  	s4 =	sld [smem:$0x3FB2]  }
0x2a: {  	p0 =	seq.s32 s5, $0x0;
	s5 =	sld [smem:$0x3FB3]  }
0x2b: {  	s6 =	sld [smem:$0x3FB4]  }
0x2c: {  	s7 =	sld [smem:$0x3FB5]  }
0x2d: {  	s3 =	simm.s32 $0x108;
	s8 =	sld [smem:$0x3FB6]  }
0x2e: {  	s3 =	simm.s32 @!p0 $0x1082;
	s9 =	sld [smem:$0x3FB7]  }
0x2f: {  	lr =	sadd.s32 s0, s3;
	s0 =	sld [smem:$0x3FAE]  }
0x30: {  	s3 =	sld [smem:$0x3FB1]  }
0x31: {  	[smem:$0x3FBA] =	sst s10  }
0x32: {  	s10 =	sld [smem:$0x3FB8];
	_ =	sdelay $0x3  }
0x33: {  	p0 =	seq.s32 s10, $0x1;
	s10 =	sld [smem:$0x3FBA];
	_ =	sdelay $0x3  }
0x34: {  	[smem:$0x3FBA] =	sst s10  }
0x35: {  	s10 =	sld [smem:$0x3FB9];
	_ =	sdelay $0x3  }
0x36: {  	p1 =	seq.s32 s10, $0x1;
	s10 =	sld [smem:$0x3FBA];
	_ =	sdelay $0x3  }
0x37: {  	[smem:$0x3FBA] =	sst s10  }
0x38: {  	s10 =	sld [smem:$0x3FBB]  }
0x39: {  	_ = 	snop;
	(pc) =	sbr.ind lr, $3  }
0x3a: {  	_ = 	snop  }
0x3b: {  	_ = 	snop  }
0x3c: {  	p2 =	seq.s32 s10, $0x1;
	s10 =	sld [smem:$0x3FBA]  }
0x3d: {  	_ =	shalt  }
0x3e: {  	_ =	shalt  }
0x3f: {  	_ =	shalt  }
0x40: {  	_ =	shalt  }
0x41: {  	_ =	shalt  }
0x42: {  	_ =	shalt  }
0x43: {  	_ =	shalt  }
0x44: {  	_ =	shalt  }
0x45: {  	_ =	shalt  }
0x46: {  	_ =	shalt  }
0x47: {  	_ =	shalt  }
0x48: {  	_ =	shalt  }
0x49: {  	_ =	shalt  }
0x4a: {  	_ =	shalt  }
0x4b: {  	_ =	shalt  }
0x4c: {  	_ =	shalt  }
0x4d: {  	_ =	shalt  }
0x4e: {  	_ =	shalt  }
0x4f: {  	_ =	shalt  }
0x50: {  	_ =	shalt  }
0x51: {  	_ =	shalt  }
0x52: {  	_ =	shalt  }
0x53: {  	_ =	shalt  }
0x54: {  	_ =	shalt  }
0x55: {  	_ =	shalt  }
0x56: {  	_ =	shalt  }
0x57: {  	_ =	shalt  }
0x58: {  	_ =	shalt  }
0x59: {  	_ =	shalt  }
0x5a: {  	_ =	shalt  }
0x5b: {  	_ =	shalt  }
0x5c: {  	_ =	shalt  }
0x5d: {  	_ =	shalt  }
0x5e: {  	_ =	shalt  }
0x5f: {  	_ =	shalt  }
0x60: {  	_ =	shalt  }
0x61: {  	_ =	shalt  }
0x62: {  	_ =	shalt  }
0x63: {  	_ =	shalt  }
0x64: {  	_ =	shalt  }
0x65: {  	_ =	shalt  }
0x66: {  	_ =	shalt  }
0x67: {  	_ =	shalt  }
0x68: {  	_ =	shalt  }
0x69: {  	_ =	shalt  }
0x6a: {  	_ =	shalt  }
0x6b: {  	_ =	shalt  }
0x6c: {  	_ =	shalt  }
0x6d: {  	_ =	shalt  }
0x6e: {  	_ =	shalt  }
0x6f: {  	_ =	shalt  }
0x70: {  	_ =	shalt  }
0x71: {  	_ =	shalt  }
0x72: {  	_ =	shalt  }
0x73: {  	_ =	shalt  }
0x74: {  	_ =	shalt  }
0x75: {  	_ =	shalt  }
0x76: {  	_ =	shalt  }
0x77: {  	_ =	shalt  }
0x78: {  	_ =	shalt  }
0x79: {  	_ =	shalt  }
0x7a: {  	_ =	shalt  }
0x7b: {  	_ =	shalt  }
0x7c: {  	_ =	shalt  }
0x7d: {  	_ =	shalt  }
0x7e: {  	_ =	shalt  }
0x7f: {  	_ =	shalt  }
0x80: {  	_ =	shalt  }
0x81: {  	_ =	shalt  }
0x82: {  	_ =	shalt  }
0x83: {  	_ =	shalt  }
0x84: {  	_ =	shalt  }
0x85: {  	_ =	shalt  }
0x86: {  	_ =	shalt  }
0x87: {  	_ =	shalt  }
.Lfunc_end0:
.L_simem_size_0:
called_computation_lowered:
.L_overlay_start_0:
0x88: {  	s2 =	sld [smem:$0x3FD9]  }
0x89: {  	s3 =	sld [smem:$0x3FFE];
	_ =	sdelay $0x1  }
0x8a: {  	s1 =	srdreg.scid  }
0x8b: {  	s0 =	sand.u32 $0x1, s1  }
0x8c: {  	s17 =	sshll.u32 s0, $0xA;
	s2 =	sadd.s32 s3, s2  }
0x8d: {  	s2 =	sadd.s32 s2, s17  }
0x8e: {  	[smem:$0x3FC6] =	sst s2  }
0x8f: {  	_ = 	snop  }
0x90: {  	s2 =	sld [smem:$0x3FD0];
	(tm) =	ssettm $0x1  }
0x91: {  	s18 =	sld [smem:$0x3FFB];
	_ =	sdelay $0x3  }
0x92: {  	_ =	strace s18  }
0x93: {  	s3 =	sld [smem:$0x3FFC];
	_ =	sdelay $0x3  }
0x94: {  	_ =	strace s3  }
0x95: {  	s3 =	sld [smem:$0x3FFD];
	_ =	sdelay $0x3  }
0x96: {  	_ =	strace s3  }
0x97: {  	_ =	strace $0x8FFFFFFF  }
0x98: {  	s19 =	sld [smem:$0x3FDB];
	_ =	sdelay $0x1  }
0x99: {  	s4 =	simm.s32 $_scs_section_size  }
0x9a: {  	s5 =	simm.s32 $_size__tile_overlayer_lowered;
	s6 =	simm.s32 $_tile_overlayer_lowered  }
0x9b: {  	s22 =	simm.s32 $0x1BFF;
	s21 =	sshll.u32 s6, $0x1;
	s3 =	sadd.s32 s4, s19  }
0x9c: {  	s7 =	simm.s32 $0x0;
	s20 =	sshll.u32 s5, $0x1;
	s5 =	sadd.s32 s21, s3  }
0x9d: {  	[timem:s7], [sflag:s22] =	dma.local [hbm:s5], s20  }
0x9e: {  	_ =	swait.ge [sflag:s22], s20  }
0x9f: {  	s4 =	ssub.s32 $0x0, s20;
	[sflag:s22] =	ssyncset.done $0x0  }
0xa0: {  	[sflag:s22] =	ssyncadd.s32 s4;
	_ =	sdelay $0x1  }
0xa1: {  	s23 =	simm.s32 $0x1B8B  }
0xa2: {  	_ =	swait.ge [sflag:s23], $0x1  }
0xa3: {  	[sflag:s23] =	ssyncset.done $0x0  }
0xa4: {  	s25 =	simm.s32 $0x1B8E;
	s24 =	sld [smem:$0x3FFE];
	[sflag:s23] =	ssyncadd.s32 $0xFFFFFFFF  }
0xa5: {  	s26 =	simm.s32 $execute0_lowered;
	[smem:$0x3FD2] =	sst s25  }
0xa6: {  	s5 =	sshll.u32 s26, $0x1;
	_ =	strace $0x80000046;
	[dreg:$0x1] =	wrdreg $0xFFFFFFFF  }
0xa7: {  	s28 =	simm.s32 $_size_execute0_lowered;
	s3 =	sadd.s32 s3, s5;
	[dreg:$0x0] =	wrdreg $0x0  }
0xa8: {  	s5 =	sshll.u32 s28, $0x1;
	[dreg:$0x2] =	wrdreg s3  }
0xa9: {  	[dreg:$0x3] =	wrdreg s5  }
0xaa: {  	[dreg:$0x4] =	wrdreg $0xC0  }
0xab: {  	_ =	task [dreg:s7], $0x5FFFF  }
0xac: {  	[dreg:$0x1] =	wrdreg $0xFFFFFFFF  }
0xad: {  	[dreg:$0x0] =	wrdreg $0x60  }
0xae: {  	[dreg:$0x2] =	wrdreg s2  }
0xaf: {  	[dreg:$0x3] =	wrdreg s24  }
0xb0: {  	[dreg:$0x4] =	wrdreg $0x9  }
0xb1: {  	_ =	task.clear_ibuf [dreg:s7], $0x5FFFF;
	_ =	strace $0x90000046  }
0xb2: {  	s29 =	simm.s32 $0x9;
	_ =	strace $0x80000048  }
0xb3: {  	_ =	swait.ge [sflag:s29], $0x1  }
0xb4: {  	[sflag:s29] =	ssyncadd.s32 $0xFFFFFFFF  }
0xb5: {  	_ =	strace $0x90000048  }
0xb6: {  	_ =	sfence  }
0xb7: {  	s30 =	sld [smem:$0x0];
	_ =	sdelay $0x2  }
0xb8: {  	s31 =	sshll.u32 s1, $0xD;
	s1 =	sshrl.u32 s1, $0x2  }
0xb9: {  	s3 =	sand.u32 $0x4000, s31;
	s1 =	sadd.s32 s1, s30  }
0xba: {  	s0 =	sor.u32 s3, s0;
	s1 =	sshll.u32 s1, $0x11  }
0xbb: {  	s0 =	sor.u32 s1, s0  }
0xbc: {  	s0 =	sadd.s32 $0x8F2B, s0  }
0xbd: {  	[sflag:s0] =	ssyncadd.remote.s32 $0x1  }
0xbe: {  	_ =	sfence.sel $0xFFFF  }
0xbf: {  	[dreg:$0x0] =	wrdreg $0xFFFFFFFF;
	(pc) =	sbr.abs _section_cstart, $3  }
0xc0: {  	[dreg:$0x1] =	wrdreg $0xFFFFFFFF  }
0xc1: {  	_ =	task.clear_ibuf [dreg:s7], $0x2FFFF;
	_ =	strace $0x9FFFFFFF  }
0xc2: {  	(tm) =	ssettm $0x7FFFFFFF  }
0xc3: {  	_ =	shalt  }
tec
execute0_lowered:
.L_overlay_start_1:
0x0: {  	(tag) =	ssettag $0x1  }
0x1: {  	s1 =	srdreg.scid;
	s0 =	stileid.u32  }
0x2: {  	s11 =	sand.u32 $0x1, s1;
	s29 =	sshll.u32 s0, $0x1  }
0x3: {  	s2 =	rddreg [dreg:$0x0];
	s1 =	sor.u32 s11, s29  }
0x4: {  	s10 =	rddreg [dreg:$0x1];
	s3 =	simm.s32 $0x0;
	s12 =	smul.u32 $0xA0, s1  }
0x5: {  	[smem:$0x7FF] =	sst s3  }
0x6: {  	s1 =	rddreg [dreg:$0x2];
	s4 =	sshrl.u32 s12, $0x3  }
0x7: {  	_ =	strace $0x80000047;
	s5 =	sadd.s32 s10, s4;
	s4 =	simm.s32 $0x2  }
0x8: {  	[tilespmem:s3], [sflag:$0x2] =	stream.linear.gather [hbm4b:s5+s3], $0x50, $0x38;
	[tilespmem:$0x5A0] =	vst v63  }
0x9: {  	s13 =	sadd.s32 $0x50, s12;
	_ =	swait.ge [sflag:s4], $0x50  }
0xa: {  	s6 =	sshrl.u32 s13, $0x3;
	[sflag:s4] =	ssyncset.done $0x0  }
0xb: {  	s7 =	simm.s32 $0x50;
	s6 =	sadd.s32 s10, s6;
	[sflag:s4] =	ssyncadd.s32 $0xFFFFFFB0  }
0xc: {  	[tilespmem:s7], [sflag:$0x2] =	stream.linear.gather [hbm4b:s6+s3], $0x50, $0x38;
	[tilespmem:$0x5A0] =	vst v63  }
0xd: {  	_ =	swait.ge [sflag:s4], $0x50  }
0xe: {  	[sflag:s4] =	ssyncset.done $0x0  }
0xf: {  	s8 =	simm.s32 $0xA0;
	s9 =	simm.s32 $0x1;
	[sflag:s4] =	ssyncadd.s32 $0xFFFFFFB0  }
0x10: {  	[tilespmem:s8], [sflag:$0x1] =	stream.indirect.gather [hbm4b:s2+s7], $0x8, s3, s7, $0xb8;
	[tilespmem:$0x5A0] =	vst v63  }
0x11: {  	_ =	swait.ge [sflag:s9], $0x280  }
0x12: {  	s14 =	sadd.s32 $0x400, s10;
	[sflag:s9] =	ssyncset.done $0x0  }
0x13: {  	s30 =	ssub.s32 $0x2, s11;
	s10 =	sadd.s32 s14, s12;
	[sflag:s9] =	ssyncadd.s32 $0xFFFFFD80  }
0x14: {  	[hbm4b:s10+s3] =	stream.linear.scatter [tilespmem:s8], [sflag:$0x2], $0x280, $0x38;
	[tilespmem:$0x5A0] =	vst v63  }
0x15: {  	s15 =	sshrl.u32 s30, $0x1;
	_ =	swait.ge [sflag:s4], $0x280  }
0x16: {  	s15 =	ssub.s32 s30, s15;
	[sflag:s4] =	ssyncset.done $0x0  }
0x17: {  	s11 =	simm.s32 $0x320;
	s31 =	smax.u32 s15, $0x1;
	[sflag:s4] =	ssyncadd.s32 $0xFFFFFD80  }
0x18: {  	[tilespmem:s11], [sflag:$0x1] =	stream.indirect.gather [hbm4b:s2+s7], $0x8, s7, s7, $0xb8;
	[tilespmem:$0x5A0] =	vst v63  }
0x19: {  	p0 =	sne.s32 s31, $0x1;
	_ =	swait.ge [sflag:s9], $0x280  }
.Ltmp0:
0x1a: {  	[sflag:s9] =	ssyncset.done $0x0;
	(pc) =	sbr.rel @!p0 .LBB2_2-.Ltmp0, $4  }
0x1b: {  	s12 =	sadd.s32 s14, s13;
	[sflag:s9] =	ssyncadd.s32 $0xFFFFFD80  }
0x1c: {  	[hbm4b:s12+s3] =	stream.linear.scatter [tilespmem:s11], [sflag:$0x2], $0x280, $0x38;
	[tilespmem:$0x5A0] =	vst v63  }
0x1d: {  	_ =	swait.ge [sflag:s4], $0x280  }
0x1e: {  	s13 =	sadd.s32 $0xFFFFFFFF, s31;
	[sflag:s4] =	ssyncset.done $0x0  }
.LBB2_1:
0x1f: {  	p0 =	sne.s32 s13, $0x1;
	s13 =	sadd.s32 $0xFFFFFFFF, s13;
	[sflag:s4] =	ssyncadd.s32 $0xFFFFFD80  }
0x20: {  	[tilespmem:s3], [sflag:$0x2] =	stream.linear.gather [hbm4b:s5+s3], $0x50, $0x38;
	[tilespmem:$0x5A0] =	vst v63  }
0x21: {  	_ =	swait.ge [sflag:s4], $0x50  }
0x22: {  	[sflag:s4] =	ssyncset.done $0x0  }
0x23: {  	[sflag:s4] =	ssyncadd.s32 $0xFFFFFFB0  }
0x24: {  	[tilespmem:s7], [sflag:$0x2] =	stream.linear.gather [hbm4b:s6+s3], $0x50, $0x38;
	[tilespmem:$0x5A0] =	vst v63  }
0x25: {  	_ =	swait.ge [sflag:s4], $0x50  }
0x26: {  	[sflag:s4] =	ssyncset.done $0x0  }
0x27: {  	[sflag:s4] =	ssyncadd.s32 $0xFFFFFFB0  }
0x28: {  	[tilespmem:s8], [sflag:$0x1] =	stream.indirect.gather [hbm4b:s2+s7], $0x8, s3, s7, $0xb8;
	[tilespmem:$0x5A0] =	vst v63  }
0x29: {  	_ =	swait.ge [sflag:s9], $0x280  }
0x2a: {  	[sflag:s9] =	ssyncset.done $0x0  }
0x2b: {  	[sflag:s9] =	ssyncadd.s32 $0xFFFFFD80  }
0x2c: {  	[hbm4b:s10+s3] =	stream.linear.scatter [tilespmem:s8], [sflag:$0x2], $0x280, $0x38;
	[tilespmem:$0x5A0] =	vst v63  }
0x2d: {  	_ =	swait.ge [sflag:s4], $0x280  }
0x2e: {  	[sflag:s4] =	ssyncset.done $0x0  }
0x2f: {  	[sflag:s4] =	ssyncadd.s32 $0xFFFFFD80  }
0x30: {  	[tilespmem:s11], [sflag:$0x1] =	stream.indirect.gather [hbm4b:s2+s7], $0x8, s7, s7, $0xb8;
	[tilespmem:$0x5A0] =	vst v63  }
0x31: {  	_ =	swait.ge [sflag:s9], $0x280  }
.Ltmp1:
0x32: {  	[sflag:s9] =	ssyncset.done $0x0;
	(pc) =	sbr.rel @p0 .LBB2_1-.Ltmp1, $4  }
0x33: {  	[sflag:s9] =	ssyncadd.s32 $0xFFFFFD80  }
0x34: {  	[hbm4b:s12+s3] =	stream.linear.scatter [tilespmem:s11], [sflag:$0x2], $0x280, $0x38;
	[tilespmem:$0x5A0] =	vst v63  }
0x35: {  	_ =	swait.ge [sflag:s4], $0x280  }
0x36: {  	[sflag:s4] =	ssyncset.done $0x0  }
.LBB2_2:
0x37: {  	[sflag:s4] =	ssyncadd.s32 $0xFFFFFD80  }
0x38: {  	_ =	sfence.sel $0x180000  }
0x39: {  	[bflag:$0x0] =	sbarrier.arrive $0xFFFF  }
0x3a: {  	p0 =	sne.s32 s0, $0x0;
	_ =	strace $0x90000047  }
0x3b: {  	s0 =	sadd.s32 @!p0 $0x100000, s1;
	[bflag:$0x2] =	sbarrier.arrive $0xFFFF  }
0x3c: {  	[sflag:s0] =	ssyncadd.tile.s32 @!p0 $0x1;
	_ =	shalt  }
.Lfunc_end2:
_tile_overlayer_lowered:
.L_overlay_start_2:
0x3d: {  	(tag) =	ssettag $0x2  }
0x3e: {  	s0 =	rddreg [dreg:$0x0];
	s2 =	stileid.u32  }
0x3f: {  	s1 =	rddreg [dreg:$0x1];
	p0 =	sne.s32 s2, $0x0  }
0x40: {  	s3 =	rddreg [dreg:$0x2];
	[bflag:$0x3] =	sbarrier.arrive $0xFFFF;
	s2 =	simm.s32 @!p0 $0x1C02  }
0x41: {  	[timem:s3], [sflag:s2] =	dma.local @!p0 [hbm:s0], s1  }
0x42: {  	s0 =	simm.s32 @!p0 $0x2  }
0x43: {  	_ =	swait.ge @!p0 [sflag:s0], s1  }
0x44: {  	s1 =	ssub.s32 @!p0 $0x0, s1;
	[sflag:s0] =	ssyncset.done @!p0 $0x0  }
0x45: {  	[sflag:s0] =	ssyncadd.s32 @!p0 s1  }
0x46: {  	[bflag:$0x3] =	sbarrier.arrive $0xFFFF  }
0x47: {  	_ =	shalt  }

</sc_bundles>
